<compile_context>
chip_gen: v7x
topology: tpu7x:2x2x1
jax: 0.10.2.dev20260603
libtpu: 0.0.44.dev20260713+nightly
codegen_flags: <defaults>
</compile_context>

<pallas_src>
import functools

import jax
import jax.numpy as jnp
from jax import lax
from jax.experimental import pallas as pl
from jax.experimental.pallas import tpu as pltpu
from jax.experimental.pallas import tpu_sc as plsc

_B, _L, _F, _R = 32, 64, 64, 256
_NB_SC = 4
_B_TC = _B - _NB_SC
_WPB = 32 // _NB_SC

_mesh = plsc.VectorSubcoreMesh(core_axis_name="c", subcore_axis_name="s")


_LH = _L // _WPB
_FH = _F // 2


@functools.partial(
    pl.kernel,
    out_type=jax.ShapeDtypeStruct((_NB_SC, _WPB, 2, _F, _R), jnp.float32),
    mesh=_mesh,
    scratch_types=[
        pltpu.VMEM((2, _FH, _R), jnp.float32),
        pltpu.VMEM((_F, _R), jnp.float32),
        pltpu.VMEM((_F, _R), jnp.float32),
        pltpu.VMEM((2, _L, 16), jnp.float32),
        pltpu.SemaphoreType.DMA,
        pltpu.SemaphoreType.DMA,
    ],
)
def _sc_reduce(x_hbm, wx_hbm, args_hbm, xbuf, acc1, acc2, wv, sem0, sem1):
    wid = lax.axis_index("s") * 2 + lax.axis_index("c")
    bi = wid // _WPB
    b = _B_TC + bi
    h = wid % _WPB
    l0 = h * _LH
    nch = 2 * _LH

    pltpu.sync_copy(wx_hbm.at[b], wv)

    zv = jnp.zeros((16,), jnp.float32)

    def zero_row(f, _):
        for c in range(_R // 16):
            acc1[f, pl.ds(c * 16, 16)] = zv
            acc2[f, pl.ds(c * 16, 16)] = zv
        return 0

    lax.fori_loop(0, _F, zero_row, 0)

    def chunk_src(k):
        return x_hbm.at[b, l0 + k // 2, pl.ds((k % 2) * _FH, _FH)]

    pltpu.async_copy(chunk_src(0), xbuf.at[0], sem0)
    pltpu.async_copy(chunk_src(1), xbuf.at[1], sem1)

    def accum(k, p, sem):
        pltpu.make_async_copy(chunk_src(k), xbuf.at[p], sem).wait()
        l = l0 + k // 2
        fb = (k % 2) * _FH
        w1 = wv[0, l, pl.ds(0, 16)]
        w2 = wv[1, l, pl.ds(0, 16)]

        def frow(f, _):
            for c in range(_R // 16):
                ds = pl.ds(c * 16, 16)
                xv = xbuf[p, f, ds]
                acc1[fb + f, ds] = acc1[fb + f, ds] + w1 * xv
                acc2[fb + f, ds] = acc2[fb + f, ds] + w2 * xv
            return 0

        lax.fori_loop(0, _FH, frow, 0)

        @pl.when(k < nch - 2)
        def _():
            pltpu.async_copy(chunk_src(k + 2), xbuf.at[p], sem)

    def step(k2, _):
        accum(2 * k2, 0, sem0)
        accum(2 * k2 + 1, 1, sem1)
        return 0

    lax.fori_loop(0, nch // 2, step, 0)

    pltpu.sync_copy(acc1, args_hbm.at[bi, h, 0])
    pltpu.sync_copy(acc2, args_hbm.at[bi, h, 1])


def _tc_body(ws_ref, wv_ref, x_ref, m_ref, rf_ref, rr_ref,
             car_ref, cdr_ref, cons_ref, max_ref):
    g = pl.program_id(0)

    for i in range(2):
        b = g * 2 + i

        def step(l, accs):
            a1, a2 = accs
            xl = x_ref[i, l]
            return (a1 + ws_ref[b, 0, l] * xl, a2 + ws_ref[b, 1, l] * xl)

        z = jnp.zeros((_F, _R), jnp.float32)
        a1, a2 = lax.fori_loop(0, _L, step, (z, z))
        car_ref[i] = jnp.dot(a1, m_ref[0], preferred_element_type=jnp.float32)
        cdr_ref[i] = jnp.dot(a2, m_ref[1], preferred_element_type=jnp.float32)
        cons_ref[i] = (
            jnp.dot(a1, m_ref[2], preferred_element_type=jnp.float32)
            + jnp.dot(a2, m_ref[3], preferred_element_type=jnp.float32)
            + rf_ref[i] * rr_ref[...])

    @pl.when(g == 0)
    def _():
        max_ref[...] = jnp.max(wv_ref[...], axis=-1)


def _tc_tail(args_ref, m_ref, rf_ref, rr_ref, car_ref, cdr_ref, cons_ref):
    a1 = args_ref[0, 0, 0]
    a2 = args_ref[0, 0, 1]
    for h in range(1, _WPB):
        a1 = a1 + args_ref[0, h, 0]
        a2 = a2 + args_ref[0, h, 1]
    car_ref[0] = jnp.dot(a1, m_ref[0], preferred_element_type=jnp.float32)
    cdr_ref[0] = jnp.dot(a2, m_ref[1], preferred_element_type=jnp.float32)
    cons_ref[0] = (
        jnp.dot(a1, m_ref[2], preferred_element_type=jnp.float32)
        + jnp.dot(a2, m_ref[3], preferred_element_type=jnp.float32)
        + rf_ref[0] * rr_ref[...])


def kernel(x, arg1_weight, arg2_weight, root_filler, D_l, D_r, E_l, E_r, root_role):
    B, L, F, R = _B, _L, _F, _R
    W = jnp.stack([arg1_weight, arg2_weight], axis=1)
    mats = jnp.stack([D_l.T, D_r.T, E_l.T, E_r.T], axis=0)
    rf = root_filler.reshape(B, F, 1)
    rr = root_role.reshape(1, R)

    Wx = jnp.broadcast_to(W[..., None], (B, 2, L, 16))
    args_sc = _sc_reduce(x, Wx)

    car_tc, cdr_tc, cons_tc, maxes = pl.pallas_call(
        _tc_body,
        grid=(_B_TC // 2,),
        in_specs=[
            pl.BlockSpec(memory_space=pltpu.SMEM),
            pl.BlockSpec((B, 2, L), lambda g: (0, 0, 0)),
            pl.BlockSpec((2, L, F, R), lambda g: (g, 0, 0, 0)),
            pl.BlockSpec((4, R, R), lambda g: (0, 0, 0)),
            pl.BlockSpec((2, F, 1), lambda g: (g, 0, 0)),
            pl.BlockSpec((1, R), lambda g: (0, 0)),
        ],
        out_specs=[
            pl.BlockSpec((2, F, R), lambda g: (g, 0, 0)),
            pl.BlockSpec((2, F, R), lambda g: (g, 0, 0)),
            pl.BlockSpec((2, F, R), lambda g: (g, 0, 0)),
            pl.BlockSpec((B, 2), lambda g: (0, 0)),
        ],
        out_shape=[
            jax.ShapeDtypeStruct((_B_TC, F, R), jnp.float32),
            jax.ShapeDtypeStruct((_B_TC, F, R), jnp.float32),
            jax.ShapeDtypeStruct((_B_TC, F, R), jnp.float32),
            jax.ShapeDtypeStruct((B, 2), jnp.float32),
        ],
    )(W, W, x, mats, rf, rr)

    car_sc, cdr_sc, cons_sc = pl.pallas_call(
        _tc_tail,
        grid=(_NB_SC,),
        in_specs=[
            pl.BlockSpec((1, _WPB, 2, F, R), lambda b: (b, 0, 0, 0, 0)),
            pl.BlockSpec((4, R, R), lambda b: (0, 0, 0)),
            pl.BlockSpec((1, F, 1), lambda b: (_B_TC + b, 0, 0)),
            pl.BlockSpec((1, R), lambda b: (0, 0)),
        ],
        out_specs=[
            pl.BlockSpec((1, F, R), lambda b: (b, 0, 0)),
            pl.BlockSpec((1, F, R), lambda b: (b, 0, 0)),
            pl.BlockSpec((1, F, R), lambda b: (b, 0, 0)),
        ],
        out_shape=[
            jax.ShapeDtypeStruct((_NB_SC, F, R), jnp.float32),
            jax.ShapeDtypeStruct((_NB_SC, F, R), jnp.float32),
            jax.ShapeDtypeStruct((_NB_SC, F, R), jnp.float32),
        ],
    )(args_sc, mats, rf, rr)

    car = jnp.concatenate([car_tc, car_sc], axis=0)
    cdr = jnp.concatenate([cdr_tc, cdr_sc], axis=0)
    cons = jnp.concatenate([cons_tc, cons_sc], axis=0)
    return (car, cdr, cons, maxes[:, 0], maxes[:, 1])

# --- scband reference (transcript-rebuilt; emitter-appended) ---
"""Pipeline reference for scband-diff-tree-interpreter-58669253263510 (READ-ONLY COPY).

The authoritative reference and input builder live on the scoring server;
editing this copy changes nothing except your own understanding.
"""

import jax, jax.numpy as jnp
import numpy as np

B, L, F, R = 32, 64, 64, 256

def setup_inputs(seed: int = 0) -> dict:
    key = jax.random.key(seed)
    ks = jax.random.split(key, 9)
    x = jax.random.normal(ks[0], (B, L, F, R), dtype=jnp.float32)
    a1 = jax.random.uniform(ks[1], (B, L), dtype=jnp.float32)
    a1 = a1 / jnp.sum(a1, axis=-1, keepdims=True)
    a2 = jax.random.uniform(ks[2], (B, L), dtype=jnp.float32)
    a2 = a2 / jnp.sum(a2, axis=-1, keepdims=True)
    root_filler = jax.random.normal(ks[3], (B, F), dtype=jnp.float32)
    scale = 1.0 / np.sqrt(R)
    # predefined_operations_are_random=True -> kaiming-uniform-like D_l, D_r, E_l, E_r of shape [d_role, d_role]
    D_l = jax.random.uniform(ks[4], (R, R), minval=-scale, maxval=scale, dtype=jnp.float32)
    D_r = jax.random.uniform(ks[5], (R, R), minval=-scale, maxval=scale, dtype=jnp.float32)
    E_l = jax.random.uniform(ks[6], (R, R), minval=-scale, maxval=scale, dtype=jnp.float32)
    E_r = jax.random.uniform(ks[7], (R, R), minval=-scale, maxval=scale, dtype=jnp.float32)
    root_role = jax.random.normal(ks[8], (R,), dtype=jnp.float32) / np.sqrt(R)
    return {"x": x, "arg1_weight": a1, "arg2_weight": a2, "root_filler": root_filler,
            "D_l": D_l, "D_r": D_r, "E_l": E_l, "E_r": E_r, "root_role": root_role}

def reference(x, arg1_weight, arg2_weight, root_filler, D_l, D_r, E_l, E_r, root_role):
    # Dense (non-sparse) paths of CarNet, CdrNet and ConsNet, as composed by one
    # DiffTreeInterpreter step (empty_filler_initialization != 'random').
    # Soft memory-slot selection (weighted gather over TPR memory):
    arg1 = jnp.einsum('blfr,bl->bfr', x, arg1_weight)
    arg2 = jnp.einsum('blfr,bl->bfr', x, arg2_weight)
    # CarNet: left-child extraction via role transform D_l
    car_out = jnp.einsum('bfr,tr->bft', arg1, D_l)
    # CdrNet: right-child extraction via role transform D_r
    cdr_out = jnp.einsum('bfr,tr->bft', arg2, D_r)
    # ConsNet: F.linear(arg1, E_l) + F.linear(arg2, E_r) + outer(root_filler, root_role)
    cons_out = (jnp.einsum('bfr,tr->bft', arg1, E_l)
                + jnp.einsum('bfr,tr->bft', arg2, E_r)
                + jnp.einsum('bf,r->bfr', root_filler, root_role))
    max1 = jnp.max(arg1_weight, axis=1)
    max2 = jnp.max(arg2_weight, axis=1)
    return (car_out, cdr_out, cons_out, max1, max2)

if __name__ == "__main__":
    import jax
    _d = setup_inputs()
    print(jax.jit(kernel)(*tuple(_d.values())))

</pallas_src>

<mosaic_0001>
#map = affine_map<(d0, d1) -> (0, 0, 0, 0)>
#map1 = affine_map<(d0, d1) -> (0, 0, 0, 0, 0)>
module attributes {stable_mosaic.version = 14 : i64} {
  func.func @_sc_reduce(%arg0: i32, %arg1: i32, %arg2: memref<32x64x64x256xf32, #tpu.memory_space<hbm>>, %arg3: memref<32x2x64x16xf32, #tpu.memory_space<hbm>>, %arg4: memref<4x8x2x64x256xf32, #tpu.memory_space<hbm>>, %arg5: memref<2x32x256xf32, #tpu.memory_space<vmem>>, %arg6: memref<64x256xf32, #tpu.memory_space<vmem>>, %arg7: memref<64x256xf32, #tpu.memory_space<vmem>>, %arg8: memref<2x64x16xf32, #tpu.memory_space<vmem>>, %arg9: memref<!tpu.dma_semaphore, #tpu.memory_space<semaphore_mem>>, %arg10: memref<!tpu.dma_semaphore, #tpu.memory_space<semaphore_mem>>) attributes {dimension_semantics = [#tpu.dimension_semantics<core_parallel>, #tpu.dimension_semantics<subcore_parallel>], iteration_bounds = array<i64: 2, 16>, scalar_prefetch = 0 : i64, scratch_operands = 6 : i64, tpu.core_type = #tpu.core_type<sc_vector_subcore>, window_params = [{transform_indices = #map}, {transform_indices = #map}, {transform_indices = #map1}]} {
    %mul3A = arith.constant 2 : i32
    %mul3A_0 = arith.muli %arg1, %mul3A : i32
    %add3A = arith.addi %mul3A_0, %arg0 : i32
    %jit3A = arith.constant 8 : i32
    %div3A = arith.divsi %add3A, %jit3A : i32
    %sign3A = arith.constant 0 : i32
    %sign3A_1 = arith.cmpi sgt, %add3A, %sign3A : i32
    %sign3A_2 = arith.extui %sign3A_1 : i1 to i32
    %sign3A_3 = arith.constant 0 : i32
    %sign3A_4 = arith.cmpi slt, %add3A, %sign3A_3 : i32
    %sign3A_5 = arith.extui %sign3A_4 : i1 to i32
    %sign3A_6 = arith.subi %sign3A_2, %sign3A_5 : i32
    %sign3A_7 = arith.constant 0 : i32
    %sign3A_8 = arith.cmpi sgt, %jit3A, %sign3A_7 : i32
    %sign3A_9 = arith.extui %sign3A_8 : i1 to i32
    %sign3A_10 = arith.constant 0 : i32
    %sign3A_11 = arith.cmpi slt, %jit3A, %sign3A_10 : i32
    %sign3A_12 = arith.extui %sign3A_11 : i1 to i32
    %sign3A_13 = arith.subi %sign3A_9, %sign3A_12 : i32
    %ne3A = arith.cmpi ne, %sign3A_6, %sign3A_13 : i32
    %rem3A = arith.remsi %add3A, %jit3A : i32
    %ne3A_14 = arith.constant 0 : i32
    %ne3A_15 = arith.cmpi ne, %rem3A, %ne3A_14 : i32
    %and3A = arith.andi %ne3A, %ne3A_15 : i1
    %sub3A = arith.constant 1 : i32
    %sub3A_16 = arith.subi %div3A, %sub3A : i32
    %select_n3A = arith.select %and3A, %sub3A_16, %div3A : i32
    %add3A_17 = arith.constant 28 : i32
    %add3A_18 = arith.addi %add3A_17, %select_n3A : i32
    %jit3A_19 = arith.constant 8 : i32
    %eq3A = arith.constant 0 : i32
    %eq3A_20 = arith.cmpi eq, %jit3A_19, %eq3A : i32
    %jit3A_21 = arith.constant 1 : i32
    %select_n3A_22 = arith.select %eq3A_20, %jit3A_21, %jit3A_19 : i32
    %rem3A_23 = arith.remsi %add3A, %select_n3A_22 : i32
    %ne3A_24 = arith.constant 0 : i32
    %ne3A_25 = arith.cmpi ne, %rem3A_23, %ne3A_24 : i32
    %lt3A = arith.constant 0 : i32
    %lt3A_26 = arith.cmpi slt, %rem3A_23, %lt3A : i32
    %lt3A_27 = arith.constant 0 : i32
    %lt3A_28 = arith.cmpi slt, %select_n3A_22, %lt3A_27 : i32
    %ne3A_29 = arith.xori %lt3A_26, %lt3A_28 : i1
    %and3A_30 = arith.andi %ne3A_29, %ne3A_25 : i1
    %add3A_31 = arith.addi %rem3A_23, %select_n3A_22 : i32
    %select_n3A_32 = arith.select %and3A_30, %add3A_31, %rem3A_23 : i32
    %mul3A_33 = arith.constant 8 : i32
    %mul3A_34 = arith.muli %select_n3A_32, %mul3A_33 : i32
    "tpu.region"() ({
      %run_scoped3A_87 = tpu.sem_alloc : memref<!tpu.dma_semaphore, #tpu.memory_space<semaphore_mem>>
      %dma_start3A_88 = arith.constant 0 : i32
      %dma_start3A_89 = arith.constant 0 : i32
      %dma_start3A_90 = arith.constant 0 : i32
      %dma_start3A_91 = tpu.memref_slice %arg3[%add3A_18, %dma_start3A_88, %dma_start3A_89, %dma_start3A_90] : memref<32x2x64x16xf32, #tpu.memory_space<hbm>> -> memref<1x2x64x16xf32, #tpu.memory_space<hbm>>
      %dma_start3A_92 = tpu.memref_squeeze %dma_start3A_91 : memref<1x2x64x16xf32, #tpu.memory_space<hbm>> -> memref<2x64x16xf32, #tpu.memory_space<hbm>>
      %dma_start3A_93 = arith.constant 0 : i32
      %dma_start3A_94 = arith.constant 0 : i32
      %dma_start3A_95 = arith.constant 0 : i32
      %dma_start3A_96 = tpu.memref_slice %arg3[%add3A_18, %dma_start3A_93, %dma_start3A_94, %dma_start3A_95] : memref<32x2x64x16xf32, #tpu.memory_space<hbm>> -> memref<1x2x64x16xf32, #tpu.memory_space<hbm>>
      %dma_start3A_97 = tpu.memref_squeeze %dma_start3A_96 : memref<1x2x64x16xf32, #tpu.memory_space<hbm>> -> memref<2x64x16xf32, #tpu.memory_space<hbm>>
      tpu.enqueue_dma source(%dma_start3A_97 : memref<2x64x16xf32, #tpu.memory_space<hbm>>) target(%arg8 : memref<2x64x16xf32, #tpu.memory_space<vmem>>) target_semaphore(%run_scoped3A_87 : memref<!tpu.dma_semaphore, #tpu.memory_space<semaphore_mem>>)
      %dma_wait3A = arith.constant 0 : i32
      %dma_wait3A_98 = arith.constant 0 : i32
      %dma_wait3A_99 = arith.constant 0 : i32
      %dma_wait3A_100 = tpu.memref_slice %arg3[%add3A_18, %dma_wait3A, %dma_wait3A_98, %dma_wait3A_99] : memref<32x2x64x16xf32, #tpu.memory_space<hbm>> -> memref<1x2x64x16xf32, #tpu.memory_space<hbm>>
      %dma_wait3A_101 = tpu.memref_squeeze %dma_wait3A_100 : memref<1x2x64x16xf32, #tpu.memory_space<hbm>> -> memref<2x64x16xf32, #tpu.memory_space<hbm>>
      %dma_wait3A_102 = arith.constant 0 : i32
      %dma_wait3A_103 = arith.constant 0 : i32
      %dma_wait3A_104 = arith.constant 0 : i32
      %dma_wait3A_105 = tpu.memref_slice %arg3[%add3A_18, %dma_wait3A_102, %dma_wait3A_103, %dma_wait3A_104] : memref<32x2x64x16xf32, #tpu.memory_space<hbm>> -> memref<1x2x64x16xf32, #tpu.memory_space<hbm>>
      %dma_wait3A_106 = tpu.memref_squeeze %dma_wait3A_105 : memref<1x2x64x16xf32, #tpu.memory_space<hbm>> -> memref<2x64x16xf32, #tpu.memory_space<hbm>>
      tpu.wait_dma2 semaphore(%run_scoped3A_87 : memref<!tpu.dma_semaphore, #tpu.memory_space<semaphore_mem>>) src(%dma_wait3A_106 : memref<2x64x16xf32, #tpu.memory_space<hbm>>) dst(%arg8 : memref<2x64x16xf32, #tpu.memory_space<vmem>>)
      tpu.yield
    }) : () -> ()
    %broadcast_in_dim3A = arith.constant 0.000000e+00 : f32
    %broadcast_in_dim3A_35 = vector.broadcast %broadcast_in_dim3A : f32 to vector<16xf32>
    %scan3A = arith.constant 0 : i32
    %scan3A_36 = arith.constant 0 : i32
    %scan3A_37 = arith.constant 64 : i32
    %scan3A_38 = arith.addi %scan3A_36, %scan3A_37 : i32
    %scan3A_39 = arith.constant 1 : i32
    %scan3A_40 = scf.for %scan3A_87 = %scan3A_36 to %scan3A_38 step %scan3A_39 iter_args(%scan3A_88 = %scan3A) -> (i32)  : i32 {
      %swap3A = arith.index_cast %scan3A_87 : i32 to index
      %swap3A_89 = arith.constant 0 : index
      %swap3A_90 = tpu.vector_load %arg6[%swap3A, %swap3A_89] {strides = array<i32>} : memref<64x256xf32, #tpu.memory_space<vmem>>, vector<1x16xf32>,
      %swap3A_91 = vector.shape_cast %swap3A_90 : vector<1x16xf32> to vector<16xf32>
      %swap3A_92 = vector.shape_cast %broadcast_in_dim3A_35 : vector<16xf32> to vector<1x16xf32>
      tpu.vector_store %arg6[%swap3A, %swap3A_89], %swap3A_92 {strides = array<i32>} : memref<64x256xf32, #tpu.memory_space<vmem>>, vector<1x16xf32>,
      %swap3A_93 = arith.index_cast %scan3A_87 : i32 to index
      %swap3A_94 = arith.constant 0 : index
      %swap3A_95 = tpu.vector_load %arg7[%swap3A_93, %swap3A_94] {strides = array<i32>} : memref<64x256xf32, #tpu.memory_space<vmem>>, vector<1x16xf32>,
      %swap3A_96 = vector.shape_cast %swap3A_95 : vector<1x16xf32> to vector<16xf32>
      %swap3A_97 = vector.shape_cast %broadcast_in_dim3A_35 : vector<16xf32> to vector<1x16xf32>
      tpu.vector_store %arg7[%swap3A_93, %swap3A_94], %swap3A_97 {strides = array<i32>} : memref<64x256xf32, #tpu.memory_space<vmem>>, vector<1x16xf32>,
      %swap3A_98 = arith.index_cast %scan3A_87 : i32 to index
      %swap3A_99 = arith.constant 16 : index
      %swap3A_100 = tpu.vector_load %arg6[%swap3A_98, %swap3A_99] {strides = array<i32>} : memref<64x256xf32, #tpu.memory_space<vmem>>, vector<1x16xf32>,
      %swap3A_101 = vector.shape_cast %swap3A_100 : vector<1x16xf32> to vector<16xf32>
      %swap3A_102 = vector.shape_cast %broadcast_in_dim3A_35 : vector<16xf32> to vector<1x16xf32>
      tpu.vector_store %arg6[%swap3A_98, %swap3A_99], %swap3A_102 {strides = array<i32>} : memref<64x256xf32, #tpu.memory_space<vmem>>, vector<1x16xf32>,
      %swap3A_103 = arith.index_cast %scan3A_87 : i32 to index
      %swap3A_104 = arith.constant 16 : index
      %swap3A_105 = tpu.vector_load %arg7[%swap3A_103, %swap3A_104] {strides = array<i32>} : memref<64x256xf32, #tpu.memory_space<vmem>>, vector<1x16xf32>,
      %swap3A_106 = vector.shape_cast %swap3A_105 : vector<1x16xf32> to vector<16xf32>
      %swap3A_107 = vector.shape_cast %broadcast_in_dim3A_35 : vector<16xf32> to vector<1x16xf32>
      tpu.vector_store %arg7[%swap3A_103, %swap3A_104], %swap3A_107 {strides = array<i32>} : memref<64x256xf32, #tpu.memory_space<vmem>>, vector<1x16xf32>,
      %swap3A_108 = arith.index_cast %scan3A_87 : i32 to index
      %swap3A_109 = arith.constant 32 : index
      %swap3A_110 = tpu.vector_load %arg6[%swap3A_108, %swap3A_109] {strides = array<i32>} : memref<64x256xf32, #tpu.memory_space<vmem>>, vector<1x16xf32>,
      %swap3A_111 = vector.shape_cast %swap3A_110 : vector<1x16xf32> to vector<16xf32>
      %swap3A_112 = vector.shape_cast %broadcast_in_dim3A_35 : vector<16xf32> to vector<1x16xf32>
      tpu.vector_store %arg6[%swap3A_108, %swap3A_109], %swap3A_112 {strides = array<i32>} : memref<64x256xf32, #tpu.memory_space<vmem>>, vector<1x16xf32>,
      %swap3A_113 = arith.index_cast %scan3A_87 : i32 to index
      %swap3A_114 = arith.constant 32 : index
      %swap3A_115 = tpu.vector_load %arg7[%swap3A_113, %swap3A_114] {strides = array<i32>} : memref<64x256xf32, #tpu.memory_space<vmem>>, vector<1x16xf32>,
      %swap3A_116 = vector.shape_cast %swap3A_115 : vector<1x16xf32> to vector<16xf32>
      %swap3A_117 = vector.shape_cast %broadcast_in_dim3A_35 : vector<16xf32> to vector<1x16xf32>
      tpu.vector_store %arg7[%swap3A_113, %swap3A_114], %swap3A_117 {strides = array<i32>} : memref<64x256xf32, #tpu.memory_space<vmem>>, vector<1x16xf32>,
      %swap3A_118 = arith.index_cast %scan3A_87 : i32 to index
      %swap3A_119 = arith.constant 48 : index
      %swap3A_120 = tpu.vector_load %arg6[%swap3A_118, %swap3A_119] {strides = array<i32>} : memref<64x256xf32, #tpu.memory_space<vmem>>, vector<1x16xf32>,
      %swap3A_121 = vector.shape_cast %swap3A_120 : vector<1x16xf32> to vector<16xf32>
      %swap3A_122 = vector.shape_cast %broadcast_in_dim3A_35 : vector<16xf32> to vector<1x16xf32>
      tpu.vector_store %arg6[%swap3A_118, %swap3A_119], %swap3A_122 {strides = array<i32>} : memref<64x256xf32, #tpu.memory_space<vmem>>, vector<1x16xf32>,
      %swap3A_123 = arith.index_cast %scan3A_87 : i32 to index
      %swap3A_124 = arith.constant 48 : index
      %swap3A_125 = tpu.vector_load %arg7[%swap3A_123, %swap3A_124] {strides = array<i32>} : memref<64x256xf32, #tpu.memory_space<vmem>>, vector<1x16xf32>,
      %swap3A_126 = vector.shape_cast %swap3A_125 : vector<1x16xf32> to vector<16xf32>
      %swap3A_127 = vector.shape_cast %broadcast_in_dim3A_35 : vector<16xf32> to vector<1x16xf32>
      tpu.vector_store %arg7[%swap3A_123, %swap3A_124], %swap3A_127 {strides = array<i32>} : memref<64x256xf32, #tpu.memory_space<vmem>>, vector<1x16xf32>,
      %swap3A_128 = arith.index_cast %scan3A_87 : i32 to index
      %swap3A_129 = arith.constant 64 : index
      %swap3A_130 = tpu.vector_load %arg6[%swap3A_128, %swap3A_129] {strides = array<i32>} : memref<64x256xf32, #tpu.memory_space<vmem>>, vector<1x16xf32>,
      %swap3A_131 = vector.shape_cast %swap3A_130 : vector<1x16xf32> to vector<16xf32>
      %swap3A_132 = vector.shape_cast %broadcast_in_dim3A_35 : vector<16xf32> to vector<1x16xf32>
      tpu.vector_store %arg6[%swap3A_128, %swap3A_129], %swap3A_132 {strides = array<i32>} : memref<64x256xf32, #tpu.memory_space<vmem>>, vector<1x16xf32>,
      %swap3A_133 = arith.index_cast %scan3A_87 : i32 to index
      %swap3A_134 = arith.constant 64 : index
      %swap3A_135 = tpu.vector_load %arg7[%swap3A_133, %swap3A_134] {strides = array<i32>} : memref<64x256xf32, #tpu.memory_space<vmem>>, vector<1x16xf32>,
      %swap3A_136 = vector.shape_cast %swap3A_135 : vector<1x16xf32> to vector<16xf32>
      %swap3A_137 = vector.shape_cast %broadcast_in_dim3A_35 : vector<16xf32> to vector<1x16xf32>
      tpu.vector_store %arg7[%swap3A_133, %swap3A_134], %swap3A_137 {strides = array<i32>} : memref<64x256xf32, #tpu.memory_space<vmem>>, vector<1x16xf32>,
      %swap3A_138 = arith.index_cast %scan3A_87 : i32 to index
      %swap3A_139 = arith.constant 80 : index
      %swap3A_140 = tpu.vector_load %arg6[%swap3A_138, %swap3A_139] {strides = array<i32>} : memref<64x256xf32, #tpu.memory_space<vmem>>, vector<1x16xf32>,
      %swap3A_141 = vector.shape_cast %swap3A_140 : vector<1x16xf32> to vector<16xf32>
      %swap3A_142 = vector.shape_cast %broadcast_in_dim3A_35 : vector<16xf32> to vector<1x16xf32>
      tpu.vector_store %arg6[%swap3A_138, %swap3A_139], %swap3A_142 {strides = array<i32>} : memref<64x256xf32, #tpu.memory_space<vmem>>, vector<1x16xf32>,
      %swap3A_143 = arith.index_cast %scan3A_87 : i32 to index
      %swap3A_144 = arith.constant 80 : index
      %swap3A_145 = tpu.vector_load %arg7[%swap3A_143, %swap3A_144] {strides = array<i32>} : memref<64x256xf32, #tpu.memory_space<vmem>>, vector<1x16xf32>,
      %swap3A_146 = vector.shape_cast %swap3A_145 : vector<1x16xf32> to vector<16xf32>
      %swap3A_147 = vector.shape_cast %broadcast_in_dim3A_35 : vector<16xf32> to vector<1x16xf32>
      tpu.vector_store %arg7[%swap3A_143, %swap3A_144], %swap3A_147 {strides = array<i32>} : memref<64x256xf32, #tpu.memory_space<vmem>>, vector<1x16xf32>,
      %swap3A_148 = arith.index_cast %scan3A_87 : i32 to index
      %swap3A_149 = arith.constant 96 : index
      %swap3A_150 = tpu.vector_load %arg6[%swap3A_148, %swap3A_149] {strides = array<i32>} : memref<64x256xf32, #tpu.memory_space<vmem>>, vector<1x16xf32>,
      %swap3A_151 = vector.shape_cast %swap3A_150 : vector<1x16xf32> to vector<16xf32>
      %swap3A_152 = vector.shape_cast %broadcast_in_dim3A_35 : vector<16xf32> to vector<1x16xf32>
      tpu.vector_store %arg6[%swap3A_148, %swap3A_149], %swap3A_152 {strides = array<i32>} : memref<64x256xf32, #tpu.memory_space<vmem>>, vector<1x16xf32>,
      %swap3A_153 = arith.index_cast %scan3A_87 : i32 to index
      %swap3A_154 = arith.constant 96 : index
      %swap3A_155 = tpu.vector_load %arg7[%swap3A_153, %swap3A_154] {strides = array<i32>} : memref<64x256xf32, #tpu.memory_space<vmem>>, vector<1x16xf32>,
      %swap3A_156 = vector.shape_cast %swap3A_155 : vector<1x16xf32> to vector<16xf32>
      %swap3A_157 = vector.shape_cast %broadcast_in_dim3A_35 : vector<16xf32> to vector<1x16xf32>
      tpu.vector_store %arg7[%swap3A_153, %swap3A_154], %swap3A_157 {strides = array<i32>} : memref<64x256xf32, #tpu.memory_space<vmem>>, vector<1x16xf32>,
      %swap3A_158 = arith.index_cast %scan3A_87 : i32 to index
      %swap3A_159 = arith.constant 112 : index
      %swap3A_160 = tpu.vector_load %arg6[%swap3A_158, %swap3A_159] {strides = array<i32>} : memref<64x256xf32, #tpu.memory_space<vmem>>, vector<1x16xf32>,
      %swap3A_161 = vector.shape_cast %swap3A_160 : vector<1x16xf32> to vector<16xf32>
      %swap3A_162 = vector.shape_cast %broadcast_in_dim3A_35 : vector<16xf32> to vector<1x16xf32>
      tpu.vector_store %arg6[%swap3A_158, %swap3A_159], %swap3A_162 {strides = array<i32>} : memref<64x256xf32, #tpu.memory_space<vmem>>, vector<1x16xf32>,
      %swap3A_163 = arith.index_cast %scan3A_87 : i32 to index
      %swap3A_164 = arith.constant 112 : index
      %swap3A_165 = tpu.vector_load %arg7[%swap3A_163, %swap3A_164] {strides = array<i32>} : memref<64x256xf32, #tpu.memory_space<vmem>>, vector<1x16xf32>,
      %swap3A_166 = vector.shape_cast %swap3A_165 : vector<1x16xf32> to vector<16xf32>
      %swap3A_167 = vector.shape_cast %broadcast_in_dim3A_35 : vector<16xf32> to vector<1x16xf32>
      tpu.vector_store %arg7[%swap3A_163, %swap3A_164], %swap3A_167 {strides = array<i32>} : memref<64x256xf32, #tpu.memory_space<vmem>>, vector<1x16xf32>,
      %swap3A_168 = arith.index_cast %scan3A_87 : i32 to index
      %swap3A_169 = arith.constant 128 : index
      %swap3A_170 = tpu.vector_load %arg6[%swap3A_168, %swap3A_169] {strides = array<i32>} : memref<64x256xf32, #tpu.memory_space<vmem>>, vector<1x16xf32>,
      %swap3A_171 = vector.shape_cast %swap3A_170 : vector<1x16xf32> to vector<16xf32>
      %swap3A_172 = vector.shape_cast %broadcast_in_dim3A_35 : vector<16xf32> to vector<1x16xf32>
      tpu.vector_store %arg6[%swap3A_168, %swap3A_169], %swap3A_172 {strides = array<i32>} : memref<64x256xf32, #tpu.memory_space<vmem>>, vector<1x16xf32>,
      %swap3A_173 = arith.index_cast %scan3A_87 : i32 to index
      %swap3A_174 = arith.constant 128 : index
      %swap3A_175 = tpu.vector_load %arg7[%swap3A_173, %swap3A_174] {strides = array<i32>} : memref<64x256xf32, #tpu.memory_space<vmem>>, vector<1x16xf32>,
      %swap3A_176 = vector.shape_cast %swap3A_175 : vector<1x16xf32> to vector<16xf32>
      %swap3A_177 = vector.shape_cast %broadcast_in_dim3A_35 : vector<16xf32> to vector<1x16xf32>
      tpu.vector_store %arg7[%swap3A_173, %swap3A_174], %swap3A_177 {strides = array<i32>} : memref<64x256xf32, #tpu.memory_space<vmem>>, vector<1x16xf32>,
      %swap3A_178 = arith.index_cast %scan3A_87 : i32 to index
      %swap3A_179 = arith.constant 144 : index
      %swap3A_180 = tpu.vector_load %arg6[%swap3A_178, %swap3A_179] {strides = array<i32>} : memref<64x256xf32, #tpu.memory_space<vmem>>, vector<1x16xf32>,
      %swap3A_181 = vector.shape_cast %swap3A_180 : vector<1x16xf32> to vector<16xf32>
      %swap3A_182 = vector.shape_cast %broadcast_in_dim3A_35 : vector<16xf32> to vector<1x16xf32>
      tpu.vector_store %arg6[%swap3A_178, %swap3A_179], %swap3A_182 {strides = array<i32>} : memref<64x256xf32, #tpu.memory_space<vmem>>, vector<1x16xf32>,
      %swap3A_183 = arith.index_cast %scan3A_87 : i32 to index
      %swap3A_184 = arith.constant 144 : index
      %swap3A_185 = tpu.vector_load %arg7[%swap3A_183, %swap3A_184] {strides = array<i32>} : memref<64x256xf32, #tpu.memory_space<vmem>>, vector<1x16xf32>,
      %swap3A_186 = vector.shape_cast %swap3A_185 : vector<1x16xf32> to vector<16xf32>
      %swap3A_187 = vector.shape_cast %broadcast_in_dim3A_35 : vector<16xf32> to vector<1x16xf32>
      tpu.vector_store %arg7[%swap3A_183, %swap3A_184], %swap3A_187 {strides = array<i32>} : memref<64x256xf32, #tpu.memory_space<vmem>>, vector<1x16xf32>,
      %swap3A_188 = arith.index_cast %scan3A_87 : i32 to index
      %swap3A_189 = arith.constant 160 : index
      %swap3A_190 = tpu.vector_load %arg6[%swap3A_188, %swap3A_189] {strides = array<i32>} : memref<64x256xf32, #tpu.memory_space<vmem>>, vector<1x16xf32>,
      %swap3A_191 = vector.shape_cast %swap3A_190 : vector<1x16xf32> to vector<16xf32>
      %swap3A_192 = vector.shape_cast %broadcast_in_dim3A_35 : vector<16xf32> to vector<1x16xf32>
      tpu.vector_store %arg6[%swap3A_188, %swap3A_189], %swap3A_192 {strides = array<i32>} : memref<64x256xf32, #tpu.memory_space<vmem>>, vector<1x16xf32>,
      %swap3A_193 = arith.index_cast %scan3A_87 : i32 to index
      %swap3A_194 = arith.constant 160 : index
      %swap3A_195 = tpu.vector_load %arg7[%swap3A_193, %swap3A_194] {strides = array<i32>} : memref<64x256xf32, #tpu.memory_space<vmem>>, vector<1x16xf32>,
      %swap3A_196 = vector.shape_cast %swap3A_195 : vector<1x16xf32> to vector<16xf32>
      %swap3A_197 = vector.shape_cast %broadcast_in_dim3A_35 : vector<16xf32> to vector<1x16xf32>
      tpu.vector_store %arg7[%swap3A_193, %swap3A_194], %swap3A_197 {strides = array<i32>} : memref<64x256xf32, #tpu.memory_space<vmem>>, vector<1x16xf32>,
      %swap3A_198 = arith.index_cast %scan3A_87 : i32 to index
      %swap3A_199 = arith.constant 176 : index
      %swap3A_200 = tpu.vector_load %arg6[%swap3A_198, %swap3A_199] {strides = array<i32>} : memref<64x256xf32, #tpu.memory_space<vmem>>, vector<1x16xf32>,
      %swap3A_201 = vector.shape_cast %swap3A_200 : vector<1x16xf32> to vector<16xf32>
      %swap3A_202 = vector.shape_cast %broadcast_in_dim3A_35 : vector<16xf32> to vector<1x16xf32>
      tpu.vector_store %arg6[%swap3A_198, %swap3A_199], %swap3A_202 {strides = array<i32>} : memref<64x256xf32, #tpu.memory_space<vmem>>, vector<1x16xf32>,
      %swap3A_203 = arith.index_cast %scan3A_87 : i32 to index
      %swap3A_204 = arith.constant 176 : index
      %swap3A_205 = tpu.vector_load %arg7[%swap3A_203, %swap3A_204] {strides = array<i32>} : memref<64x256xf32, #tpu.memory_space<vmem>>, vector<1x16xf32>,
      %swap3A_206 = vector.shape_cast %swap3A_205 : vector<1x16xf32> to vector<16xf32>
      %swap3A_207 = vector.shape_cast %broadcast_in_dim3A_35 : vector<16xf32> to vector<1x16xf32>
      tpu.vector_store %arg7[%swap3A_203, %swap3A_204], %swap3A_207 {strides = array<i32>} : memref<64x256xf32, #tpu.memory_space<vmem>>, vector<1x16xf32>,
      %swap3A_208 = arith.index_cast %scan3A_87 : i32 to index
      %swap3A_209 = arith.constant 192 : index
      %swap3A_210 = tpu.vector_load %arg6[%swap3A_208, %swap3A_209] {strides = array<i32>} : memref<64x256xf32, #tpu.memory_space<vmem>>, vector<1x16xf32>,
      %swap3A_211 = vector.shape_cast %swap3A_210 : vector<1x16xf32> to vector<16xf32>
      %swap3A_212 = vector.shape_cast %broadcast_in_dim3A_35 : vector<16xf32> to vector<1x16xf32>
      tpu.vector_store %arg6[%swap3A_208, %swap3A_209], %swap3A_212 {strides = array<i32>} : memref<64x256xf32, #tpu.memory_space<vmem>>, vector<1x16xf32>,
      %swap3A_213 = arith.index_cast %scan3A_87 : i32 to index
      %swap3A_214 = arith.constant 192 : index
      %swap3A_215 = tpu.vector_load %arg7[%swap3A_213, %swap3A_214] {strides = array<i32>} : memref<64x256xf32, #tpu.memory_space<vmem>>, vector<1x16xf32>,
      %swap3A_216 = vector.shape_cast %swap3A_215 : vector<1x16xf32> to vector<16xf32>
      %swap3A_217 = vector.shape_cast %broadcast_in_dim3A_35 : vector<16xf32> to vector<1x16xf32>
      tpu.vector_store %arg7[%swap3A_213, %swap3A_214], %swap3A_217 {strides = array<i32>} : memref<64x256xf32, #tpu.memory_space<vmem>>, vector<1x16xf32>,
      %swap3A_218 = arith.index_cast %scan3A_87 : i32 to index
      %swap3A_219 = arith.constant 208 : index
      %swap3A_220 = tpu.vector_load %arg6[%swap3A_218, %swap3A_219] {strides = array<i32>} : memref<64x256xf32, #tpu.memory_space<vmem>>, vector<1x16xf32>,
      %swap3A_221 = vector.shape_cast %swap3A_220 : vector<1x16xf32> to vector<16xf32>
      %swap3A_222 = vector.shape_cast %broadcast_in_dim3A_35 : vector<16xf32> to vector<1x16xf32>
      tpu.vector_store %arg6[%swap3A_218, %swap3A_219], %swap3A_222 {strides = array<i32>} : memref<64x256xf32, #tpu.memory_space<vmem>>, vector<1x16xf32>,
      %swap3A_223 = arith.index_cast %scan3A_87 : i32 to index
      %swap3A_224 = arith.constant 208 : index
      %swap3A_225 = tpu.vector_load %arg7[%swap3A_223, %swap3A_224] {strides = array<i32>} : memref<64x256xf32, #tpu.memory_space<vmem>>, vector<1x16xf32>,
      %swap3A_226 = vector.shape_cast %swap3A_225 : vector<1x16xf32> to vector<16xf32>
      %swap3A_227 = vector.shape_cast %broadcast_in_dim3A_35 : vector<16xf32> to vector<1x16xf32>
      tpu.vector_store %arg7[%swap3A_223, %swap3A_224], %swap3A_227 {strides = array<i32>} : memref<64x256xf32, #tpu.memory_space<vmem>>, vector<1x16xf32>,
      %swap3A_228 = arith.index_cast %scan3A_87 : i32 to index
      %swap3A_229 = arith.constant 224 : index
      %swap3A_230 = tpu.vector_load %arg6[%swap3A_228, %swap3A_229] {strides = array<i32>} : memref<64x256xf32, #tpu.memory_space<vmem>>, vector<1x16xf32>,
      %swap3A_231 = vector.shape_cast %swap3A_230 : vector<1x16xf32> to vector<16xf32>
      %swap3A_232 = vector.shape_cast %broadcast_in_dim3A_35 : vector<16xf32> to vector<1x16xf32>
      tpu.vector_store %arg6[%swap3A_228, %swap3A_229], %swap3A_232 {strides = array<i32>} : memref<64x256xf32, #tpu.memory_space<vmem>>, vector<1x16xf32>,
      %swap3A_233 = arith.index_cast %scan3A_87 : i32 to index
      %swap3A_234 = arith.constant 224 : index
      %swap3A_235 = tpu.vector_load %arg7[%swap3A_233, %swap3A_234] {strides = array<i32>} : memref<64x256xf32, #tpu.memory_space<vmem>>, vector<1x16xf32>,
      %swap3A_236 = vector.shape_cast %swap3A_235 : vector<1x16xf32> to vector<16xf32>
      %swap3A_237 = vector.shape_cast %broadcast_in_dim3A_35 : vector<16xf32> to vector<1x16xf32>
      tpu.vector_store %arg7[%swap3A_233, %swap3A_234], %swap3A_237 {strides = array<i32>} : memref<64x256xf32, #tpu.memory_space<vmem>>, vector<1x16xf32>,
      %swap3A_238 = arith.index_cast %scan3A_87 : i32 to index
      %swap3A_239 = arith.constant 240 : index
      %swap3A_240 = tpu.vector_load %arg6[%swap3A_238, %swap3A_239] {strides = array<i32>} : memref<64x256xf32, #tpu.memory_space<vmem>>, vector<1x16xf32>,
      %swap3A_241 = vector.shape_cast %swap3A_240 : vector<1x16xf32> to vector<16xf32>
      %swap3A_242 = vector.shape_cast %broadcast_in_dim3A_35 : vector<16xf32> to vector<1x16xf32>
      tpu.vector_store %arg6[%swap3A_238, %swap3A_239], %swap3A_242 {strides = array<i32>} : memref<64x256xf32, #tpu.memory_space<vmem>>, vector<1x16xf32>,
      %swap3A_243 = arith.index_cast %scan3A_87 : i32 to index
      %swap3A_244 = arith.constant 240 : index
      %swap3A_245 = tpu.vector_load %arg7[%swap3A_243, %swap3A_244] {strides = array<i32>} : memref<64x256xf32, #tpu.memory_space<vmem>>, vector<1x16xf32>,
      %swap3A_246 = vector.shape_cast %swap3A_245 : vector<1x16xf32> to vector<16xf32>
      %swap3A_247 = vector.shape_cast %broadcast_in_dim3A_35 : vector<16xf32> to vector<1x16xf32>
      tpu.vector_store %arg7[%swap3A_243, %swap3A_244], %swap3A_247 {strides = array<i32>} : memref<64x256xf32, #tpu.memory_space<vmem>>, vector<1x16xf32>,
      %scan3A_248 = arith.constant 0 : i32
      scf.yield %scan3A_248 : i32
    }
    %scan3A_41 = arith.constant 64 : i32
    %add3A_42 = arith.constant 0 : i32
    %add3A_43 = arith.addi %mul3A_34, %add3A_42 : i32
    %dma_start3A = arith.constant 0 : i32
    %dma_start3A_44 = arith.constant 0 : i32
    %dma_start3A_45 = arith.constant 0 : i32
    %dma_start3A_46 = tpu.memref_slice %arg5[%dma_start3A, %dma_start3A_44, %dma_start3A_45] : memref<2x32x256xf32, #tpu.memory_space<vmem>> -> memref<1x32x256xf32, #tpu.memory_space<vmem>>
    %dma_start3A_47 = tpu.memref_squeeze %dma_start3A_46 : memref<1x32x256xf32, #tpu.memory_space<vmem>> -> memref<32x256xf32, #tpu.memory_space<vmem>>
    %dma_start3A_48 = arith.constant 0 : i32
    %dma_start3A_49 = arith.constant 0 : i32
    %dma_start3A_50 = tpu.memref_slice %arg2[%add3A_18, %add3A_43, %dma_start3A_48, %dma_start3A_49] : memref<32x64x64x256xf32, #tpu.memory_space<hbm>> -> memref<1x1x32x256xf32, #tpu.memory_space<hbm>>
    %dma_start3A_51 = tpu.memref_squeeze %dma_start3A_50 : memref<1x1x32x256xf32, #tpu.memory_space<hbm>> -> memref<32x256xf32, #tpu.memory_space<hbm>>
    %dma_start3A_52 = arith.constant 0 : i32
    %dma_start3A_53 = arith.constant 0 : i32
    %dma_start3A_54 = tpu.memref_slice %arg5[%dma_start3A, %dma_start3A_52, %dma_start3A_53] : memref<2x32x256xf32, #tpu.memory_space<vmem>> -> memref<1x32x256xf32, #tpu.memory_space<vmem>>
    %dma_start3A_55 = tpu.memref_squeeze %dma_start3A_54 : memref<1x32x256xf32, #tpu.memory_space<vmem>> -> memref<32x256xf32, #tpu.memory_space<vmem>>
    %dma_start3A_56 = arith.constant 0 : i32
    %dma_start3A_57 = arith.constant 0 : i32
    %dma_start3A_58 = tpu.memref_slice %arg2[%add3A_18, %add3A_43, %dma_start3A_56, %dma_start3A_57] : memref<32x64x64x256xf32, #tpu.memory_space<hbm>> -> memref<1x1x32x256xf32, #tpu.memory_space<hbm>>
    %dma_start3A_59 = tpu.memref_squeeze %dma_start3A_58 : memref<1x1x32x256xf32, #tpu.memory_space<hbm>> -> memref<32x256xf32, #tpu.memory_space<hbm>>
    tpu.enqueue_dma source(%dma_start3A_59 : memref<32x256xf32, #tpu.memory_space<hbm>>) target(%dma_start3A_55 : memref<32x256xf32, #tpu.memory_space<vmem>>) target_semaphore(%arg9 : memref<!tpu.dma_semaphore, #tpu.memory_space<semaphore_mem>>)
    %add3A_60 = arith.constant 0 : i32
    %add3A_61 = arith.addi %mul3A_34, %add3A_60 : i32
    %dma_start3A_62 = arith.constant 1 : i32
    %dma_start3A_63 = arith.constant 0 : i32
    %dma_start3A_64 = arith.constant 0 : i32
    %dma_start3A_65 = tpu.memref_slice %arg5[%dma_start3A_62, %dma_start3A_63, %dma_start3A_64] : memref<2x32x256xf32, #tpu.memory_space<vmem>> -> memref<1x32x256xf32, #tpu.memory_space<vmem>>
    %dma_start3A_66 = tpu.memref_squeeze %dma_start3A_65 : memref<1x32x256xf32, #tpu.memory_space<vmem>> -> memref<32x256xf32, #tpu.memory_space<vmem>>
    %dma_start3A_67 = arith.constant 32 : i32
    %dma_start3A_68 = arith.constant 0 : i32
    %dma_start3A_69 = tpu.memref_slice %arg2[%add3A_18, %add3A_61, %dma_start3A_67, %dma_start3A_68] : memref<32x64x64x256xf32, #tpu.memory_space<hbm>> -> memref<1x1x32x256xf32, #tpu.memory_space<hbm>>
    %dma_start3A_70 = tpu.memref_squeeze %dma_start3A_69 : memref<1x1x32x256xf32, #tpu.memory_space<hbm>> -> memref<32x256xf32, #tpu.memory_space<hbm>>
    %dma_start3A_71 = arith.constant 0 : i32
    %dma_start3A_72 = arith.constant 0 : i32
    %dma_start3A_73 = tpu.memref_slice %arg5[%dma_start3A_62, %dma_start3A_71, %dma_start3A_72] : memref<2x32x256xf32, #tpu.memory_space<vmem>> -> memref<1x32x256xf32, #tpu.memory_space<vmem>>
    %dma_start3A_74 = tpu.memref_squeeze %dma_start3A_73 : memref<1x32x256xf32, #tpu.memory_space<vmem>> -> memref<32x256xf32, #tpu.memory_space<vmem>>
    %dma_start3A_75 = arith.constant 32 : i32
    %dma_start3A_76 = arith.constant 0 : i32
    %dma_start3A_77 = tpu.memref_slice %arg2[%add3A_18, %add3A_61, %dma_start3A_75, %dma_start3A_76] : memref<32x64x64x256xf32, #tpu.memory_space<hbm>> -> memref<1x1x32x256xf32, #tpu.memory_space<hbm>>
    %dma_start3A_78 = tpu.memref_squeeze %dma_start3A_77 : memref<1x1x32x256xf32, #tpu.memory_space<hbm>> -> memref<32x256xf32, #tpu.memory_space<hbm>>
    tpu.enqueue_dma source(%dma_start3A_78 : memref<32x256xf32, #tpu.memory_space<hbm>>) target(%dma_start3A_74 : memref<32x256xf32, #tpu.memory_space<vmem>>) target_semaphore(%arg10 : memref<!tpu.dma_semaphore, #tpu.memory_space<semaphore_mem>>)
    %scan3A_79 = arith.constant 0 : i32
    %scan3A_80 = arith.constant 0 : i32
    %scan3A_81 = arith.constant 8 : i32
    %scan3A_82 = arith.addi %scan3A_80, %scan3A_81 : i32
    %scan3A_83 = arith.constant 1 : i32
    %scan3A_84 = scf.for %scan3A_87 = %scan3A_80 to %scan3A_82 step %scan3A_83 iter_args(%scan3A_88 = %scan3A_79) -> (i32)  : i32 {
      %mul3A_89 = arith.constant 2 : i32
      %mul3A_90 = arith.muli %mul3A_89, %scan3A_87 : i32
      %jit3A_91 = arith.constant 2 : i32
      %div3A_92 = arith.divsi %mul3A_90, %jit3A_91 : i32
      %sign3A_93 = arith.constant 0 : i32
      %sign3A_94 = arith.cmpi sgt, %mul3A_90, %sign3A_93 : i32
      %sign3A_95 = arith.extui %sign3A_94 : i1 to i32
      %sign3A_96 = arith.constant 0 : i32
      %sign3A_97 = arith.cmpi slt, %mul3A_90, %sign3A_96 : i32
      %sign3A_98 = arith.extui %sign3A_97 : i1 to i32
      %sign3A_99 = arith.subi %sign3A_95, %sign3A_98 : i32
      %sign3A_100 = arith.constant 0 : i32
      %sign3A_101 = arith.cmpi sgt, %jit3A_91, %sign3A_100 : i32
      %sign3A_102 = arith.extui %sign3A_101 : i1 to i32
      %sign3A_103 = arith.constant 0 : i32
      %sign3A_104 = arith.cmpi slt, %jit3A_91, %sign3A_103 : i32
      %sign3A_105 = arith.extui %sign3A_104 : i1 to i32
      %sign3A_106 = arith.subi %sign3A_102, %sign3A_105 : i32
      %ne3A_107 = arith.cmpi ne, %sign3A_99, %sign3A_106 : i32
      %rem3A_108 = arith.remsi %mul3A_90, %jit3A_91 : i32
      %ne3A_109 = arith.constant 0 : i32
      %ne3A_110 = arith.cmpi ne, %rem3A_108, %ne3A_109 : i32
      %and3A_111 = arith.andi %ne3A_107, %ne3A_110 : i1
      %sub3A_112 = arith.constant 1 : i32
      %sub3A_113 = arith.subi %div3A_92, %sub3A_112 : i32
      %select_n3A_114 = arith.select %and3A_111, %sub3A_113, %div3A_92 : i32
      %add3A_115 = arith.addi %mul3A_34, %select_n3A_114 : i32
      %jit3A_116 = arith.constant 2 : i32
      %eq3A_117 = arith.constant 0 : i32
      %eq3A_118 = arith.cmpi eq, %jit3A_116, %eq3A_117 : i32
      %jit3A_119 = arith.constant 1 : i32
      %select_n3A_120 = arith.select %eq3A_118, %jit3A_119, %jit3A_116 : i32
      %rem3A_121 = arith.remsi %mul3A_90, %select_n3A_120 : i32
      %ne3A_122 = arith.constant 0 : i32
      %ne3A_123 = arith.cmpi ne, %rem3A_121, %ne3A_122 : i32
      %lt3A_124 = arith.constant 0 : i32
      %lt3A_125 = arith.cmpi slt, %rem3A_121, %lt3A_124 : i32
      %lt3A_126 = arith.constant 0 : i32
      %lt3A_127 = arith.cmpi slt, %select_n3A_120, %lt3A_126 : i32
      %ne3A_128 = arith.xori %lt3A_125, %lt3A_127 : i1
      %and3A_129 = arith.andi %ne3A_128, %ne3A_123 : i1
      %add3A_130 = arith.addi %rem3A_121, %select_n3A_120 : i32
      %select_n3A_131 = arith.select %and3A_129, %add3A_130, %rem3A_121 : i32
      %mul3A_132 = arith.constant 32 : i32
      %mul3A_133 = arith.muli %select_n3A_131, %mul3A_132 : i32
      %dma_wait3A = arith.constant 0 : i32
      %dma_wait3A_134 = arith.constant 0 : i32
      %dma_wait3A_135 = arith.constant 0 : i32
      %dma_wait3A_136 = tpu.memref_slice %arg5[%dma_wait3A, %dma_wait3A_134, %dma_wait3A_135] : memref<2x32x256xf32, #tpu.memory_space<vmem>> -> memref<1x32x256xf32, #tpu.memory_space<vmem>>
      %dma_wait3A_137 = tpu.memref_squeeze %dma_wait3A_136 : memref<1x32x256xf32, #tpu.memory_space<vmem>> -> memref<32x256xf32, #tpu.memory_space<vmem>>
      %dma_wait3A_138 = arith.constant 0 : i32
      %dma_wait3A_139 = tpu.memref_slice %arg2[%add3A_18, %add3A_115, %mul3A_133, %dma_wait3A_138] : memref<32x64x64x256xf32, #tpu.memory_space<hbm>> -> memref<1x1x32x256xf32, #tpu.memory_space<hbm>>
      %dma_wait3A_140 = tpu.memref_squeeze %dma_wait3A_139 : memref<1x1x32x256xf32, #tpu.memory_space<hbm>> -> memref<32x256xf32, #tpu.memory_space<hbm>>
      %dma_wait3A_141 = arith.constant 0 : i32
      %dma_wait3A_142 = arith.constant 0 : i32
      %dma_wait3A_143 = tpu.memref_slice %arg5[%dma_wait3A, %dma_wait3A_141, %dma_wait3A_142] : memref<2x32x256xf32, #tpu.memory_space<vmem>> -> memref<1x32x256xf32, #tpu.memory_space<vmem>>
      %dma_wait3A_144 = tpu.memref_squeeze %dma_wait3A_143 : memref<1x32x256xf32, #tpu.memory_space<vmem>> -> memref<32x256xf32, #tpu.memory_space<vmem>>
      %dma_wait3A_145 = arith.constant 0 : i32
      %dma_wait3A_146 = tpu.memref_slice %arg2[%add3A_18, %add3A_115, %mul3A_133, %dma_wait3A_145] : memref<32x64x64x256xf32, #tpu.memory_space<hbm>> -> memref<1x1x32x256xf32, #tpu.memory_space<hbm>>
      %dma_wait3A_147 = tpu.memref_squeeze %dma_wait3A_146 : memref<1x1x32x256xf32, #tpu.memory_space<hbm>> -> memref<32x256xf32, #tpu.memory_space<hbm>>
      tpu.wait_dma2 semaphore(%arg9 : memref<!tpu.dma_semaphore, #tpu.memory_space<semaphore_mem>>) src(%dma_wait3A_147 : memref<32x256xf32, #tpu.memory_space<hbm>>) dst(%dma_wait3A_144 : memref<32x256xf32, #tpu.memory_space<vmem>>)
      %jit3A_148 = arith.constant 2 : i32
      %div3A_149 = arith.divsi %mul3A_90, %jit3A_148 : i32
      %sign3A_150 = arith.constant 0 : i32
      %sign3A_151 = arith.cmpi sgt, %mul3A_90, %sign3A_150 : i32
      %sign3A_152 = arith.extui %sign3A_151 : i1 to i32
      %sign3A_153 = arith.constant 0 : i32
      %sign3A_154 = arith.cmpi slt, %mul3A_90, %sign3A_153 : i32
      %sign3A_155 = arith.extui %sign3A_154 : i1 to i32
      %sign3A_156 = arith.subi %sign3A_152, %sign3A_155 : i32
      %sign3A_157 = arith.constant 0 : i32
      %sign3A_158 = arith.cmpi sgt, %jit3A_148, %sign3A_157 : i32
      %sign3A_159 = arith.extui %sign3A_158 : i1 to i32
      %sign3A_160 = arith.constant 0 : i32
      %sign3A_161 = arith.cmpi slt, %jit3A_148, %sign3A_160 : i32
      %sign3A_162 = arith.extui %sign3A_161 : i1 to i32
      %sign3A_163 = arith.subi %sign3A_159, %sign3A_162 : i32
      %ne3A_164 = arith.cmpi ne, %sign3A_156, %sign3A_163 : i32
      %rem3A_165 = arith.remsi %mul3A_90, %jit3A_148 : i32
      %ne3A_166 = arith.constant 0 : i32
      %ne3A_167 = arith.cmpi ne, %rem3A_165, %ne3A_166 : i32
      %and3A_168 = arith.andi %ne3A_164, %ne3A_167 : i1
      %sub3A_169 = arith.constant 1 : i32
      %sub3A_170 = arith.subi %div3A_149, %sub3A_169 : i32
      %select_n3A_171 = arith.select %and3A_168, %sub3A_170, %div3A_149 : i32
      %add3A_172 = arith.addi %mul3A_34, %select_n3A_171 : i32
      %jit3A_173 = arith.constant 2 : i32
      %eq3A_174 = arith.constant 0 : i32
      %eq3A_175 = arith.cmpi eq, %jit3A_173, %eq3A_174 : i32
      %jit3A_176 = arith.constant 1 : i32
      %select_n3A_177 = arith.select %eq3A_175, %jit3A_176, %jit3A_173 : i32
      %rem3A_178 = arith.remsi %mul3A_90, %select_n3A_177 : i32
      %ne3A_179 = arith.constant 0 : i32
      %ne3A_180 = arith.cmpi ne, %rem3A_178, %ne3A_179 : i32
      %lt3A_181 = arith.constant 0 : i32
      %lt3A_182 = arith.cmpi slt, %rem3A_178, %lt3A_181 : i32
      %lt3A_183 = arith.constant 0 : i32
      %lt3A_184 = arith.cmpi slt, %select_n3A_177, %lt3A_183 : i32
      %ne3A_185 = arith.xori %lt3A_182, %lt3A_184 : i1
      %and3A_186 = arith.andi %ne3A_185, %ne3A_180 : i1
      %add3A_187 = arith.addi %rem3A_178, %select_n3A_177 : i32
      %select_n3A_188 = arith.select %and3A_186, %add3A_187, %rem3A_178 : i32
      %mul3A_189 = arith.constant 32 : i32
      %mul3A_190 = arith.muli %select_n3A_188, %mul3A_189 : i32
      %get3A = arith.constant 0 : i32
      %get3A_191 = arith.index_cast %get3A : i32 to index
      %get3A_192 = arith.index_cast %add3A_172 : i32 to index
      %get3A_193 = arith.constant 0 : index
      %get3A_194 = tpu.vector_load %arg8[%get3A_191, %get3A_192, %get3A_193] {strides = array<i32>} : memref<2x64x16xf32, #tpu.memory_space<vmem>>, vector<1x1x16xf32>,
      %get3A_195 = vector.shape_cast %get3A_194 : vector<1x1x16xf32> to vector<16xf32>
      %get3A_196 = arith.constant 1 : i32
      %get3A_197 = arith.index_cast %get3A_196 : i32 to index
      %get3A_198 = arith.index_cast %add3A_172 : i32 to index
      %get3A_199 = arith.constant 0 : index
      %get3A_200 = tpu.vector_load %arg8[%get3A_197, %get3A_198, %get3A_199] {strides = array<i32>} : memref<2x64x16xf32, #tpu.memory_space<vmem>>, vector<1x1x16xf32>,
      %get3A_201 = vector.shape_cast %get3A_200 : vector<1x1x16xf32> to vector<16xf32>
      %scan3A_202 = arith.constant 0 : i32
      %scan3A_203 = arith.constant 0 : i32
      %scan3A_204 = arith.constant 32 : i32
      %scan3A_205 = arith.addi %scan3A_203, %scan3A_204 : i32
      %scan3A_206 = arith.constant 1 : i32
      %scan3A_207 = scf.for %scan3A_342 = %scan3A_203 to %scan3A_205 step %scan3A_206 iter_args(%scan3A_343 = %scan3A_202) -> (i32)  : i32 {
        %get3A_344 = arith.constant 0 : i32
        %get3A_345 = arith.index_cast %get3A_344 : i32 to index
        %get3A_346 = arith.index_cast %scan3A_342 : i32 to index
        %get3A_347 = arith.constant 0 : index
        %get3A_348 = tpu.vector_load %arg5[%get3A_345, %get3A_346, %get3A_347] {strides = array<i32>} : memref<2x32x256xf32, #tpu.memory_space<vmem>>, vector<1x1x16xf32>,
        %get3A_349 = vector.shape_cast %get3A_348 : vector<1x1x16xf32> to vector<16xf32>
        %add3A_350 = arith.addi %mul3A_190, %scan3A_342 : i32
        %get3A_351 = arith.index_cast %add3A_350 : i32 to index
        %get3A_352 = arith.constant 0 : index
        %get3A_353 = tpu.vector_load %arg6[%get3A_351, %get3A_352] {strides = array<i32>} : memref<64x256xf32, #tpu.memory_space<vmem>>, vector<1x16xf32>,
        %get3A_354 = vector.shape_cast %get3A_353 : vector<1x16xf32> to vector<16xf32>
        %mul3A_355 = arith.mulf %get3A_195, %get3A_349 : vector<16xf32>
        %add3A_356 = arith.addf %get3A_354, %mul3A_355 : vector<16xf32>
        %add3A_357 = arith.addi %mul3A_190, %scan3A_342 : i32
        %swap3A = arith.index_cast %add3A_357 : i32 to index
        %swap3A_358 = arith.constant 0 : index
        %swap3A_359 = tpu.vector_load %arg6[%swap3A, %swap3A_358] {strides = array<i32>} : memref<64x256xf32, #tpu.memory_space<vmem>>, vector<1x16xf32>,
        %swap3A_360 = vector.shape_cast %swap3A_359 : vector<1x16xf32> to vector<16xf32>
        %swap3A_361 = vector.shape_cast %add3A_356 : vector<16xf32> to vector<1x16xf32>
        tpu.vector_store %arg6[%swap3A, %swap3A_358], %swap3A_361 {strides = array<i32>} : memref<64x256xf32, #tpu.memory_space<vmem>>, vector<1x16xf32>,
        %add3A_362 = arith.addi %mul3A_190, %scan3A_342 : i32
        %get3A_363 = arith.index_cast %add3A_362 : i32 to index
        %get3A_364 = arith.constant 0 : index
        %get3A_365 = tpu.vector_load %arg7[%get3A_363, %get3A_364] {strides = array<i32>} : memref<64x256xf32, #tpu.memory_space<vmem>>, vector<1x16xf32>,
        %get3A_366 = vector.shape_cast %get3A_365 : vector<1x16xf32> to vector<16xf32>
        %mul3A_367 = arith.mulf %get3A_201, %get3A_349 : vector<16xf32>
        %add3A_368 = arith.addf %get3A_366, %mul3A_367 : vector<16xf32>
        %add3A_369 = arith.addi %mul3A_190, %scan3A_342 : i32
        %swap3A_370 = arith.index_cast %add3A_369 : i32 to index
        %swap3A_371 = arith.constant 0 : index
        %swap3A_372 = tpu.vector_load %arg7[%swap3A_370, %swap3A_371] {strides = array<i32>} : memref<64x256xf32, #tpu.memory_space<vmem>>, vector<1x16xf32>,
        %swap3A_373 = vector.shape_cast %swap3A_372 : vector<1x16xf32> to vector<16xf32>
        %swap3A_374 = vector.shape_cast %add3A_368 : vector<16xf32> to vector<1x16xf32>
        tpu.vector_store %arg7[%swap3A_370, %swap3A_371], %swap3A_374 {strides = array<i32>} : memref<64x256xf32, #tpu.memory_space<vmem>>, vector<1x16xf32>,
        %get3A_375 = arith.constant 0 : i32
        %get3A_376 = arith.index_cast %get3A_375 : i32 to index
        %get3A_377 = arith.index_cast %scan3A_342 : i32 to index
        %get3A_378 = arith.constant 16 : index
        %get3A_379 = tpu.vector_load %arg5[%get3A_376, %get3A_377, %get3A_378] {strides = array<i32>} : memref<2x32x256xf32, #tpu.memory_space<vmem>>, vector<1x1x16xf32>,
        %get3A_380 = vector.shape_cast %get3A_379 : vector<1x1x16xf32> to vector<16xf32>
        %add3A_381 = arith.addi %mul3A_190, %scan3A_342 : i32
        %get3A_382 = arith.index_cast %add3A_381 : i32 to index
        %get3A_383 = arith.constant 16 : index
        %get3A_384 = tpu.vector_load %arg6[%get3A_382, %get3A_383] {strides = array<i32>} : memref<64x256xf32, #tpu.memory_space<vmem>>, vector<1x16xf32>,
        %get3A_385 = vector.shape_cast %get3A_384 : vector<1x16xf32> to vector<16xf32>
        %mul3A_386 = arith.mulf %get3A_195, %get3A_380 : vector<16xf32>
        %add3A_387 = arith.addf %get3A_385, %mul3A_386 : vector<16xf32>
        %add3A_388 = arith.addi %mul3A_190, %scan3A_342 : i32
        %swap3A_389 = arith.index_cast %add3A_388 : i32 to index
        %swap3A_390 = arith.constant 16 : index
        %swap3A_391 = tpu.vector_load %arg6[%swap3A_389, %swap3A_390] {strides = array<i32>} : memref<64x256xf32, #tpu.memory_space<vmem>>, vector<1x16xf32>,
        %swap3A_392 = vector.shape_cast %swap3A_391 : vector<1x16xf32> to vector<16xf32>
        %swap3A_393 = vector.shape_cast %add3A_387 : vector<16xf32> to vector<1x16xf32>
        tpu.vector_store %arg6[%swap3A_389, %swap3A_390], %swap3A_393 {strides = array<i32>} : memref<64x256xf32, #tpu.memory_space<vmem>>, vector<1x16xf32>,
        %add3A_394 = arith.addi %mul3A_190, %scan3A_342 : i32
        %get3A_395 = arith.index_cast %add3A_394 : i32 to index
        %get3A_396 = arith.constant 16 : index
        %get3A_397 = tpu.vector_load %arg7[%get3A_395, %get3A_396] {strides = array<i32>} : memref<64x256xf32, #tpu.memory_space<vmem>>, vector<1x16xf32>,
        %get3A_398 = vector.shape_cast %get3A_397 : vector<1x16xf32> to vector<16xf32>
        %mul3A_399 = arith.mulf %get3A_201, %get3A_380 : vector<16xf32>
        %add3A_400 = arith.addf %get3A_398, %mul3A_399 : vector<16xf32>
        %add3A_401 = arith.addi %mul3A_190, %scan3A_342 : i32
        %swap3A_402 = arith.index_cast %add3A_401 : i32 to index
        %swap3A_403 = arith.constant 16 : index
        %swap3A_404 = tpu.vector_load %arg7[%swap3A_402, %swap3A_403] {strides = array<i32>} : memref<64x256xf32, #tpu.memory_space<vmem>>, vector<1x16xf32>,
        %swap3A_405 = vector.shape_cast %swap3A_404 : vector<1x16xf32> to vector<16xf32>
        %swap3A_406 = vector.shape_cast %add3A_400 : vector<16xf32> to vector<1x16xf32>
        tpu.vector_store %arg7[%swap3A_402, %swap3A_403], %swap3A_406 {strides = array<i32>} : memref<64x256xf32, #tpu.memory_space<vmem>>, vector<1x16xf32>,
        %get3A_407 = arith.constant 0 : i32
        %get3A_408 = arith.index_cast %get3A_407 : i32 to index
        %get3A_409 = arith.index_cast %scan3A_342 : i32 to index
        %get3A_410 = arith.constant 32 : index
        %get3A_411 = tpu.vector_load %arg5[%get3A_408, %get3A_409, %get3A_410] {strides = array<i32>} : memref<2x32x256xf32, #tpu.memory_space<vmem>>, vector<1x1x16xf32>,
        %get3A_412 = vector.shape_cast %get3A_411 : vector<1x1x16xf32> to vector<16xf32>
        %add3A_413 = arith.addi %mul3A_190, %scan3A_342 : i32
        %get3A_414 = arith.index_cast %add3A_413 : i32 to index
        %get3A_415 = arith.constant 32 : index
        %get3A_416 = tpu.vector_load %arg6[%get3A_414, %get3A_415] {strides = array<i32>} : memref<64x256xf32, #tpu.memory_space<vmem>>, vector<1x16xf32>,
        %get3A_417 = vector.shape_cast %get3A_416 : vector<1x16xf32> to vector<16xf32>
        %mul3A_418 = arith.mulf %get3A_195, %get3A_412 : vector<16xf32>
        %add3A_419 = arith.addf %get3A_417, %mul3A_418 : vector<16xf32>
        %add3A_420 = arith.addi %mul3A_190, %scan3A_342 : i32
        %swap3A_421 = arith.index_cast %add3A_420 : i32 to index
        %swap3A_422 = arith.constant 32 : index
        %swap3A_423 = tpu.vector_load %arg6[%swap3A_421, %swap3A_422] {strides = array<i32>} : memref<64x256xf32, #tpu.memory_space<vmem>>, vector<1x16xf32>,
        %swap3A_424 = vector.shape_cast %swap3A_423 : vector<1x16xf32> to vector<16xf32>
        %swap3A_425 = vector.shape_cast %add3A_419 : vector<16xf32> to vector<1x16xf32>
        tpu.vector_store %arg6[%swap3A_421, %swap3A_422], %swap3A_425 {strides = array<i32>} : memref<64x256xf32, #tpu.memory_space<vmem>>, vector<1x16xf32>,
        %add3A_426 = arith.addi %mul3A_190, %scan3A_342 : i32
        %get3A_427 = arith.index_cast %add3A_426 : i32 to index
        %get3A_428 = arith.constant 32 : index
        %get3A_429 = tpu.vector_load %arg7[%get3A_427, %get3A_428] {strides = array<i32>} : memref<64x256xf32, #tpu.memory_space<vmem>>, vector<1x16xf32>,
        %get3A_430 = vector.shape_cast %get3A_429 : vector<1x16xf32> to vector<16xf32>
        %mul3A_431 = arith.mulf %get3A_201, %get3A_412 : vector<16xf32>
        %add3A_432 = arith.addf %get3A_430, %mul3A_431 : vector<16xf32>
        %add3A_433 = arith.addi %mul3A_190, %scan3A_342 : i32
        %swap3A_434 = arith.index_cast %add3A_433 : i32 to index
        %swap3A_435 = arith.constant 32 : index
        %swap3A_436 = tpu.vector_load %arg7[%swap3A_434, %swap3A_435] {strides = array<i32>} : memref<64x256xf32, #tpu.memory_space<vmem>>, vector<1x16xf32>,
        %swap3A_437 = vector.shape_cast %swap3A_436 : vector<1x16xf32> to vector<16xf32>
        %swap3A_438 = vector.shape_cast %add3A_432 : vector<16xf32> to vector<1x16xf32>
        tpu.vector_store %arg7[%swap3A_434, %swap3A_435], %swap3A_438 {strides = array<i32>} : memref<64x256xf32, #tpu.memory_space<vmem>>, vector<1x16xf32>,
        %get3A_439 = arith.constant 0 : i32
        %get3A_440 = arith.index_cast %get3A_439 : i32 to index
        %get3A_441 = arith.index_cast %scan3A_342 : i32 to index
        %get3A_442 = arith.constant 48 : index
        %get3A_443 = tpu.vector_load %arg5[%get3A_440, %get3A_441, %get3A_442] {strides = array<i32>} : memref<2x32x256xf32, #tpu.memory_space<vmem>>, vector<1x1x16xf32>,
        %get3A_444 = vector.shape_cast %get3A_443 : vector<1x1x16xf32> to vector<16xf32>
        %add3A_445 = arith.addi %mul3A_190, %scan3A_342 : i32
        %get3A_446 = arith.index_cast %add3A_445 : i32 to index
        %get3A_447 = arith.constant 48 : index
        %get3A_448 = tpu.vector_load %arg6[%get3A_446, %get3A_447] {strides = array<i32>} : memref<64x256xf32, #tpu.memory_space<vmem>>, vector<1x16xf32>,
        %get3A_449 = vector.shape_cast %get3A_448 : vector<1x16xf32> to vector<16xf32>
        %mul3A_450 = arith.mulf %get3A_195, %get3A_444 : vector<16xf32>
        %add3A_451 = arith.addf %get3A_449, %mul3A_450 : vector<16xf32>
        %add3A_452 = arith.addi %mul3A_190, %scan3A_342 : i32
        %swap3A_453 = arith.index_cast %add3A_452 : i32 to index
        %swap3A_454 = arith.constant 48 : index
        %swap3A_455 = tpu.vector_load %arg6[%swap3A_453, %swap3A_454] {strides = array<i32>} : memref<64x256xf32, #tpu.memory_space<vmem>>, vector<1x16xf32>,
        %swap3A_456 = vector.shape_cast %swap3A_455 : vector<1x16xf32> to vector<16xf32>
        %swap3A_457 = vector.shape_cast %add3A_451 : vector<16xf32> to vector<1x16xf32>
        tpu.vector_store %arg6[%swap3A_453, %swap3A_454], %swap3A_457 {strides = array<i32>} : memref<64x256xf32, #tpu.memory_space<vmem>>, vector<1x16xf32>,
        %add3A_458 = arith.addi %mul3A_190, %scan3A_342 : i32
        %get3A_459 = arith.index_cast %add3A_458 : i32 to index
        %get3A_460 = arith.constant 48 : index
        %get3A_461 = tpu.vector_load %arg7[%get3A_459, %get3A_460] {strides = array<i32>} : memref<64x256xf32, #tpu.memory_space<vmem>>, vector<1x16xf32>,
        %get3A_462 = vector.shape_cast %get3A_461 : vector<1x16xf32> to vector<16xf32>
        %mul3A_463 = arith.mulf %get3A_201, %get3A_444 : vector<16xf32>
        %add3A_464 = arith.addf %get3A_462, %mul3A_463 : vector<16xf32>
        %add3A_465 = arith.addi %mul3A_190, %scan3A_342 : i32
        %swap3A_466 = arith.index_cast %add3A_465 : i32 to index
        %swap3A_467 = arith.constant 48 : index
        %swap3A_468 = tpu.vector_load %arg7[%swap3A_466, %swap3A_467] {strides = array<i32>} : memref<64x256xf32, #tpu.memory_space<vmem>>, vector<1x16xf32>,
        %swap3A_469 = vector.shape_cast %swap3A_468 : vector<1x16xf32> to vector<16xf32>
        %swap3A_470 = vector.shape_cast %add3A_464 : vector<16xf32> to vector<1x16xf32>
        tpu.vector_store %arg7[%swap3A_466, %swap3A_467], %swap3A_470 {strides = array<i32>} : memref<64x256xf32, #tpu.memory_space<vmem>>, vector<1x16xf32>,
        %get3A_471 = arith.constant 0 : i32
        %get3A_472 = arith.index_cast %get3A_471 : i32 to index
        %get3A_473 = arith.index_cast %scan3A_342 : i32 to index
        %get3A_474 = arith.constant 64 : index
        %get3A_475 = tpu.vector_load %arg5[%get3A_472, %get3A_473, %get3A_474] {strides = array<i32>} : memref<2x32x256xf32, #tpu.memory_space<vmem>>, vector<1x1x16xf32>,
        %get3A_476 = vector.shape_cast %get3A_475 : vector<1x1x16xf32> to vector<16xf32>
        %add3A_477 = arith.addi %mul3A_190, %scan3A_342 : i32
        %get3A_478 = arith.index_cast %add3A_477 : i32 to index
        %get3A_479 = arith.constant 64 : index
        %get3A_480 = tpu.vector_load %arg6[%get3A_478, %get3A_479] {strides = array<i32>} : memref<64x256xf32, #tpu.memory_space<vmem>>, vector<1x16xf32>,
        %get3A_481 = vector.shape_cast %get3A_480 : vector<1x16xf32> to vector<16xf32>
        %mul3A_482 = arith.mulf %get3A_195, %get3A_476 : vector<16xf32>
        %add3A_483 = arith.addf %get3A_481, %mul3A_482 : vector<16xf32>
        %add3A_484 = arith.addi %mul3A_190, %scan3A_342 : i32
        %swap3A_485 = arith.index_cast %add3A_484 : i32 to index
        %swap3A_486 = arith.constant 64 : index
        %swap3A_487 = tpu.vector_load %arg6[%swap3A_485, %swap3A_486] {strides = array<i32>} : memref<64x256xf32, #tpu.memory_space<vmem>>, vector<1x16xf32>,
        %swap3A_488 = vector.shape_cast %swap3A_487 : vector<1x16xf32> to vector<16xf32>
        %swap3A_489 = vector.shape_cast %add3A_483 : vector<16xf32> to vector<1x16xf32>
        tpu.vector_store %arg6[%swap3A_485, %swap3A_486], %swap3A_489 {strides = array<i32>} : memref<64x256xf32, #tpu.memory_space<vmem>>, vector<1x16xf32>,
        %add3A_490 = arith.addi %mul3A_190, %scan3A_342 : i32
        %get3A_491 = arith.index_cast %add3A_490 : i32 to index
        %get3A_492 = arith.constant 64 : index
        %get3A_493 = tpu.vector_load %arg7[%get3A_491, %get3A_492] {strides = array<i32>} : memref<64x256xf32, #tpu.memory_space<vmem>>, vector<1x16xf32>,
        %get3A_494 = vector.shape_cast %get3A_493 : vector<1x16xf32> to vector<16xf32>
        %mul3A_495 = arith.mulf %get3A_201, %get3A_476 : vector<16xf32>
        %add3A_496 = arith.addf %get3A_494, %mul3A_495 : vector<16xf32>
        %add3A_497 = arith.addi %mul3A_190, %scan3A_342 : i32
        %swap3A_498 = arith.index_cast %add3A_497 : i32 to index
        %swap3A_499 = arith.constant 64 : index
        %swap3A_500 = tpu.vector_load %arg7[%swap3A_498, %swap3A_499] {strides = array<i32>} : memref<64x256xf32, #tpu.memory_space<vmem>>, vector<1x16xf32>,
        %swap3A_501 = vector.shape_cast %swap3A_500 : vector<1x16xf32> to vector<16xf32>
        %swap3A_502 = vector.shape_cast %add3A_496 : vector<16xf32> to vector<1x16xf32>
        tpu.vector_store %arg7[%swap3A_498, %swap3A_499], %swap3A_502 {strides = array<i32>} : memref<64x256xf32, #tpu.memory_space<vmem>>, vector<1x16xf32>,
        %get3A_503 = arith.constant 0 : i32
        %get3A_504 = arith.index_cast %get3A_503 : i32 to index
        %get3A_505 = arith.index_cast %scan3A_342 : i32 to index
        %get3A_506 = arith.constant 80 : index
        %get3A_507 = tpu.vector_load %arg5[%get3A_504, %get3A_505, %get3A_506] {strides = array<i32>} : memref<2x32x256xf32, #tpu.memory_space<vmem>>, vector<1x1x16xf32>,
        %get3A_508 = vector.shape_cast %get3A_507 : vector<1x1x16xf32> to vector<16xf32>
        %add3A_509 = arith.addi %mul3A_190, %scan3A_342 : i32
        %get3A_510 = arith.index_cast %add3A_509 : i32 to index
        %get3A_511 = arith.constant 80 : index
        %get3A_512 = tpu.vector_load %arg6[%get3A_510, %get3A_511] {strides = array<i32>} : memref<64x256xf32, #tpu.memory_space<vmem>>, vector<1x16xf32>,
        %get3A_513 = vector.shape_cast %get3A_512 : vector<1x16xf32> to vector<16xf32>
        %mul3A_514 = arith.mulf %get3A_195, %get3A_508 : vector<16xf32>
        %add3A_515 = arith.addf %get3A_513, %mul3A_514 : vector<16xf32>
        %add3A_516 = arith.addi %mul3A_190, %scan3A_342 : i32
        %swap3A_517 = arith.index_cast %add3A_516 : i32 to index
        %swap3A_518 = arith.constant 80 : index
        %swap3A_519 = tpu.vector_load %arg6[%swap3A_517, %swap3A_518] {strides = array<i32>} : memref<64x256xf32, #tpu.memory_space<vmem>>, vector<1x16xf32>,
        %swap3A_520 = vector.shape_cast %swap3A_519 : vector<1x16xf32> to vector<16xf32>
        %swap3A_521 = vector.shape_cast %add3A_515 : vector<16xf32> to vector<1x16xf32>
        tpu.vector_store %arg6[%swap3A_517, %swap3A_518], %swap3A_521 {strides = array<i32>} : memref<64x256xf32, #tpu.memory_space<vmem>>, vector<1x16xf32>,
        %add3A_522 = arith.addi %mul3A_190, %scan3A_342 : i32
        %get3A_523 = arith.index_cast %add3A_522 : i32 to index
        %get3A_524 = arith.constant 80 : index
        %get3A_525 = tpu.vector_load %arg7[%get3A_523, %get3A_524] {strides = array<i32>} : memref<64x256xf32, #tpu.memory_space<vmem>>, vector<1x16xf32>,
        %get3A_526 = vector.shape_cast %get3A_525 : vector<1x16xf32> to vector<16xf32>
        %mul3A_527 = arith.mulf %get3A_201, %get3A_508 : vector<16xf32>
        %add3A_528 = arith.addf %get3A_526, %mul3A_527 : vector<16xf32>
        %add3A_529 = arith.addi %mul3A_190, %scan3A_342 : i32
        %swap3A_530 = arith.index_cast %add3A_529 : i32 to index
        %swap3A_531 = arith.constant 80 : index
        %swap3A_532 = tpu.vector_load %arg7[%swap3A_530, %swap3A_531] {strides = array<i32>} : memref<64x256xf32, #tpu.memory_space<vmem>>, vector<1x16xf32>,
        %swap3A_533 = vector.shape_cast %swap3A_532 : vector<1x16xf32> to vector<16xf32>
        %swap3A_534 = vector.shape_cast %add3A_528 : vector<16xf32> to vector<1x16xf32>
        tpu.vector_store %arg7[%swap3A_530, %swap3A_531], %swap3A_534 {strides = array<i32>} : memref<64x256xf32, #tpu.memory_space<vmem>>, vector<1x16xf32>,
        %get3A_535 = arith.constant 0 : i32
        %get3A_536 = arith.index_cast %get3A_535 : i32 to index
        %get3A_537 = arith.index_cast %scan3A_342 : i32 to index
        %get3A_538 = arith.constant 96 : index
        %get3A_539 = tpu.vector_load %arg5[%get3A_536, %get3A_537, %get3A_538] {strides = array<i32>} : memref<2x32x256xf32, #tpu.memory_space<vmem>>, vector<1x1x16xf32>,
        %get3A_540 = vector.shape_cast %get3A_539 : vector<1x1x16xf32> to vector<16xf32>
        %add3A_541 = arith.addi %mul3A_190, %scan3A_342 : i32
        %get3A_542 = arith.index_cast %add3A_541 : i32 to index
        %get3A_543 = arith.constant 96 : index
        %get3A_544 = tpu.vector_load %arg6[%get3A_542, %get3A_543] {strides = array<i32>} : memref<64x256xf32, #tpu.memory_space<vmem>>, vector<1x16xf32>,
        %get3A_545 = vector.shape_cast %get3A_544 : vector<1x16xf32> to vector<16xf32>
        %mul3A_546 = arith.mulf %get3A_195, %get3A_540 : vector<16xf32>
        %add3A_547 = arith.addf %get3A_545, %mul3A_546 : vector<16xf32>
        %add3A_548 = arith.addi %mul3A_190, %scan3A_342 : i32
        %swap3A_549 = arith.index_cast %add3A_548 : i32 to index
        %swap3A_550 = arith.constant 96 : index
        %swap3A_551 = tpu.vector_load %arg6[%swap3A_549, %swap3A_550] {strides = array<i32>} : memref<64x256xf32, #tpu.memory_space<vmem>>, vector<1x16xf32>,
        %swap3A_552 = vector.shape_cast %swap3A_551 : vector<1x16xf32> to vector<16xf32>
        %swap3A_553 = vector.shape_cast %add3A_547 : vector<16xf32> to vector<1x16xf32>
        tpu.vector_store %arg6[%swap3A_549, %swap3A_550], %swap3A_553 {strides = array<i32>} : memref<64x256xf32, #tpu.memory_space<vmem>>, vector<1x16xf32>,
        %add3A_554 = arith.addi %mul3A_190, %scan3A_342 : i32
        %get3A_555 = arith.index_cast %add3A_554 : i32 to index
        %get3A_556 = arith.constant 96 : index
        %get3A_557 = tpu.vector_load %arg7[%get3A_555, %get3A_556] {strides = array<i32>} : memref<64x256xf32, #tpu.memory_space<vmem>>, vector<1x16xf32>,
        %get3A_558 = vector.shape_cast %get3A_557 : vector<1x16xf32> to vector<16xf32>
        %mul3A_559 = arith.mulf %get3A_201, %get3A_540 : vector<16xf32>
        %add3A_560 = arith.addf %get3A_558, %mul3A_559 : vector<16xf32>
        %add3A_561 = arith.addi %mul3A_190, %scan3A_342 : i32
        %swap3A_562 = arith.index_cast %add3A_561 : i32 to index
        %swap3A_563 = arith.constant 96 : index
        %swap3A_564 = tpu.vector_load %arg7[%swap3A_562, %swap3A_563] {strides = array<i32>} : memref<64x256xf32, #tpu.memory_space<vmem>>, vector<1x16xf32>,
        %swap3A_565 = vector.shape_cast %swap3A_564 : vector<1x16xf32> to vector<16xf32>
        %swap3A_566 = vector.shape_cast %add3A_560 : vector<16xf32> to vector<1x16xf32>
        tpu.vector_store %arg7[%swap3A_562, %swap3A_563], %swap3A_566 {strides = array<i32>} : memref<64x256xf32, #tpu.memory_space<vmem>>, vector<1x16xf32>,
        %get3A_567 = arith.constant 0 : i32
        %get3A_568 = arith.index_cast %get3A_567 : i32 to index
        %get3A_569 = arith.index_cast %scan3A_342 : i32 to index
        %get3A_570 = arith.constant 112 : index
        %get3A_571 = tpu.vector_load %arg5[%get3A_568, %get3A_569, %get3A_570] {strides = array<i32>} : memref<2x32x256xf32, #tpu.memory_space<vmem>>, vector<1x1x16xf32>,
        %get3A_572 = vector.shape_cast %get3A_571 : vector<1x1x16xf32> to vector<16xf32>
        %add3A_573 = arith.addi %mul3A_190, %scan3A_342 : i32
        %get3A_574 = arith.index_cast %add3A_573 : i32 to index
        %get3A_575 = arith.constant 112 : index
        %get3A_576 = tpu.vector_load %arg6[%get3A_574, %get3A_575] {strides = array<i32>} : memref<64x256xf32, #tpu.memory_space<vmem>>, vector<1x16xf32>,
        %get3A_577 = vector.shape_cast %get3A_576 : vector<1x16xf32> to vector<16xf32>
        %mul3A_578 = arith.mulf %get3A_195, %get3A_572 : vector<16xf32>
        %add3A_579 = arith.addf %get3A_577, %mul3A_578 : vector<16xf32>
        %add3A_580 = arith.addi %mul3A_190, %scan3A_342 : i32
        %swap3A_581 = arith.index_cast %add3A_580 : i32 to index
        %swap3A_582 = arith.constant 112 : index
        %swap3A_583 = tpu.vector_load %arg6[%swap3A_581, %swap3A_582] {strides = array<i32>} : memref<64x256xf32, #tpu.memory_space<vmem>>, vector<1x16xf32>,
        %swap3A_584 = vector.shape_cast %swap3A_583 : vector<1x16xf32> to vector<16xf32>
        %swap3A_585 = vector.shape_cast %add3A_579 : vector<16xf32> to vector<1x16xf32>
        tpu.vector_store %arg6[%swap3A_581, %swap3A_582], %swap3A_585 {strides = array<i32>} : memref<64x256xf32, #tpu.memory_space<vmem>>, vector<1x16xf32>,
        %add3A_586 = arith.addi %mul3A_190, %scan3A_342 : i32
        %get3A_587 = arith.index_cast %add3A_586 : i32 to index
        %get3A_588 = arith.constant 112 : index
        %get3A_589 = tpu.vector_load %arg7[%get3A_587, %get3A_588] {strides = array<i32>} : memref<64x256xf32, #tpu.memory_space<vmem>>, vector<1x16xf32>,
        %get3A_590 = vector.shape_cast %get3A_589 : vector<1x16xf32> to vector<16xf32>
        %mul3A_591 = arith.mulf %get3A_201, %get3A_572 : vector<16xf32>
        %add3A_592 = arith.addf %get3A_590, %mul3A_591 : vector<16xf32>
        %add3A_593 = arith.addi %mul3A_190, %scan3A_342 : i32
        %swap3A_594 = arith.index_cast %add3A_593 : i32 to index
        %swap3A_595 = arith.constant 112 : index
        %swap3A_596 = tpu.vector_load %arg7[%swap3A_594, %swap3A_595] {strides = array<i32>} : memref<64x256xf32, #tpu.memory_space<vmem>>, vector<1x16xf32>,
        %swap3A_597 = vector.shape_cast %swap3A_596 : vector<1x16xf32> to vector<16xf32>
        %swap3A_598 = vector.shape_cast %add3A_592 : vector<16xf32> to vector<1x16xf32>
        tpu.vector_store %arg7[%swap3A_594, %swap3A_595], %swap3A_598 {strides = array<i32>} : memref<64x256xf32, #tpu.memory_space<vmem>>, vector<1x16xf32>,
        %get3A_599 = arith.constant 0 : i32
        %get3A_600 = arith.index_cast %get3A_599 : i32 to index
        %get3A_601 = arith.index_cast %scan3A_342 : i32 to index
        %get3A_602 = arith.constant 128 : index
        %get3A_603 = tpu.vector_load %arg5[%get3A_600, %get3A_601, %get3A_602] {strides = array<i32>} : memref<2x32x256xf32, #tpu.memory_space<vmem>>, vector<1x1x16xf32>,
        %get3A_604 = vector.shape_cast %get3A_603 : vector<1x1x16xf32> to vector<16xf32>
        %add3A_605 = arith.addi %mul3A_190, %scan3A_342 : i32
        %get3A_606 = arith.index_cast %add3A_605 : i32 to index
        %get3A_607 = arith.constant 128 : index
        %get3A_608 = tpu.vector_load %arg6[%get3A_606, %get3A_607] {strides = array<i32>} : memref<64x256xf32, #tpu.memory_space<vmem>>, vector<1x16xf32>,
        %get3A_609 = vector.shape_cast %get3A_608 : vector<1x16xf32> to vector<16xf32>
        %mul3A_610 = arith.mulf %get3A_195, %get3A_604 : vector<16xf32>
        %add3A_611 = arith.addf %get3A_609, %mul3A_610 : vector<16xf32>
        %add3A_612 = arith.addi %mul3A_190, %scan3A_342 : i32
        %swap3A_613 = arith.index_cast %add3A_612 : i32 to index
        %swap3A_614 = arith.constant 128 : index
        %swap3A_615 = tpu.vector_load %arg6[%swap3A_613, %swap3A_614] {strides = array<i32>} : memref<64x256xf32, #tpu.memory_space<vmem>>, vector<1x16xf32>,
        %swap3A_616 = vector.shape_cast %swap3A_615 : vector<1x16xf32> to vector<16xf32>
        %swap3A_617 = vector.shape_cast %add3A_611 : vector<16xf32> to vector<1x16xf32>
        tpu.vector_store %arg6[%swap3A_613, %swap3A_614], %swap3A_617 {strides = array<i32>} : memref<64x256xf32, #tpu.memory_space<vmem>>, vector<1x16xf32>,
        %add3A_618 = arith.addi %mul3A_190, %scan3A_342 : i32
        %get3A_619 = arith.index_cast %add3A_618 : i32 to index
        %get3A_620 = arith.constant 128 : index
        %get3A_621 = tpu.vector_load %arg7[%get3A_619, %get3A_620] {strides = array<i32>} : memref<64x256xf32, #tpu.memory_space<vmem>>, vector<1x16xf32>,
        %get3A_622 = vector.shape_cast %get3A_621 : vector<1x16xf32> to vector<16xf32>
        %mul3A_623 = arith.mulf %get3A_201, %get3A_604 : vector<16xf32>
        %add3A_624 = arith.addf %get3A_622, %mul3A_623 : vector<16xf32>
        %add3A_625 = arith.addi %mul3A_190, %scan3A_342 : i32
        %swap3A_626 = arith.index_cast %add3A_625 : i32 to index
        %swap3A_627 = arith.constant 128 : index
        %swap3A_628 = tpu.vector_load %arg7[%swap3A_626, %swap3A_627] {strides = array<i32>} : memref<64x256xf32, #tpu.memory_space<vmem>>, vector<1x16xf32>,
        %swap3A_629 = vector.shape_cast %swap3A_628 : vector<1x16xf32> to vector<16xf32>
        %swap3A_630 = vector.shape_cast %add3A_624 : vector<16xf32> to vector<1x16xf32>
        tpu.vector_store %arg7[%swap3A_626, %swap3A_627], %swap3A_630 {strides = array<i32>} : memref<64x256xf32, #tpu.memory_space<vmem>>, vector<1x16xf32>,
        %get3A_631 = arith.constant 0 : i32
        %get3A_632 = arith.index_cast %get3A_631 : i32 to index
        %get3A_633 = arith.index_cast %scan3A_342 : i32 to index
        %get3A_634 = arith.constant 144 : index
        %get3A_635 = tpu.vector_load %arg5[%get3A_632, %get3A_633, %get3A_634] {strides = array<i32>} : memref<2x32x256xf32, #tpu.memory_space<vmem>>, vector<1x1x16xf32>,
        %get3A_636 = vector.shape_cast %get3A_635 : vector<1x1x16xf32> to vector<16xf32>
        %add3A_637 = arith.addi %mul3A_190, %scan3A_342 : i32
        %get3A_638 = arith.index_cast %add3A_637 : i32 to index
        %get3A_639 = arith.constant 144 : index
        %get3A_640 = tpu.vector_load %arg6[%get3A_638, %get3A_639] {strides = array<i32>} : memref<64x256xf32, #tpu.memory_space<vmem>>, vector<1x16xf32>,
        %get3A_641 = vector.shape_cast %get3A_640 : vector<1x16xf32> to vector<16xf32>
        %mul3A_642 = arith.mulf %get3A_195, %get3A_636 : vector<16xf32>
        %add3A_643 = arith.addf %get3A_641, %mul3A_642 : vector<16xf32>
        %add3A_644 = arith.addi %mul3A_190, %scan3A_342 : i32
        %swap3A_645 = arith.index_cast %add3A_644 : i32 to index
        %swap3A_646 = arith.constant 144 : index
        %swap3A_647 = tpu.vector_load %arg6[%swap3A_645, %swap3A_646] {strides = array<i32>} : memref<64x256xf32, #tpu.memory_space<vmem>>, vector<1x16xf32>,
        %swap3A_648 = vector.shape_cast %swap3A_647 : vector<1x16xf32> to vector<16xf32>
        %swap3A_649 = vector.shape_cast %add3A_643 : vector<16xf32> to vector<1x16xf32>
        tpu.vector_store %arg6[%swap3A_645, %swap3A_646], %swap3A_649 {strides = array<i32>} : memref<64x256xf32, #tpu.memory_space<vmem>>, vector<1x16xf32>,
        %add3A_650 = arith.addi %mul3A_190, %scan3A_342 : i32
        %get3A_651 = arith.index_cast %add3A_650 : i32 to index
        %get3A_652 = arith.constant 144 : index
        %get3A_653 = tpu.vector_load %arg7[%get3A_651, %get3A_652] {strides = array<i32>} : memref<64x256xf32, #tpu.memory_space<vmem>>, vector<1x16xf32>,
        %get3A_654 = vector.shape_cast %get3A_653 : vector<1x16xf32> to vector<16xf32>
        %mul3A_655 = arith.mulf %get3A_201, %get3A_636 : vector<16xf32>
        %add3A_656 = arith.addf %get3A_654, %mul3A_655 : vector<16xf32>
        %add3A_657 = arith.addi %mul3A_190, %scan3A_342 : i32
        %swap3A_658 = arith.index_cast %add3A_657 : i32 to index
        %swap3A_659 = arith.constant 144 : index
        %swap3A_660 = tpu.vector_load %arg7[%swap3A_658, %swap3A_659] {strides = array<i32>} : memref<64x256xf32, #tpu.memory_space<vmem>>, vector<1x16xf32>,
        %swap3A_661 = vector.shape_cast %swap3A_660 : vector<1x16xf32> to vector<16xf32>
        %swap3A_662 = vector.shape_cast %add3A_656 : vector<16xf32> to vector<1x16xf32>
        tpu.vector_store %arg7[%swap3A_658, %swap3A_659], %swap3A_662 {strides = array<i32>} : memref<64x256xf32, #tpu.memory_space<vmem>>, vector<1x16xf32>,
        %get3A_663 = arith.constant 0 : i32
        %get3A_664 = arith.index_cast %get3A_663 : i32 to index
        %get3A_665 = arith.index_cast %scan3A_342 : i32 to index
        %get3A_666 = arith.constant 160 : index
        %get3A_667 = tpu.vector_load %arg5[%get3A_664, %get3A_665, %get3A_666] {strides = array<i32>} : memref<2x32x256xf32, #tpu.memory_space<vmem>>, vector<1x1x16xf32>,
        %get3A_668 = vector.shape_cast %get3A_667 : vector<1x1x16xf32> to vector<16xf32>
        %add3A_669 = arith.addi %mul3A_190, %scan3A_342 : i32
        %get3A_670 = arith.index_cast %add3A_669 : i32 to index
        %get3A_671 = arith.constant 160 : index
        %get3A_672 = tpu.vector_load %arg6[%get3A_670, %get3A_671] {strides = array<i32>} : memref<64x256xf32, #tpu.memory_space<vmem>>, vector<1x16xf32>,
        %get3A_673 = vector.shape_cast %get3A_672 : vector<1x16xf32> to vector<16xf32>
        %mul3A_674 = arith.mulf %get3A_195, %get3A_668 : vector<16xf32>
        %add3A_675 = arith.addf %get3A_673, %mul3A_674 : vector<16xf32>
        %add3A_676 = arith.addi %mul3A_190, %scan3A_342 : i32
        %swap3A_677 = arith.index_cast %add3A_676 : i32 to index
        %swap3A_678 = arith.constant 160 : index
        %swap3A_679 = tpu.vector_load %arg6[%swap3A_677, %swap3A_678] {strides = array<i32>} : memref<64x256xf32, #tpu.memory_space<vmem>>, vector<1x16xf32>,
        %swap3A_680 = vector.shape_cast %swap3A_679 : vector<1x16xf32> to vector<16xf32>
        %swap3A_681 = vector.shape_cast %add3A_675 : vector<16xf32> to vector<1x16xf32>
        tpu.vector_store %arg6[%swap3A_677, %swap3A_678], %swap3A_681 {strides = array<i32>} : memref<64x256xf32, #tpu.memory_space<vmem>>, vector<1x16xf32>,
        %add3A_682 = arith.addi %mul3A_190, %scan3A_342 : i32
        %get3A_683 = arith.index_cast %add3A_682 : i32 to index
        %get3A_684 = arith.constant 160 : index
        %get3A_685 = tpu.vector_load %arg7[%get3A_683, %get3A_684] {strides = array<i32>} : memref<64x256xf32, #tpu.memory_space<vmem>>, vector<1x16xf32>,
        %get3A_686 = vector.shape_cast %get3A_685 : vector<1x16xf32> to vector<16xf32>
        %mul3A_687 = arith.mulf %get3A_201, %get3A_668 : vector<16xf32>
        %add3A_688 = arith.addf %get3A_686, %mul3A_687 : vector<16xf32>
        %add3A_689 = arith.addi %mul3A_190, %scan3A_342 : i32
        %swap3A_690 = arith.index_cast %add3A_689 : i32 to index
        %swap3A_691 = arith.constant 160 : index
        %swap3A_692 = tpu.vector_load %arg7[%swap3A_690, %swap3A_691] {strides = array<i32>} : memref<64x256xf32, #tpu.memory_space<vmem>>, vector<1x16xf32>,
        %swap3A_693 = vector.shape_cast %swap3A_692 : vector<1x16xf32> to vector<16xf32>
        %swap3A_694 = vector.shape_cast %add3A_688 : vector<16xf32> to vector<1x16xf32>
        tpu.vector_store %arg7[%swap3A_690, %swap3A_691], %swap3A_694 {strides = array<i32>} : memref<64x256xf32, #tpu.memory_space<vmem>>, vector<1x16xf32>,
        %get3A_695 = arith.constant 0 : i32
        %get3A_696 = arith.index_cast %get3A_695 : i32 to index
        %get3A_697 = arith.index_cast %scan3A_342 : i32 to index
        %get3A_698 = arith.constant 176 : index
        %get3A_699 = tpu.vector_load %arg5[%get3A_696, %get3A_697, %get3A_698] {strides = array<i32>} : memref<2x32x256xf32, #tpu.memory_space<vmem>>, vector<1x1x16xf32>,
        %get3A_700 = vector.shape_cast %get3A_699 : vector<1x1x16xf32> to vector<16xf32>
        %add3A_701 = arith.addi %mul3A_190, %scan3A_342 : i32
        %get3A_702 = arith.index_cast %add3A_701 : i32 to index
        %get3A_703 = arith.constant 176 : index
        %get3A_704 = tpu.vector_load %arg6[%get3A_702, %get3A_703] {strides = array<i32>} : memref<64x256xf32, #tpu.memory_space<vmem>>, vector<1x16xf32>,
        %get3A_705 = vector.shape_cast %get3A_704 : vector<1x16xf32> to vector<16xf32>
        %mul3A_706 = arith.mulf %get3A_195, %get3A_700 : vector<16xf32>
        %add3A_707 = arith.addf %get3A_705, %mul3A_706 : vector<16xf32>
        %add3A_708 = arith.addi %mul3A_190, %scan3A_342 : i32
        %swap3A_709 = arith.index_cast %add3A_708 : i32 to index
        %swap3A_710 = arith.constant 176 : index
        %swap3A_711 = tpu.vector_load %arg6[%swap3A_709, %swap3A_710] {strides = array<i32>} : memref<64x256xf32, #tpu.memory_space<vmem>>, vector<1x16xf32>,
        %swap3A_712 = vector.shape_cast %swap3A_711 : vector<1x16xf32> to vector<16xf32>
        %swap3A_713 = vector.shape_cast %add3A_707 : vector<16xf32> to vector<1x16xf32>
        tpu.vector_store %arg6[%swap3A_709, %swap3A_710], %swap3A_713 {strides = array<i32>} : memref<64x256xf32, #tpu.memory_space<vmem>>, vector<1x16xf32>,
        %add3A_714 = arith.addi %mul3A_190, %scan3A_342 : i32
        %get3A_715 = arith.index_cast %add3A_714 : i32 to index
        %get3A_716 = arith.constant 176 : index
        %get3A_717 = tpu.vector_load %arg7[%get3A_715, %get3A_716] {strides = array<i32>} : memref<64x256xf32, #tpu.memory_space<vmem>>, vector<1x16xf32>,
        %get3A_718 = vector.shape_cast %get3A_717 : vector<1x16xf32> to vector<16xf32>
        %mul3A_719 = arith.mulf %get3A_201, %get3A_700 : vector<16xf32>
        %add3A_720 = arith.addf %get3A_718, %mul3A_719 : vector<16xf32>
        %add3A_721 = arith.addi %mul3A_190, %scan3A_342 : i32
        %swap3A_722 = arith.index_cast %add3A_721 : i32 to index
        %swap3A_723 = arith.constant 176 : index
        %swap3A_724 = tpu.vector_load %arg7[%swap3A_722, %swap3A_723] {strides = array<i32>} : memref<64x256xf32, #tpu.memory_space<vmem>>, vector<1x16xf32>,
        %swap3A_725 = vector.shape_cast %swap3A_724 : vector<1x16xf32> to vector<16xf32>
        %swap3A_726 = vector.shape_cast %add3A_720 : vector<16xf32> to vector<1x16xf32>
        tpu.vector_store %arg7[%swap3A_722, %swap3A_723], %swap3A_726 {strides = array<i32>} : memref<64x256xf32, #tpu.memory_space<vmem>>, vector<1x16xf32>,
        %get3A_727 = arith.constant 0 : i32
        %get3A_728 = arith.index_cast %get3A_727 : i32 to index
        %get3A_729 = arith.index_cast %scan3A_342 : i32 to index
        %get3A_730 = arith.constant 192 : index
        %get3A_731 = tpu.vector_load %arg5[%get3A_728, %get3A_729, %get3A_730] {strides = array<i32>} : memref<2x32x256xf32, #tpu.memory_space<vmem>>, vector<1x1x16xf32>,
        %get3A_732 = vector.shape_cast %get3A_731 : vector<1x1x16xf32> to vector<16xf32>
        %add3A_733 = arith.addi %mul3A_190, %scan3A_342 : i32
        %get3A_734 = arith.index_cast %add3A_733 : i32 to index
        %get3A_735 = arith.constant 192 : index
        %get3A_736 = tpu.vector_load %arg6[%get3A_734, %get3A_735] {strides = array<i32>} : memref<64x256xf32, #tpu.memory_space<vmem>>, vector<1x16xf32>,
        %get3A_737 = vector.shape_cast %get3A_736 : vector<1x16xf32> to vector<16xf32>
        %mul3A_738 = arith.mulf %get3A_195, %get3A_732 : vector<16xf32>
        %add3A_739 = arith.addf %get3A_737, %mul3A_738 : vector<16xf32>
        %add3A_740 = arith.addi %mul3A_190, %scan3A_342 : i32
        %swap3A_741 = arith.index_cast %add3A_740 : i32 to index
        %swap3A_742 = arith.constant 192 : index
        %swap3A_743 = tpu.vector_load %arg6[%swap3A_741, %swap3A_742] {strides = array<i32>} : memref<64x256xf32, #tpu.memory_space<vmem>>, vector<1x16xf32>,
        %swap3A_744 = vector.shape_cast %swap3A_743 : vector<1x16xf32> to vector<16xf32>
        %swap3A_745 = vector.shape_cast %add3A_739 : vector<16xf32> to vector<1x16xf32>
        tpu.vector_store %arg6[%swap3A_741, %swap3A_742], %swap3A_745 {strides = array<i32>} : memref<64x256xf32, #tpu.memory_space<vmem>>, vector<1x16xf32>,
        %add3A_746 = arith.addi %mul3A_190, %scan3A_342 : i32
        %get3A_747 = arith.index_cast %add3A_746 : i32 to index
        %get3A_748 = arith.constant 192 : index
        %get3A_749 = tpu.vector_load %arg7[%get3A_747, %get3A_748] {strides = array<i32>} : memref<64x256xf32, #tpu.memory_space<vmem>>, vector<1x16xf32>,
        %get3A_750 = vector.shape_cast %get3A_749 : vector<1x16xf32> to vector<16xf32>
        %mul3A_751 = arith.mulf %get3A_201, %get3A_732 : vector<16xf32>
        %add3A_752 = arith.addf %get3A_750, %mul3A_751 : vector<16xf32>
        %add3A_753 = arith.addi %mul3A_190, %scan3A_342 : i32
        %swap3A_754 = arith.index_cast %add3A_753 : i32 to index
        %swap3A_755 = arith.constant 192 : index
        %swap3A_756 = tpu.vector_load %arg7[%swap3A_754, %swap3A_755] {strides = array<i32>} : memref<64x256xf32, #tpu.memory_space<vmem>>, vector<1x16xf32>,
        %swap3A_757 = vector.shape_cast %swap3A_756 : vector<1x16xf32> to vector<16xf32>
        %swap3A_758 = vector.shape_cast %add3A_752 : vector<16xf32> to vector<1x16xf32>
        tpu.vector_store %arg7[%swap3A_754, %swap3A_755], %swap3A_758 {strides = array<i32>} : memref<64x256xf32, #tpu.memory_space<vmem>>, vector<1x16xf32>,
        %get3A_759 = arith.constant 0 : i32
        %get3A_760 = arith.index_cast %get3A_759 : i32 to index
        %get3A_761 = arith.index_cast %scan3A_342 : i32 to index
        %get3A_762 = arith.constant 208 : index
        %get3A_763 = tpu.vector_load %arg5[%get3A_760, %get3A_761, %get3A_762] {strides = array<i32>} : memref<2x32x256xf32, #tpu.memory_space<vmem>>, vector<1x1x16xf32>,
        %get3A_764 = vector.shape_cast %get3A_763 : vector<1x1x16xf32> to vector<16xf32>
        %add3A_765 = arith.addi %mul3A_190, %scan3A_342 : i32
        %get3A_766 = arith.index_cast %add3A_765 : i32 to index
        %get3A_767 = arith.constant 208 : index
        %get3A_768 = tpu.vector_load %arg6[%get3A_766, %get3A_767] {strides = array<i32>} : memref<64x256xf32, #tpu.memory_space<vmem>>, vector<1x16xf32>,
        %get3A_769 = vector.shape_cast %get3A_768 : vector<1x16xf32> to vector<16xf32>
        %mul3A_770 = arith.mulf %get3A_195, %get3A_764 : vector<16xf32>
        %add3A_771 = arith.addf %get3A_769, %mul3A_770 : vector<16xf32>
        %add3A_772 = arith.addi %mul3A_190, %scan3A_342 : i32
        %swap3A_773 = arith.index_cast %add3A_772 : i32 to index
        %swap3A_774 = arith.constant 208 : index
        %swap3A_775 = tpu.vector_load %arg6[%swap3A_773, %swap3A_774] {strides = array<i32>} : memref<64x256xf32, #tpu.memory_space<vmem>>, vector<1x16xf32>,
        %swap3A_776 = vector.shape_cast %swap3A_775 : vector<1x16xf32> to vector<16xf32>
        %swap3A_777 = vector.shape_cast %add3A_771 : vector<16xf32> to vector<1x16xf32>
        tpu.vector_store %arg6[%swap3A_773, %swap3A_774], %swap3A_777 {strides = array<i32>} : memref<64x256xf32, #tpu.memory_space<vmem>>, vector<1x16xf32>,
        %add3A_778 = arith.addi %mul3A_190, %scan3A_342 : i32
        %get3A_779 = arith.index_cast %add3A_778 : i32 to index
        %get3A_780 = arith.constant 208 : index
        %get3A_781 = tpu.vector_load %arg7[%get3A_779, %get3A_780] {strides = array<i32>} : memref<64x256xf32, #tpu.memory_space<vmem>>, vector<1x16xf32>,
        %get3A_782 = vector.shape_cast %get3A_781 : vector<1x16xf32> to vector<16xf32>
        %mul3A_783 = arith.mulf %get3A_201, %get3A_764 : vector<16xf32>
        %add3A_784 = arith.addf %get3A_782, %mul3A_783 : vector<16xf32>
        %add3A_785 = arith.addi %mul3A_190, %scan3A_342 : i32
        %swap3A_786 = arith.index_cast %add3A_785 : i32 to index
        %swap3A_787 = arith.constant 208 : index
        %swap3A_788 = tpu.vector_load %arg7[%swap3A_786, %swap3A_787] {strides = array<i32>} : memref<64x256xf32, #tpu.memory_space<vmem>>, vector<1x16xf32>,
        %swap3A_789 = vector.shape_cast %swap3A_788 : vector<1x16xf32> to vector<16xf32>
        %swap3A_790 = vector.shape_cast %add3A_784 : vector<16xf32> to vector<1x16xf32>
        tpu.vector_store %arg7[%swap3A_786, %swap3A_787], %swap3A_790 {strides = array<i32>} : memref<64x256xf32, #tpu.memory_space<vmem>>, vector<1x16xf32>,
        %get3A_791 = arith.constant 0 : i32
        %get3A_792 = arith.index_cast %get3A_791 : i32 to index
        %get3A_793 = arith.index_cast %scan3A_342 : i32 to index
        %get3A_794 = arith.constant 224 : index
        %get3A_795 = tpu.vector_load %arg5[%get3A_792, %get3A_793, %get3A_794] {strides = array<i32>} : memref<2x32x256xf32, #tpu.memory_space<vmem>>, vector<1x1x16xf32>,
        %get3A_796 = vector.shape_cast %get3A_795 : vector<1x1x16xf32> to vector<16xf32>
        %add3A_797 = arith.addi %mul3A_190, %scan3A_342 : i32
        %get3A_798 = arith.index_cast %add3A_797 : i32 to index
        %get3A_799 = arith.constant 224 : index
        %get3A_800 = tpu.vector_load %arg6[%get3A_798, %get3A_799] {strides = array<i32>} : memref<64x256xf32, #tpu.memory_space<vmem>>, vector<1x16xf32>,
        %get3A_801 = vector.shape_cast %get3A_800 : vector<1x16xf32> to vector<16xf32>
        %mul3A_802 = arith.mulf %get3A_195, %get3A_796 : vector<16xf32>
        %add3A_803 = arith.addf %get3A_801, %mul3A_802 : vector<16xf32>
        %add3A_804 = arith.addi %mul3A_190, %scan3A_342 : i32
        %swap3A_805 = arith.index_cast %add3A_804 : i32 to index
        %swap3A_806 = arith.constant 224 : index
        %swap3A_807 = tpu.vector_load %arg6[%swap3A_805, %swap3A_806] {strides = array<i32>} : memref<64x256xf32, #tpu.memory_space<vmem>>, vector<1x16xf32>,
        %swap3A_808 = vector.shape_cast %swap3A_807 : vector<1x16xf32> to vector<16xf32>
        %swap3A_809 = vector.shape_cast %add3A_803 : vector<16xf32> to vector<1x16xf32>
        tpu.vector_store %arg6[%swap3A_805, %swap3A_806], %swap3A_809 {strides = array<i32>} : memref<64x256xf32, #tpu.memory_space<vmem>>, vector<1x16xf32>,
        %add3A_810 = arith.addi %mul3A_190, %scan3A_342 : i32
        %get3A_811 = arith.index_cast %add3A_810 : i32 to index
        %get3A_812 = arith.constant 224 : index
        %get3A_813 = tpu.vector_load %arg7[%get3A_811, %get3A_812] {strides = array<i32>} : memref<64x256xf32, #tpu.memory_space<vmem>>, vector<1x16xf32>,
        %get3A_814 = vector.shape_cast %get3A_813 : vector<1x16xf32> to vector<16xf32>
        %mul3A_815 = arith.mulf %get3A_201, %get3A_796 : vector<16xf32>
        %add3A_816 = arith.addf %get3A_814, %mul3A_815 : vector<16xf32>
        %add3A_817 = arith.addi %mul3A_190, %scan3A_342 : i32
        %swap3A_818 = arith.index_cast %add3A_817 : i32 to index
        %swap3A_819 = arith.constant 224 : index
        %swap3A_820 = tpu.vector_load %arg7[%swap3A_818, %swap3A_819] {strides = array<i32>} : memref<64x256xf32, #tpu.memory_space<vmem>>, vector<1x16xf32>,
        %swap3A_821 = vector.shape_cast %swap3A_820 : vector<1x16xf32> to vector<16xf32>
        %swap3A_822 = vector.shape_cast %add3A_816 : vector<16xf32> to vector<1x16xf32>
        tpu.vector_store %arg7[%swap3A_818, %swap3A_819], %swap3A_822 {strides = array<i32>} : memref<64x256xf32, #tpu.memory_space<vmem>>, vector<1x16xf32>,
        %get3A_823 = arith.constant 0 : i32
        %get3A_824 = arith.index_cast %get3A_823 : i32 to index
        %get3A_825 = arith.index_cast %scan3A_342 : i32 to index
        %get3A_826 = arith.constant 240 : index
        %get3A_827 = tpu.vector_load %arg5[%get3A_824, %get3A_825, %get3A_826] {strides = array<i32>} : memref<2x32x256xf32, #tpu.memory_space<vmem>>, vector<1x1x16xf32>,
        %get3A_828 = vector.shape_cast %get3A_827 : vector<1x1x16xf32> to vector<16xf32>
        %add3A_829 = arith.addi %mul3A_190, %scan3A_342 : i32
        %get3A_830 = arith.index_cast %add3A_829 : i32 to index
        %get3A_831 = arith.constant 240 : index
        %get3A_832 = tpu.vector_load %arg6[%get3A_830, %get3A_831] {strides = array<i32>} : memref<64x256xf32, #tpu.memory_space<vmem>>, vector<1x16xf32>,
        %get3A_833 = vector.shape_cast %get3A_832 : vector<1x16xf32> to vector<16xf32>
        %mul3A_834 = arith.mulf %get3A_195, %get3A_828 : vector<16xf32>
        %add3A_835 = arith.addf %get3A_833, %mul3A_834 : vector<16xf32>
        %add3A_836 = arith.addi %mul3A_190, %scan3A_342 : i32
        %swap3A_837 = arith.index_cast %add3A_836 : i32 to index
        %swap3A_838 = arith.constant 240 : index
        %swap3A_839 = tpu.vector_load %arg6[%swap3A_837, %swap3A_838] {strides = array<i32>} : memref<64x256xf32, #tpu.memory_space<vmem>>, vector<1x16xf32>,
        %swap3A_840 = vector.shape_cast %swap3A_839 : vector<1x16xf32> to vector<16xf32>
        %swap3A_841 = vector.shape_cast %add3A_835 : vector<16xf32> to vector<1x16xf32>
        tpu.vector_store %arg6[%swap3A_837, %swap3A_838], %swap3A_841 {strides = array<i32>} : memref<64x256xf32, #tpu.memory_space<vmem>>, vector<1x16xf32>,
        %add3A_842 = arith.addi %mul3A_190, %scan3A_342 : i32
        %get3A_843 = arith.index_cast %add3A_842 : i32 to index
        %get3A_844 = arith.constant 240 : index
        %get3A_845 = tpu.vector_load %arg7[%get3A_843, %get3A_844] {strides = array<i32>} : memref<64x256xf32, #tpu.memory_space<vmem>>, vector<1x16xf32>,
        %get3A_846 = vector.shape_cast %get3A_845 : vector<1x16xf32> to vector<16xf32>
        %mul3A_847 = arith.mulf %get3A_201, %get3A_828 : vector<16xf32>
        %add3A_848 = arith.addf %get3A_846, %mul3A_847 : vector<16xf32>
        %add3A_849 = arith.addi %mul3A_190, %scan3A_342 : i32
        %swap3A_850 = arith.index_cast %add3A_849 : i32 to index
        %swap3A_851 = arith.constant 240 : index
        %swap3A_852 = tpu.vector_load %arg7[%swap3A_850, %swap3A_851] {strides = array<i32>} : memref<64x256xf32, #tpu.memory_space<vmem>>, vector<1x16xf32>,
        %swap3A_853 = vector.shape_cast %swap3A_852 : vector<1x16xf32> to vector<16xf32>
        %swap3A_854 = vector.shape_cast %add3A_848 : vector<16xf32> to vector<1x16xf32>
        tpu.vector_store %arg7[%swap3A_850, %swap3A_851], %swap3A_854 {strides = array<i32>} : memref<64x256xf32, #tpu.memory_space<vmem>>, vector<1x16xf32>,
        %scan3A_855 = arith.constant 0 : i32
        scf.yield %scan3A_855 : i32
      }
      %scan3A_208 = arith.constant 32 : i32
      %lt3A_209 = arith.constant 14 : i32
      %lt3A_210 = arith.cmpi slt, %mul3A_90, %lt3A_209 : i32
      %convert_element_type3A = arith.extui %lt3A_210 : i1 to i32
      %cond3A = arith.constant 0 : i32
      %cond3A_211 = arith.cmpi ne, %convert_element_type3A, %cond3A : i32
      scf.if %cond3A_211 {
        %add3A_342 = arith.constant 2 : i32
        %add3A_343 = arith.addi %mul3A_90, %add3A_342 : i32
        %jit3A_344 = arith.constant 2 : i32
        %div3A_345 = arith.divsi %add3A_343, %jit3A_344 : i32
        %sign3A_346 = arith.constant 0 : i32
        %sign3A_347 = arith.cmpi sgt, %add3A_343, %sign3A_346 : i32
        %sign3A_348 = arith.extui %sign3A_347 : i1 to i32
        %sign3A_349 = arith.constant 0 : i32
        %sign3A_350 = arith.cmpi slt, %add3A_343, %sign3A_349 : i32
        %sign3A_351 = arith.extui %sign3A_350 : i1 to i32
        %sign3A_352 = arith.subi %sign3A_348, %sign3A_351 : i32
        %sign3A_353 = arith.constant 0 : i32
        %sign3A_354 = arith.cmpi sgt, %jit3A_344, %sign3A_353 : i32
        %sign3A_355 = arith.extui %sign3A_354 : i1 to i32
        %sign3A_356 = arith.constant 0 : i32
        %sign3A_357 = arith.cmpi slt, %jit3A_344, %sign3A_356 : i32
        %sign3A_358 = arith.extui %sign3A_357 : i1 to i32
        %sign3A_359 = arith.subi %sign3A_355, %sign3A_358 : i32
        %ne3A_360 = arith.cmpi ne, %sign3A_352, %sign3A_359 : i32
        %rem3A_361 = arith.remsi %add3A_343, %jit3A_344 : i32
        %ne3A_362 = arith.constant 0 : i32
        %ne3A_363 = arith.cmpi ne, %rem3A_361, %ne3A_362 : i32
        %and3A_364 = arith.andi %ne3A_360, %ne3A_363 : i1
        %sub3A_365 = arith.constant 1 : i32
        %sub3A_366 = arith.subi %div3A_345, %sub3A_365 : i32
        %select_n3A_367 = arith.select %and3A_364, %sub3A_366, %div3A_345 : i32
        %add3A_368 = arith.addi %mul3A_34, %select_n3A_367 : i32
        %jit3A_369 = arith.constant 2 : i32
        %eq3A_370 = arith.constant 0 : i32
        %eq3A_371 = arith.cmpi eq, %jit3A_369, %eq3A_370 : i32
        %jit3A_372 = arith.constant 1 : i32
        %select_n3A_373 = arith.select %eq3A_371, %jit3A_372, %jit3A_369 : i32
        %rem3A_374 = arith.remsi %add3A_343, %select_n3A_373 : i32
        %ne3A_375 = arith.constant 0 : i32
        %ne3A_376 = arith.cmpi ne, %rem3A_374, %ne3A_375 : i32
        %lt3A_377 = arith.constant 0 : i32
        %lt3A_378 = arith.cmpi slt, %rem3A_374, %lt3A_377 : i32
        %lt3A_379 = arith.constant 0 : i32
        %lt3A_380 = arith.cmpi slt, %select_n3A_373, %lt3A_379 : i32
        %ne3A_381 = arith.xori %lt3A_378, %lt3A_380 : i1
        %and3A_382 = arith.andi %ne3A_381, %ne3A_376 : i1
        %add3A_383 = arith.addi %rem3A_374, %select_n3A_373 : i32
        %select_n3A_384 = arith.select %and3A_382, %add3A_383, %rem3A_374 : i32
        %mul3A_385 = arith.constant 32 : i32
        %mul3A_386 = arith.muli %select_n3A_384, %mul3A_385 : i32
        %dma_start3A_387 = arith.constant 0 : i32
        %dma_start3A_388 = arith.constant 0 : i32
        %dma_start3A_389 = arith.constant 0 : i32
        %dma_start3A_390 = tpu.memref_slice %arg5[%dma_start3A_387, %dma_start3A_388, %dma_start3A_389] : memref<2x32x256xf32, #tpu.memory_space<vmem>> -> memref<1x32x256xf32, #tpu.memory_space<vmem>>
        %dma_start3A_391 = tpu.memref_squeeze %dma_start3A_390 : memref<1x32x256xf32, #tpu.memory_space<vmem>> -> memref<32x256xf32, #tpu.memory_space<vmem>>
        %dma_start3A_392 = arith.constant 0 : i32
        %dma_start3A_393 = tpu.memref_slice %arg2[%add3A_18, %add3A_368, %mul3A_386, %dma_start3A_392] : memref<32x64x64x256xf32, #tpu.memory_space<hbm>> -> memref<1x1x32x256xf32, #tpu.memory_space<hbm>>
        %dma_start3A_394 = tpu.memref_squeeze %dma_start3A_393 : memref<1x1x32x256xf32, #tpu.memory_space<hbm>> -> memref<32x256xf32, #tpu.memory_space<hbm>>
        %dma_start3A_395 = arith.constant 0 : i32
        %dma_start3A_396 = arith.constant 0 : i32
        %dma_start3A_397 = tpu.memref_slice %arg5[%dma_start3A_387, %dma_start3A_395, %dma_start3A_396] : memref<2x32x256xf32, #tpu.memory_space<vmem>> -> memref<1x32x256xf32, #tpu.memory_space<vmem>>
        %dma_start3A_398 = tpu.memref_squeeze %dma_start3A_397 : memref<1x32x256xf32, #tpu.memory_space<vmem>> -> memref<32x256xf32, #tpu.memory_space<vmem>>
        %dma_start3A_399 = arith.constant 0 : i32
        %dma_start3A_400 = tpu.memref_slice %arg2[%add3A_18, %add3A_368, %mul3A_386, %dma_start3A_399] : memref<32x64x64x256xf32, #tpu.memory_space<hbm>> -> memref<1x1x32x256xf32, #tpu.memory_space<hbm>>
        %dma_start3A_401 = tpu.memref_squeeze %dma_start3A_400 : memref<1x1x32x256xf32, #tpu.memory_space<hbm>> -> memref<32x256xf32, #tpu.memory_space<hbm>>
        tpu.enqueue_dma source(%dma_start3A_401 : memref<32x256xf32, #tpu.memory_space<hbm>>) target(%dma_start3A_398 : memref<32x256xf32, #tpu.memory_space<vmem>>) target_semaphore(%arg9 : memref<!tpu.dma_semaphore, #tpu.memory_space<semaphore_mem>>)
      } else {
      }
      %mul3A_212 = arith.constant 2 : i32
      %mul3A_213 = arith.muli %mul3A_212, %scan3A_87 : i32
      %add3A_214 = arith.constant 1 : i32
      %add3A_215 = arith.addi %mul3A_213, %add3A_214 : i32
      %jit3A_216 = arith.constant 2 : i32
      %div3A_217 = arith.divsi %add3A_215, %jit3A_216 : i32
      %sign3A_218 = arith.constant 0 : i32
      %sign3A_219 = arith.cmpi sgt, %add3A_215, %sign3A_218 : i32
      %sign3A_220 = arith.extui %sign3A_219 : i1 to i32
      %sign3A_221 = arith.constant 0 : i32
      %sign3A_222 = arith.cmpi slt, %add3A_215, %sign3A_221 : i32
      %sign3A_223 = arith.extui %sign3A_222 : i1 to i32
      %sign3A_224 = arith.subi %sign3A_220, %sign3A_223 : i32
      %sign3A_225 = arith.constant 0 : i32
      %sign3A_226 = arith.cmpi sgt, %jit3A_216, %sign3A_225 : i32
      %sign3A_227 = arith.extui %sign3A_226 : i1 to i32
      %sign3A_228 = arith.constant 0 : i32
      %sign3A_229 = arith.cmpi slt, %jit3A_216, %sign3A_228 : i32
      %sign3A_230 = arith.extui %sign3A_229 : i1 to i32
      %sign3A_231 = arith.subi %sign3A_227, %sign3A_230 : i32
      %ne3A_232 = arith.cmpi ne, %sign3A_224, %sign3A_231 : i32
      %rem3A_233 = arith.remsi %add3A_215, %jit3A_216 : i32
      %ne3A_234 = arith.constant 0 : i32
      %ne3A_235 = arith.cmpi ne, %rem3A_233, %ne3A_234 : i32
      %and3A_236 = arith.andi %ne3A_232, %ne3A_235 : i1
      %sub3A_237 = arith.constant 1 : i32
      %sub3A_238 = arith.subi %div3A_217, %sub3A_237 : i32
      %select_n3A_239 = arith.select %and3A_236, %sub3A_238, %div3A_217 : i32
      %add3A_240 = arith.addi %mul3A_34, %select_n3A_239 : i32
      %jit3A_241 = arith.constant 2 : i32
      %eq3A_242 = arith.constant 0 : i32
      %eq3A_243 = arith.cmpi eq, %jit3A_241, %eq3A_242 : i32
      %jit3A_244 = arith.constant 1 : i32
      %select_n3A_245 = arith.select %eq3A_243, %jit3A_244, %jit3A_241 : i32
      %rem3A_246 = arith.remsi %add3A_215, %select_n3A_245 : i32
      %ne3A_247 = arith.constant 0 : i32
      %ne3A_248 = arith.cmpi ne, %rem3A_246, %ne3A_247 : i32
      %lt3A_249 = arith.constant 0 : i32
      %lt3A_250 = arith.cmpi slt, %rem3A_246, %lt3A_249 : i32
      %lt3A_251 = arith.constant 0 : i32
      %lt3A_252 = arith.cmpi slt, %select_n3A_245, %lt3A_251 : i32
      %ne3A_253 = arith.xori %lt3A_250, %lt3A_252 : i1
      %and3A_254 = arith.andi %ne3A_253, %ne3A_248 : i1
      %add3A_255 = arith.addi %rem3A_246, %select_n3A_245 : i32
      %select_n3A_256 = arith.select %and3A_254, %add3A_255, %rem3A_246 : i32
      %mul3A_257 = arith.constant 32 : i32
      %mul3A_258 = arith.muli %select_n3A_256, %mul3A_257 : i32
      %dma_wait3A_259 = arith.constant 1 : i32
      %dma_wait3A_260 = arith.constant 0 : i32
      %dma_wait3A_261 = arith.constant 0 : i32
      %dma_wait3A_262 = tpu.memref_slice %arg5[%dma_wait3A_259, %dma_wait3A_260, %dma_wait3A_261] : memref<2x32x256xf32, #tpu.memory_space<vmem>> -> memref<1x32x256xf32, #tpu.memory_space<vmem>>
      %dma_wait3A_263 = tpu.memref_squeeze %dma_wait3A_262 : memref<1x32x256xf32, #tpu.memory_space<vmem>> -> memref<32x256xf32, #tpu.memory_space<vmem>>
      %dma_wait3A_264 = arith.constant 0 : i32
      %dma_wait3A_265 = tpu.memref_slice %arg2[%add3A_18, %add3A_240, %mul3A_258, %dma_wait3A_264] : memref<32x64x64x256xf32, #tpu.memory_space<hbm>> -> memref<1x1x32x256xf32, #tpu.memory_space<hbm>>
      %dma_wait3A_266 = tpu.memref_squeeze %dma_wait3A_265 : memref<1x1x32x256xf32, #tpu.memory_space<hbm>> -> memref<32x256xf32, #tpu.memory_space<hbm>>
      %dma_wait3A_267 = arith.constant 0 : i32
      %dma_wait3A_268 = arith.constant 0 : i32
      %dma_wait3A_269 = tpu.memref_slice %arg5[%dma_wait3A_259, %dma_wait3A_267, %dma_wait3A_268] : memref<2x32x256xf32, #tpu.memory_space<vmem>> -> memref<1x32x256xf32, #tpu.memory_space<vmem>>
      %dma_wait3A_270 = tpu.memref_squeeze %dma_wait3A_269 : memref<1x32x256xf32, #tpu.memory_space<vmem>> -> memref<32x256xf32, #tpu.memory_space<vmem>>
      %dma_wait3A_271 = arith.constant 0 : i32
      %dma_wait3A_272 = tpu.memref_slice %arg2[%add3A_18, %add3A_240, %mul3A_258, %dma_wait3A_271] : memref<32x64x64x256xf32, #tpu.memory_space<hbm>> -> memref<1x1x32x256xf32, #tpu.memory_space<hbm>>
      %dma_wait3A_273 = tpu.memref_squeeze %dma_wait3A_272 : memref<1x1x32x256xf32, #tpu.memory_space<hbm>> -> memref<32x256xf32, #tpu.memory_space<hbm>>
      tpu.wait_dma2 semaphore(%arg10 : memref<!tpu.dma_semaphore, #tpu.memory_space<semaphore_mem>>) src(%dma_wait3A_273 : memref<32x256xf32, #tpu.memory_space<hbm>>) dst(%dma_wait3A_270 : memref<32x256xf32, #tpu.memory_space<vmem>>)
      %jit3A_274 = arith.constant 2 : i32
      %div3A_275 = arith.divsi %add3A_215, %jit3A_274 : i32
      %sign3A_276 = arith.constant 0 : i32
      %sign3A_277 = arith.cmpi sgt, %add3A_215, %sign3A_276 : i32
      %sign3A_278 = arith.extui %sign3A_277 : i1 to i32
      %sign3A_279 = arith.constant 0 : i32
      %sign3A_280 = arith.cmpi slt, %add3A_215, %sign3A_279 : i32
      %sign3A_281 = arith.extui %sign3A_280 : i1 to i32
      %sign3A_282 = arith.subi %sign3A_278, %sign3A_281 : i32
      %sign3A_283 = arith.constant 0 : i32
      %sign3A_284 = arith.cmpi sgt, %jit3A_274, %sign3A_283 : i32
      %sign3A_285 = arith.extui %sign3A_284 : i1 to i32
      %sign3A_286 = arith.constant 0 : i32
      %sign3A_287 = arith.cmpi slt, %jit3A_274, %sign3A_286 : i32
      %sign3A_288 = arith.extui %sign3A_287 : i1 to i32
      %sign3A_289 = arith.subi %sign3A_285, %sign3A_288 : i32
      %ne3A_290 = arith.cmpi ne, %sign3A_282, %sign3A_289 : i32
      %rem3A_291 = arith.remsi %add3A_215, %jit3A_274 : i32
      %ne3A_292 = arith.constant 0 : i32
      %ne3A_293 = arith.cmpi ne, %rem3A_291, %ne3A_292 : i32
      %and3A_294 = arith.andi %ne3A_290, %ne3A_293 : i1
      %sub3A_295 = arith.constant 1 : i32
      %sub3A_296 = arith.subi %div3A_275, %sub3A_295 : i32
      %select_n3A_297 = arith.select %and3A_294, %sub3A_296, %div3A_275 : i32
      %add3A_298 = arith.addi %mul3A_34, %select_n3A_297 : i32
      %jit3A_299 = arith.constant 2 : i32
      %eq3A_300 = arith.constant 0 : i32
      %eq3A_301 = arith.cmpi eq, %jit3A_299, %eq3A_300 : i32
      %jit3A_302 = arith.constant 1 : i32
      %select_n3A_303 = arith.select %eq3A_301, %jit3A_302, %jit3A_299 : i32
      %rem3A_304 = arith.remsi %add3A_215, %select_n3A_303 : i32
      %ne3A_305 = arith.constant 0 : i32
      %ne3A_306 = arith.cmpi ne, %rem3A_304, %ne3A_305 : i32
      %lt3A_307 = arith.constant 0 : i32
      %lt3A_308 = arith.cmpi slt, %rem3A_304, %lt3A_307 : i32
      %lt3A_309 = arith.constant 0 : i32
      %lt3A_310 = arith.cmpi slt, %select_n3A_303, %lt3A_309 : i32
      %ne3A_311 = arith.xori %lt3A_308, %lt3A_310 : i1
      %and3A_312 = arith.andi %ne3A_311, %ne3A_306 : i1
      %add3A_313 = arith.addi %rem3A_304, %select_n3A_303 : i32
      %select_n3A_314 = arith.select %and3A_312, %add3A_313, %rem3A_304 : i32
      %mul3A_315 = arith.constant 32 : i32
      %mul3A_316 = arith.muli %select_n3A_314, %mul3A_315 : i32
      %get3A_317 = arith.constant 0 : i32
      %get3A_318 = arith.index_cast %get3A_317 : i32 to index
      %get3A_319 = arith.index_cast %add3A_298 : i32 to index
      %get3A_320 = arith.constant 0 : index
      %get3A_321 = tpu.vector_load %arg8[%get3A_318, %get3A_319, %get3A_320] {strides = array<i32>} : memref<2x64x16xf32, #tpu.memory_space<vmem>>, vector<1x1x16xf32>,
      %get3A_322 = vector.shape_cast %get3A_321 : vector<1x1x16xf32> to vector<16xf32>
      %get3A_323 = arith.constant 1 : i32
      %get3A_324 = arith.index_cast %get3A_323 : i32 to index
      %get3A_325 = arith.index_cast %add3A_298 : i32 to index
      %get3A_326 = arith.constant 0 : index
      %get3A_327 = tpu.vector_load %arg8[%get3A_324, %get3A_325, %get3A_326] {strides = array<i32>} : memref<2x64x16xf32, #tpu.memory_space<vmem>>, vector<1x1x16xf32>,
      %get3A_328 = vector.shape_cast %get3A_327 : vector<1x1x16xf32> to vector<16xf32>
      %scan3A_329 = arith.constant 0 : i32
      %scan3A_330 = arith.constant 0 : i32
      %scan3A_331 = arith.constant 32 : i32
      %scan3A_332 = arith.addi %scan3A_330, %scan3A_331 : i32
      %scan3A_333 = arith.constant 1 : i32
      %scan3A_334 = scf.for %scan3A_342 = %scan3A_330 to %scan3A_332 step %scan3A_333 iter_args(%scan3A_343 = %scan3A_329) -> (i32)  : i32 {
        %get3A_344 = arith.constant 1 : i32
        %get3A_345 = arith.index_cast %get3A_344 : i32 to index
        %get3A_346 = arith.index_cast %scan3A_342 : i32 to index
        %get3A_347 = arith.constant 0 : index
        %get3A_348 = tpu.vector_load %arg5[%get3A_345, %get3A_346, %get3A_347] {strides = array<i32>} : memref<2x32x256xf32, #tpu.memory_space<vmem>>, vector<1x1x16xf32>,
        %get3A_349 = vector.shape_cast %get3A_348 : vector<1x1x16xf32> to vector<16xf32>
        %add3A_350 = arith.addi %mul3A_316, %scan3A_342 : i32
        %get3A_351 = arith.index_cast %add3A_350 : i32 to index
        %get3A_352 = arith.constant 0 : index
        %get3A_353 = tpu.vector_load %arg6[%get3A_351, %get3A_352] {strides = array<i32>} : memref<64x256xf32, #tpu.memory_space<vmem>>, vector<1x16xf32>,
        %get3A_354 = vector.shape_cast %get3A_353 : vector<1x16xf32> to vector<16xf32>
        %mul3A_355 = arith.mulf %get3A_322, %get3A_349 : vector<16xf32>
        %add3A_356 = arith.addf %get3A_354, %mul3A_355 : vector<16xf32>
        %add3A_357 = arith.addi %mul3A_316, %scan3A_342 : i32
        %swap3A = arith.index_cast %add3A_357 : i32 to index
        %swap3A_358 = arith.constant 0 : index
        %swap3A_359 = tpu.vector_load %arg6[%swap3A, %swap3A_358] {strides = array<i32>} : memref<64x256xf32, #tpu.memory_space<vmem>>, vector<1x16xf32>,
        %swap3A_360 = vector.shape_cast %swap3A_359 : vector<1x16xf32> to vector<16xf32>
        %swap3A_361 = vector.shape_cast %add3A_356 : vector<16xf32> to vector<1x16xf32>
        tpu.vector_store %arg6[%swap3A, %swap3A_358], %swap3A_361 {strides = array<i32>} : memref<64x256xf32, #tpu.memory_space<vmem>>, vector<1x16xf32>,
        %add3A_362 = arith.addi %mul3A_316, %scan3A_342 : i32
        %get3A_363 = arith.index_cast %add3A_362 : i32 to index
        %get3A_364 = arith.constant 0 : index
        %get3A_365 = tpu.vector_load %arg7[%get3A_363, %get3A_364] {strides = array<i32>} : memref<64x256xf32, #tpu.memory_space<vmem>>, vector<1x16xf32>,
        %get3A_366 = vector.shape_cast %get3A_365 : vector<1x16xf32> to vector<16xf32>
        %mul3A_367 = arith.mulf %get3A_328, %get3A_349 : vector<16xf32>
        %add3A_368 = arith.addf %get3A_366, %mul3A_367 : vector<16xf32>
        %add3A_369 = arith.addi %mul3A_316, %scan3A_342 : i32
        %swap3A_370 = arith.index_cast %add3A_369 : i32 to index
        %swap3A_371 = arith.constant 0 : index
        %swap3A_372 = tpu.vector_load %arg7[%swap3A_370, %swap3A_371] {strides = array<i32>} : memref<64x256xf32, #tpu.memory_space<vmem>>, vector<1x16xf32>,
        %swap3A_373 = vector.shape_cast %swap3A_372 : vector<1x16xf32> to vector<16xf32>
        %swap3A_374 = vector.shape_cast %add3A_368 : vector<16xf32> to vector<1x16xf32>
        tpu.vector_store %arg7[%swap3A_370, %swap3A_371], %swap3A_374 {strides = array<i32>} : memref<64x256xf32, #tpu.memory_space<vmem>>, vector<1x16xf32>,
        %get3A_375 = arith.constant 1 : i32
        %get3A_376 = arith.index_cast %get3A_375 : i32 to index
        %get3A_377 = arith.index_cast %scan3A_342 : i32 to index
        %get3A_378 = arith.constant 16 : index
        %get3A_379 = tpu.vector_load %arg5[%get3A_376, %get3A_377, %get3A_378] {strides = array<i32>} : memref<2x32x256xf32, #tpu.memory_space<vmem>>, vector<1x1x16xf32>,
        %get3A_380 = vector.shape_cast %get3A_379 : vector<1x1x16xf32> to vector<16xf32>
        %add3A_381 = arith.addi %mul3A_316, %scan3A_342 : i32
        %get3A_382 = arith.index_cast %add3A_381 : i32 to index
        %get3A_383 = arith.constant 16 : index
        %get3A_384 = tpu.vector_load %arg6[%get3A_382, %get3A_383] {strides = array<i32>} : memref<64x256xf32, #tpu.memory_space<vmem>>, vector<1x16xf32>,
        %get3A_385 = vector.shape_cast %get3A_384 : vector<1x16xf32> to vector<16xf32>
        %mul3A_386 = arith.mulf %get3A_322, %get3A_380 : vector<16xf32>
        %add3A_387 = arith.addf %get3A_385, %mul3A_386 : vector<16xf32>
        %add3A_388 = arith.addi %mul3A_316, %scan3A_342 : i32
        %swap3A_389 = arith.index_cast %add3A_388 : i32 to index
        %swap3A_390 = arith.constant 16 : index
        %swap3A_391 = tpu.vector_load %arg6[%swap3A_389, %swap3A_390] {strides = array<i32>} : memref<64x256xf32, #tpu.memory_space<vmem>>, vector<1x16xf32>,
        %swap3A_392 = vector.shape_cast %swap3A_391 : vector<1x16xf32> to vector<16xf32>
        %swap3A_393 = vector.shape_cast %add3A_387 : vector<16xf32> to vector<1x16xf32>
        tpu.vector_store %arg6[%swap3A_389, %swap3A_390], %swap3A_393 {strides = array<i32>} : memref<64x256xf32, #tpu.memory_space<vmem>>, vector<1x16xf32>,
        %add3A_394 = arith.addi %mul3A_316, %scan3A_342 : i32
        %get3A_395 = arith.index_cast %add3A_394 : i32 to index
        %get3A_396 = arith.constant 16 : index
        %get3A_397 = tpu.vector_load %arg7[%get3A_395, %get3A_396] {strides = array<i32>} : memref<64x256xf32, #tpu.memory_space<vmem>>, vector<1x16xf32>,
        %get3A_398 = vector.shape_cast %get3A_397 : vector<1x16xf32> to vector<16xf32>
        %mul3A_399 = arith.mulf %get3A_328, %get3A_380 : vector<16xf32>
        %add3A_400 = arith.addf %get3A_398, %mul3A_399 : vector<16xf32>
        %add3A_401 = arith.addi %mul3A_316, %scan3A_342 : i32
        %swap3A_402 = arith.index_cast %add3A_401 : i32 to index
        %swap3A_403 = arith.constant 16 : index
        %swap3A_404 = tpu.vector_load %arg7[%swap3A_402, %swap3A_403] {strides = array<i32>} : memref<64x256xf32, #tpu.memory_space<vmem>>, vector<1x16xf32>,
        %swap3A_405 = vector.shape_cast %swap3A_404 : vector<1x16xf32> to vector<16xf32>
        %swap3A_406 = vector.shape_cast %add3A_400 : vector<16xf32> to vector<1x16xf32>
        tpu.vector_store %arg7[%swap3A_402, %swap3A_403], %swap3A_406 {strides = array<i32>} : memref<64x256xf32, #tpu.memory_space<vmem>>, vector<1x16xf32>,
        %get3A_407 = arith.constant 1 : i32
        %get3A_408 = arith.index_cast %get3A_407 : i32 to index
        %get3A_409 = arith.index_cast %scan3A_342 : i32 to index
        %get3A_410 = arith.constant 32 : index
        %get3A_411 = tpu.vector_load %arg5[%get3A_408, %get3A_409, %get3A_410] {strides = array<i32>} : memref<2x32x256xf32, #tpu.memory_space<vmem>>, vector<1x1x16xf32>,
        %get3A_412 = vector.shape_cast %get3A_411 : vector<1x1x16xf32> to vector<16xf32>
        %add3A_413 = arith.addi %mul3A_316, %scan3A_342 : i32
        %get3A_414 = arith.index_cast %add3A_413 : i32 to index
        %get3A_415 = arith.constant 32 : index
        %get3A_416 = tpu.vector_load %arg6[%get3A_414, %get3A_415] {strides = array<i32>} : memref<64x256xf32, #tpu.memory_space<vmem>>, vector<1x16xf32>,
        %get3A_417 = vector.shape_cast %get3A_416 : vector<1x16xf32> to vector<16xf32>
        %mul3A_418 = arith.mulf %get3A_322, %get3A_412 : vector<16xf32>
        %add3A_419 = arith.addf %get3A_417, %mul3A_418 : vector<16xf32>
        %add3A_420 = arith.addi %mul3A_316, %scan3A_342 : i32
        %swap3A_421 = arith.index_cast %add3A_420 : i32 to index
        %swap3A_422 = arith.constant 32 : index
        %swap3A_423 = tpu.vector_load %arg6[%swap3A_421, %swap3A_422] {strides = array<i32>} : memref<64x256xf32, #tpu.memory_space<vmem>>, vector<1x16xf32>,
        %swap3A_424 = vector.shape_cast %swap3A_423 : vector<1x16xf32> to vector<16xf32>
        %swap3A_425 = vector.shape_cast %add3A_419 : vector<16xf32> to vector<1x16xf32>
        tpu.vector_store %arg6[%swap3A_421, %swap3A_422], %swap3A_425 {strides = array<i32>} : memref<64x256xf32, #tpu.memory_space<vmem>>, vector<1x16xf32>,
        %add3A_426 = arith.addi %mul3A_316, %scan3A_342 : i32
        %get3A_427 = arith.index_cast %add3A_426 : i32 to index
        %get3A_428 = arith.constant 32 : index
        %get3A_429 = tpu.vector_load %arg7[%get3A_427, %get3A_428] {strides = array<i32>} : memref<64x256xf32, #tpu.memory_space<vmem>>, vector<1x16xf32>,
        %get3A_430 = vector.shape_cast %get3A_429 : vector<1x16xf32> to vector<16xf32>
        %mul3A_431 = arith.mulf %get3A_328, %get3A_412 : vector<16xf32>
        %add3A_432 = arith.addf %get3A_430, %mul3A_431 : vector<16xf32>
        %add3A_433 = arith.addi %mul3A_316, %scan3A_342 : i32
        %swap3A_434 = arith.index_cast %add3A_433 : i32 to index
        %swap3A_435 = arith.constant 32 : index
        %swap3A_436 = tpu.vector_load %arg7[%swap3A_434, %swap3A_435] {strides = array<i32>} : memref<64x256xf32, #tpu.memory_space<vmem>>, vector<1x16xf32>,
        %swap3A_437 = vector.shape_cast %swap3A_436 : vector<1x16xf32> to vector<16xf32>
        %swap3A_438 = vector.shape_cast %add3A_432 : vector<16xf32> to vector<1x16xf32>
        tpu.vector_store %arg7[%swap3A_434, %swap3A_435], %swap3A_438 {strides = array<i32>} : memref<64x256xf32, #tpu.memory_space<vmem>>, vector<1x16xf32>,
        %get3A_439 = arith.constant 1 : i32
        %get3A_440 = arith.index_cast %get3A_439 : i32 to index
        %get3A_441 = arith.index_cast %scan3A_342 : i32 to index
        %get3A_442 = arith.constant 48 : index
        %get3A_443 = tpu.vector_load %arg5[%get3A_440, %get3A_441, %get3A_442] {strides = array<i32>} : memref<2x32x256xf32, #tpu.memory_space<vmem>>, vector<1x1x16xf32>,
        %get3A_444 = vector.shape_cast %get3A_443 : vector<1x1x16xf32> to vector<16xf32>
        %add3A_445 = arith.addi %mul3A_316, %scan3A_342 : i32
        %get3A_446 = arith.index_cast %add3A_445 : i32 to index
        %get3A_447 = arith.constant 48 : index
        %get3A_448 = tpu.vector_load %arg6[%get3A_446, %get3A_447] {strides = array<i32>} : memref<64x256xf32, #tpu.memory_space<vmem>>, vector<1x16xf32>,
        %get3A_449 = vector.shape_cast %get3A_448 : vector<1x16xf32> to vector<16xf32>
        %mul3A_450 = arith.mulf %get3A_322, %get3A_444 : vector<16xf32>
        %add3A_451 = arith.addf %get3A_449, %mul3A_450 : vector<16xf32>
        %add3A_452 = arith.addi %mul3A_316, %scan3A_342 : i32
        %swap3A_453 = arith.index_cast %add3A_452 : i32 to index
        %swap3A_454 = arith.constant 48 : index
        %swap3A_455 = tpu.vector_load %arg6[%swap3A_453, %swap3A_454] {strides = array<i32>} : memref<64x256xf32, #tpu.memory_space<vmem>>, vector<1x16xf32>,
        %swap3A_456 = vector.shape_cast %swap3A_455 : vector<1x16xf32> to vector<16xf32>
        %swap3A_457 = vector.shape_cast %add3A_451 : vector<16xf32> to vector<1x16xf32>
        tpu.vector_store %arg6[%swap3A_453, %swap3A_454], %swap3A_457 {strides = array<i32>} : memref<64x256xf32, #tpu.memory_space<vmem>>, vector<1x16xf32>,
        %add3A_458 = arith.addi %mul3A_316, %scan3A_342 : i32
        %get3A_459 = arith.index_cast %add3A_458 : i32 to index
        %get3A_460 = arith.constant 48 : index
        %get3A_461 = tpu.vector_load %arg7[%get3A_459, %get3A_460] {strides = array<i32>} : memref<64x256xf32, #tpu.memory_space<vmem>>, vector<1x16xf32>,
        %get3A_462 = vector.shape_cast %get3A_461 : vector<1x16xf32> to vector<16xf32>
        %mul3A_463 = arith.mulf %get3A_328, %get3A_444 : vector<16xf32>
        %add3A_464 = arith.addf %get3A_462, %mul3A_463 : vector<16xf32>
        %add3A_465 = arith.addi %mul3A_316, %scan3A_342 : i32
        %swap3A_466 = arith.index_cast %add3A_465 : i32 to index
        %swap3A_467 = arith.constant 48 : index
        %swap3A_468 = tpu.vector_load %arg7[%swap3A_466, %swap3A_467] {strides = array<i32>} : memref<64x256xf32, #tpu.memory_space<vmem>>, vector<1x16xf32>,
        %swap3A_469 = vector.shape_cast %swap3A_468 : vector<1x16xf32> to vector<16xf32>
        %swap3A_470 = vector.shape_cast %add3A_464 : vector<16xf32> to vector<1x16xf32>
        tpu.vector_store %arg7[%swap3A_466, %swap3A_467], %swap3A_470 {strides = array<i32>} : memref<64x256xf32, #tpu.memory_space<vmem>>, vector<1x16xf32>,
        %get3A_471 = arith.constant 1 : i32
        %get3A_472 = arith.index_cast %get3A_471 : i32 to index
        %get3A_473 = arith.index_cast %scan3A_342 : i32 to index
        %get3A_474 = arith.constant 64 : index
        %get3A_475 = tpu.vector_load %arg5[%get3A_472, %get3A_473, %get3A_474] {strides = array<i32>} : memref<2x32x256xf32, #tpu.memory_space<vmem>>, vector<1x1x16xf32>,
        %get3A_476 = vector.shape_cast %get3A_475 : vector<1x1x16xf32> to vector<16xf32>
        %add3A_477 = arith.addi %mul3A_316, %scan3A_342 : i32
        %get3A_478 = arith.index_cast %add3A_477 : i32 to index
        %get3A_479 = arith.constant 64 : index
        %get3A_480 = tpu.vector_load %arg6[%get3A_478, %get3A_479] {strides = array<i32>} : memref<64x256xf32, #tpu.memory_space<vmem>>, vector<1x16xf32>,
        %get3A_481 = vector.shape_cast %get3A_480 : vector<1x16xf32> to vector<16xf32>
        %mul3A_482 = arith.mulf %get3A_322, %get3A_476 : vector<16xf32>
        %add3A_483 = arith.addf %get3A_481, %mul3A_482 : vector<16xf32>
        %add3A_484 = arith.addi %mul3A_316, %scan3A_342 : i32
        %swap3A_485 = arith.index_cast %add3A_484 : i32 to index
        %swap3A_486 = arith.constant 64 : index
        %swap3A_487 = tpu.vector_load %arg6[%swap3A_485, %swap3A_486] {strides = array<i32>} : memref<64x256xf32, #tpu.memory_space<vmem>>, vector<1x16xf32>,
        %swap3A_488 = vector.shape_cast %swap3A_487 : vector<1x16xf32> to vector<16xf32>
        %swap3A_489 = vector.shape_cast %add3A_483 : vector<16xf32> to vector<1x16xf32>
        tpu.vector_store %arg6[%swap3A_485, %swap3A_486], %swap3A_489 {strides = array<i32>} : memref<64x256xf32, #tpu.memory_space<vmem>>, vector<1x16xf32>,
        %add3A_490 = arith.addi %mul3A_316, %scan3A_342 : i32
        %get3A_491 = arith.index_cast %add3A_490 : i32 to index
        %get3A_492 = arith.constant 64 : index
        %get3A_493 = tpu.vector_load %arg7[%get3A_491, %get3A_492] {strides = array<i32>} : memref<64x256xf32, #tpu.memory_space<vmem>>, vector<1x16xf32>,
        %get3A_494 = vector.shape_cast %get3A_493 : vector<1x16xf32> to vector<16xf32>
        %mul3A_495 = arith.mulf %get3A_328, %get3A_476 : vector<16xf32>
        %add3A_496 = arith.addf %get3A_494, %mul3A_495 : vector<16xf32>
        %add3A_497 = arith.addi %mul3A_316, %scan3A_342 : i32
        %swap3A_498 = arith.index_cast %add3A_497 : i32 to index
        %swap3A_499 = arith.constant 64 : index
        %swap3A_500 = tpu.vector_load %arg7[%swap3A_498, %swap3A_499] {strides = array<i32>} : memref<64x256xf32, #tpu.memory_space<vmem>>, vector<1x16xf32>,
        %swap3A_501 = vector.shape_cast %swap3A_500 : vector<1x16xf32> to vector<16xf32>
        %swap3A_502 = vector.shape_cast %add3A_496 : vector<16xf32> to vector<1x16xf32>
        tpu.vector_store %arg7[%swap3A_498, %swap3A_499], %swap3A_502 {strides = array<i32>} : memref<64x256xf32, #tpu.memory_space<vmem>>, vector<1x16xf32>,
        %get3A_503 = arith.constant 1 : i32
        %get3A_504 = arith.index_cast %get3A_503 : i32 to index
        %get3A_505 = arith.index_cast %scan3A_342 : i32 to index
        %get3A_506 = arith.constant 80 : index
        %get3A_507 = tpu.vector_load %arg5[%get3A_504, %get3A_505, %get3A_506] {strides = array<i32>} : memref<2x32x256xf32, #tpu.memory_space<vmem>>, vector<1x1x16xf32>,
        %get3A_508 = vector.shape_cast %get3A_507 : vector<1x1x16xf32> to vector<16xf32>
        %add3A_509 = arith.addi %mul3A_316, %scan3A_342 : i32
        %get3A_510 = arith.index_cast %add3A_509 : i32 to index
        %get3A_511 = arith.constant 80 : index
        %get3A_512 = tpu.vector_load %arg6[%get3A_510, %get3A_511] {strides = array<i32>} : memref<64x256xf32, #tpu.memory_space<vmem>>, vector<1x16xf32>,
        %get3A_513 = vector.shape_cast %get3A_512 : vector<1x16xf32> to vector<16xf32>
        %mul3A_514 = arith.mulf %get3A_322, %get3A_508 : vector<16xf32>
        %add3A_515 = arith.addf %get3A_513, %mul3A_514 : vector<16xf32>
        %add3A_516 = arith.addi %mul3A_316, %scan3A_342 : i32
        %swap3A_517 = arith.index_cast %add3A_516 : i32 to index
        %swap3A_518 = arith.constant 80 : index
        %swap3A_519 = tpu.vector_load %arg6[%swap3A_517, %swap3A_518] {strides = array<i32>} : memref<64x256xf32, #tpu.memory_space<vmem>>, vector<1x16xf32>,
        %swap3A_520 = vector.shape_cast %swap3A_519 : vector<1x16xf32> to vector<16xf32>
        %swap3A_521 = vector.shape_cast %add3A_515 : vector<16xf32> to vector<1x16xf32>
        tpu.vector_store %arg6[%swap3A_517, %swap3A_518], %swap3A_521 {strides = array<i32>} : memref<64x256xf32, #tpu.memory_space<vmem>>, vector<1x16xf32>,
        %add3A_522 = arith.addi %mul3A_316, %scan3A_342 : i32
        %get3A_523 = arith.index_cast %add3A_522 : i32 to index
        %get3A_524 = arith.constant 80 : index
        %get3A_525 = tpu.vector_load %arg7[%get3A_523, %get3A_524] {strides = array<i32>} : memref<64x256xf32, #tpu.memory_space<vmem>>, vector<1x16xf32>,
        %get3A_526 = vector.shape_cast %get3A_525 : vector<1x16xf32> to vector<16xf32>
        %mul3A_527 = arith.mulf %get3A_328, %get3A_508 : vector<16xf32>
        %add3A_528 = arith.addf %get3A_526, %mul3A_527 : vector<16xf32>
        %add3A_529 = arith.addi %mul3A_316, %scan3A_342 : i32
        %swap3A_530 = arith.index_cast %add3A_529 : i32 to index
        %swap3A_531 = arith.constant 80 : index
        %swap3A_532 = tpu.vector_load %arg7[%swap3A_530, %swap3A_531] {strides = array<i32>} : memref<64x256xf32, #tpu.memory_space<vmem>>, vector<1x16xf32>,
        %swap3A_533 = vector.shape_cast %swap3A_532 : vector<1x16xf32> to vector<16xf32>
        %swap3A_534 = vector.shape_cast %add3A_528 : vector<16xf32> to vector<1x16xf32>
        tpu.vector_store %arg7[%swap3A_530, %swap3A_531], %swap3A_534 {strides = array<i32>} : memref<64x256xf32, #tpu.memory_space<vmem>>, vector<1x16xf32>,
        %get3A_535 = arith.constant 1 : i32
        %get3A_536 = arith.index_cast %get3A_535 : i32 to index
        %get3A_537 = arith.index_cast %scan3A_342 : i32 to index
        %get3A_538 = arith.constant 96 : index
        %get3A_539 = tpu.vector_load %arg5[%get3A_536, %get3A_537, %get3A_538] {strides = array<i32>} : memref<2x32x256xf32, #tpu.memory_space<vmem>>, vector<1x1x16xf32>,
        %get3A_540 = vector.shape_cast %get3A_539 : vector<1x1x16xf32> to vector<16xf32>
        %add3A_541 = arith.addi %mul3A_316, %scan3A_342 : i32
        %get3A_542 = arith.index_cast %add3A_541 : i32 to index
        %get3A_543 = arith.constant 96 : index
        %get3A_544 = tpu.vector_load %arg6[%get3A_542, %get3A_543] {strides = array<i32>} : memref<64x256xf32, #tpu.memory_space<vmem>>, vector<1x16xf32>,
        %get3A_545 = vector.shape_cast %get3A_544 : vector<1x16xf32> to vector<16xf32>
        %mul3A_546 = arith.mulf %get3A_322, %get3A_540 : vector<16xf32>
        %add3A_547 = arith.addf %get3A_545, %mul3A_546 : vector<16xf32>
        %add3A_548 = arith.addi %mul3A_316, %scan3A_342 : i32
        %swap3A_549 = arith.index_cast %add3A_548 : i32 to index
        %swap3A_550 = arith.constant 96 : index
        %swap3A_551 = tpu.vector_load %arg6[%swap3A_549, %swap3A_550] {strides = array<i32>} : memref<64x256xf32, #tpu.memory_space<vmem>>, vector<1x16xf32>,
        %swap3A_552 = vector.shape_cast %swap3A_551 : vector<1x16xf32> to vector<16xf32>
        %swap3A_553 = vector.shape_cast %add3A_547 : vector<16xf32> to vector<1x16xf32>
        tpu.vector_store %arg6[%swap3A_549, %swap3A_550], %swap3A_553 {strides = array<i32>} : memref<64x256xf32, #tpu.memory_space<vmem>>, vector<1x16xf32>,
        %add3A_554 = arith.addi %mul3A_316, %scan3A_342 : i32
        %get3A_555 = arith.index_cast %add3A_554 : i32 to index
        %get3A_556 = arith.constant 96 : index
        %get3A_557 = tpu.vector_load %arg7[%get3A_555, %get3A_556] {strides = array<i32>} : memref<64x256xf32, #tpu.memory_space<vmem>>, vector<1x16xf32>,
        %get3A_558 = vector.shape_cast %get3A_557 : vector<1x16xf32> to vector<16xf32>
        %mul3A_559 = arith.mulf %get3A_328, %get3A_540 : vector<16xf32>
        %add3A_560 = arith.addf %get3A_558, %mul3A_559 : vector<16xf32>
        %add3A_561 = arith.addi %mul3A_316, %scan3A_342 : i32
        %swap3A_562 = arith.index_cast %add3A_561 : i32 to index
        %swap3A_563 = arith.constant 96 : index
        %swap3A_564 = tpu.vector_load %arg7[%swap3A_562, %swap3A_563] {strides = array<i32>} : memref<64x256xf32, #tpu.memory_space<vmem>>, vector<1x16xf32>,
        %swap3A_565 = vector.shape_cast %swap3A_564 : vector<1x16xf32> to vector<16xf32>
        %swap3A_566 = vector.shape_cast %add3A_560 : vector<16xf32> to vector<1x16xf32>
        tpu.vector_store %arg7[%swap3A_562, %swap3A_563], %swap3A_566 {strides = array<i32>} : memref<64x256xf32, #tpu.memory_space<vmem>>, vector<1x16xf32>,
        %get3A_567 = arith.constant 1 : i32
        %get3A_568 = arith.index_cast %get3A_567 : i32 to index
        %get3A_569 = arith.index_cast %scan3A_342 : i32 to index
        %get3A_570 = arith.constant 112 : index
        %get3A_571 = tpu.vector_load %arg5[%get3A_568, %get3A_569, %get3A_570] {strides = array<i32>} : memref<2x32x256xf32, #tpu.memory_space<vmem>>, vector<1x1x16xf32>,
        %get3A_572 = vector.shape_cast %get3A_571 : vector<1x1x16xf32> to vector<16xf32>
        %add3A_573 = arith.addi %mul3A_316, %scan3A_342 : i32
        %get3A_574 = arith.index_cast %add3A_573 : i32 to index
        %get3A_575 = arith.constant 112 : index
        %get3A_576 = tpu.vector_load %arg6[%get3A_574, %get3A_575] {strides = array<i32>} : memref<64x256xf32, #tpu.memory_space<vmem>>, vector<1x16xf32>,
        %get3A_577 = vector.shape_cast %get3A_576 : vector<1x16xf32> to vector<16xf32>
        %mul3A_578 = arith.mulf %get3A_322, %get3A_572 : vector<16xf32>
        %add3A_579 = arith.addf %get3A_577, %mul3A_578 : vector<16xf32>
        %add3A_580 = arith.addi %mul3A_316, %scan3A_342 : i32
        %swap3A_581 = arith.index_cast %add3A_580 : i32 to index
        %swap3A_582 = arith.constant 112 : index
        %swap3A_583 = tpu.vector_load %arg6[%swap3A_581, %swap3A_582] {strides = array<i32>} : memref<64x256xf32, #tpu.memory_space<vmem>>, vector<1x16xf32>,
        %swap3A_584 = vector.shape_cast %swap3A_583 : vector<1x16xf32> to vector<16xf32>
        %swap3A_585 = vector.shape_cast %add3A_579 : vector<16xf32> to vector<1x16xf32>
        tpu.vector_store %arg6[%swap3A_581, %swap3A_582], %swap3A_585 {strides = array<i32>} : memref<64x256xf32, #tpu.memory_space<vmem>>, vector<1x16xf32>,
        %add3A_586 = arith.addi %mul3A_316, %scan3A_342 : i32
        %get3A_587 = arith.index_cast %add3A_586 : i32 to index
        %get3A_588 = arith.constant 112 : index
        %get3A_589 = tpu.vector_load %arg7[%get3A_587, %get3A_588] {strides = array<i32>} : memref<64x256xf32, #tpu.memory_space<vmem>>, vector<1x16xf32>,
        %get3A_590 = vector.shape_cast %get3A_589 : vector<1x16xf32> to vector<16xf32>
        %mul3A_591 = arith.mulf %get3A_328, %get3A_572 : vector<16xf32>
        %add3A_592 = arith.addf %get3A_590, %mul3A_591 : vector<16xf32>
        %add3A_593 = arith.addi %mul3A_316, %scan3A_342 : i32
        %swap3A_594 = arith.index_cast %add3A_593 : i32 to index
        %swap3A_595 = arith.constant 112 : index
        %swap3A_596 = tpu.vector_load %arg7[%swap3A_594, %swap3A_595] {strides = array<i32>} : memref<64x256xf32, #tpu.memory_space<vmem>>, vector<1x16xf32>,
        %swap3A_597 = vector.shape_cast %swap3A_596 : vector<1x16xf32> to vector<16xf32>
        %swap3A_598 = vector.shape_cast %add3A_592 : vector<16xf32> to vector<1x16xf32>
        tpu.vector_store %arg7[%swap3A_594, %swap3A_595], %swap3A_598 {strides = array<i32>} : memref<64x256xf32, #tpu.memory_space<vmem>>, vector<1x16xf32>,
        %get3A_599 = arith.constant 1 : i32
        %get3A_600 = arith.index_cast %get3A_599 : i32 to index
        %get3A_601 = arith.index_cast %scan3A_342 : i32 to index
        %get3A_602 = arith.constant 128 : index
        %get3A_603 = tpu.vector_load %arg5[%get3A_600, %get3A_601, %get3A_602] {strides = array<i32>} : memref<2x32x256xf32, #tpu.memory_space<vmem>>, vector<1x1x16xf32>,
        %get3A_604 = vector.shape_cast %get3A_603 : vector<1x1x16xf32> to vector<16xf32>
        %add3A_605 = arith.addi %mul3A_316, %scan3A_342 : i32
        %get3A_606 = arith.index_cast %add3A_605 : i32 to index
        %get3A_607 = arith.constant 128 : index
        %get3A_608 = tpu.vector_load %arg6[%get3A_606, %get3A_607] {strides = array<i32>} : memref<64x256xf32, #tpu.memory_space<vmem>>, vector<1x16xf32>,
        %get3A_609 = vector.shape_cast %get3A_608 : vector<1x16xf32> to vector<16xf32>
        %mul3A_610 = arith.mulf %get3A_322, %get3A_604 : vector<16xf32>
        %add3A_611 = arith.addf %get3A_609, %mul3A_610 : vector<16xf32>
        %add3A_612 = arith.addi %mul3A_316, %scan3A_342 : i32
        %swap3A_613 = arith.index_cast %add3A_612 : i32 to index
        %swap3A_614 = arith.constant 128 : index
        %swap3A_615 = tpu.vector_load %arg6[%swap3A_613, %swap3A_614] {strides = array<i32>} : memref<64x256xf32, #tpu.memory_space<vmem>>, vector<1x16xf32>,
        %swap3A_616 = vector.shape_cast %swap3A_615 : vector<1x16xf32> to vector<16xf32>
        %swap3A_617 = vector.shape_cast %add3A_611 : vector<16xf32> to vector<1x16xf32>
        tpu.vector_store %arg6[%swap3A_613, %swap3A_614], %swap3A_617 {strides = array<i32>} : memref<64x256xf32, #tpu.memory_space<vmem>>, vector<1x16xf32>,
        %add3A_618 = arith.addi %mul3A_316, %scan3A_342 : i32
        %get3A_619 = arith.index_cast %add3A_618 : i32 to index
        %get3A_620 = arith.constant 128 : index
        %get3A_621 = tpu.vector_load %arg7[%get3A_619, %get3A_620] {strides = array<i32>} : memref<64x256xf32, #tpu.memory_space<vmem>>, vector<1x16xf32>,
        %get3A_622 = vector.shape_cast %get3A_621 : vector<1x16xf32> to vector<16xf32>
        %mul3A_623 = arith.mulf %get3A_328, %get3A_604 : vector<16xf32>
        %add3A_624 = arith.addf %get3A_622, %mul3A_623 : vector<16xf32>
        %add3A_625 = arith.addi %mul3A_316, %scan3A_342 : i32
        %swap3A_626 = arith.index_cast %add3A_625 : i32 to index
        %swap3A_627 = arith.constant 128 : index
        %swap3A_628 = tpu.vector_load %arg7[%swap3A_626, %swap3A_627] {strides = array<i32>} : memref<64x256xf32, #tpu.memory_space<vmem>>, vector<1x16xf32>,
        %swap3A_629 = vector.shape_cast %swap3A_628 : vector<1x16xf32> to vector<16xf32>
        %swap3A_630 = vector.shape_cast %add3A_624 : vector<16xf32> to vector<1x16xf32>
        tpu.vector_store %arg7[%swap3A_626, %swap3A_627], %swap3A_630 {strides = array<i32>} : memref<64x256xf32, #tpu.memory_space<vmem>>, vector<1x16xf32>,
        %get3A_631 = arith.constant 1 : i32
        %get3A_632 = arith.index_cast %get3A_631 : i32 to index
        %get3A_633 = arith.index_cast %scan3A_342 : i32 to index
        %get3A_634 = arith.constant 144 : index
        %get3A_635 = tpu.vector_load %arg5[%get3A_632, %get3A_633, %get3A_634] {strides = array<i32>} : memref<2x32x256xf32, #tpu.memory_space<vmem>>, vector<1x1x16xf32>,
        %get3A_636 = vector.shape_cast %get3A_635 : vector<1x1x16xf32> to vector<16xf32>
        %add3A_637 = arith.addi %mul3A_316, %scan3A_342 : i32
        %get3A_638 = arith.index_cast %add3A_637 : i32 to index
        %get3A_639 = arith.constant 144 : index
        %get3A_640 = tpu.vector_load %arg6[%get3A_638, %get3A_639] {strides = array<i32>} : memref<64x256xf32, #tpu.memory_space<vmem>>, vector<1x16xf32>,
        %get3A_641 = vector.shape_cast %get3A_640 : vector<1x16xf32> to vector<16xf32>
        %mul3A_642 = arith.mulf %get3A_322, %get3A_636 : vector<16xf32>
        %add3A_643 = arith.addf %get3A_641, %mul3A_642 : vector<16xf32>
        %add3A_644 = arith.addi %mul3A_316, %scan3A_342 : i32
        %swap3A_645 = arith.index_cast %add3A_644 : i32 to index
        %swap3A_646 = arith.constant 144 : index
        %swap3A_647 = tpu.vector_load %arg6[%swap3A_645, %swap3A_646] {strides = array<i32>} : memref<64x256xf32, #tpu.memory_space<vmem>>, vector<1x16xf32>,
        %swap3A_648 = vector.shape_cast %swap3A_647 : vector<1x16xf32> to vector<16xf32>
        %swap3A_649 = vector.shape_cast %add3A_643 : vector<16xf32> to vector<1x16xf32>
        tpu.vector_store %arg6[%swap3A_645, %swap3A_646], %swap3A_649 {strides = array<i32>} : memref<64x256xf32, #tpu.memory_space<vmem>>, vector<1x16xf32>,
        %add3A_650 = arith.addi %mul3A_316, %scan3A_342 : i32
        %get3A_651 = arith.index_cast %add3A_650 : i32 to index
        %get3A_652 = arith.constant 144 : index
        %get3A_653 = tpu.vector_load %arg7[%get3A_651, %get3A_652] {strides = array<i32>} : memref<64x256xf32, #tpu.memory_space<vmem>>, vector<1x16xf32>,
        %get3A_654 = vector.shape_cast %get3A_653 : vector<1x16xf32> to vector<16xf32>
        %mul3A_655 = arith.mulf %get3A_328, %get3A_636 : vector<16xf32>
        %add3A_656 = arith.addf %get3A_654, %mul3A_655 : vector<16xf32>
        %add3A_657 = arith.addi %mul3A_316, %scan3A_342 : i32
        %swap3A_658 = arith.index_cast %add3A_657 : i32 to index
        %swap3A_659 = arith.constant 144 : index
        %swap3A_660 = tpu.vector_load %arg7[%swap3A_658, %swap3A_659] {strides = array<i32>} : memref<64x256xf32, #tpu.memory_space<vmem>>, vector<1x16xf32>,
        %swap3A_661 = vector.shape_cast %swap3A_660 : vector<1x16xf32> to vector<16xf32>
        %swap3A_662 = vector.shape_cast %add3A_656 : vector<16xf32> to vector<1x16xf32>
        tpu.vector_store %arg7[%swap3A_658, %swap3A_659], %swap3A_662 {strides = array<i32>} : memref<64x256xf32, #tpu.memory_space<vmem>>, vector<1x16xf32>,
        %get3A_663 = arith.constant 1 : i32
        %get3A_664 = arith.index_cast %get3A_663 : i32 to index
        %get3A_665 = arith.index_cast %scan3A_342 : i32 to index
        %get3A_666 = arith.constant 160 : index
        %get3A_667 = tpu.vector_load %arg5[%get3A_664, %get3A_665, %get3A_666] {strides = array<i32>} : memref<2x32x256xf32, #tpu.memory_space<vmem>>, vector<1x1x16xf32>,
        %get3A_668 = vector.shape_cast %get3A_667 : vector<1x1x16xf32> to vector<16xf32>
        %add3A_669 = arith.addi %mul3A_316, %scan3A_342 : i32
        %get3A_670 = arith.index_cast %add3A_669 : i32 to index
        %get3A_671 = arith.constant 160 : index
        %get3A_672 = tpu.vector_load %arg6[%get3A_670, %get3A_671] {strides = array<i32>} : memref<64x256xf32, #tpu.memory_space<vmem>>, vector<1x16xf32>,
        %get3A_673 = vector.shape_cast %get3A_672 : vector<1x16xf32> to vector<16xf32>
        %mul3A_674 = arith.mulf %get3A_322, %get3A_668 : vector<16xf32>
        %add3A_675 = arith.addf %get3A_673, %mul3A_674 : vector<16xf32>
        %add3A_676 = arith.addi %mul3A_316, %scan3A_342 : i32
        %swap3A_677 = arith.index_cast %add3A_676 : i32 to index
        %swap3A_678 = arith.constant 160 : index
        %swap3A_679 = tpu.vector_load %arg6[%swap3A_677, %swap3A_678] {strides = array<i32>} : memref<64x256xf32, #tpu.memory_space<vmem>>, vector<1x16xf32>,
        %swap3A_680 = vector.shape_cast %swap3A_679 : vector<1x16xf32> to vector<16xf32>
        %swap3A_681 = vector.shape_cast %add3A_675 : vector<16xf32> to vector<1x16xf32>
        tpu.vector_store %arg6[%swap3A_677, %swap3A_678], %swap3A_681 {strides = array<i32>} : memref<64x256xf32, #tpu.memory_space<vmem>>, vector<1x16xf32>,
        %add3A_682 = arith.addi %mul3A_316, %scan3A_342 : i32
        %get3A_683 = arith.index_cast %add3A_682 : i32 to index
        %get3A_684 = arith.constant 160 : index
        %get3A_685 = tpu.vector_load %arg7[%get3A_683, %get3A_684] {strides = array<i32>} : memref<64x256xf32, #tpu.memory_space<vmem>>, vector<1x16xf32>,
        %get3A_686 = vector.shape_cast %get3A_685 : vector<1x16xf32> to vector<16xf32>
        %mul3A_687 = arith.mulf %get3A_328, %get3A_668 : vector<16xf32>
        %add3A_688 = arith.addf %get3A_686, %mul3A_687 : vector<16xf32>
        %add3A_689 = arith.addi %mul3A_316, %scan3A_342 : i32
        %swap3A_690 = arith.index_cast %add3A_689 : i32 to index
        %swap3A_691 = arith.constant 160 : index
        %swap3A_692 = tpu.vector_load %arg7[%swap3A_690, %swap3A_691] {strides = array<i32>} : memref<64x256xf32, #tpu.memory_space<vmem>>, vector<1x16xf32>,
        %swap3A_693 = vector.shape_cast %swap3A_692 : vector<1x16xf32> to vector<16xf32>
        %swap3A_694 = vector.shape_cast %add3A_688 : vector<16xf32> to vector<1x16xf32>
        tpu.vector_store %arg7[%swap3A_690, %swap3A_691], %swap3A_694 {strides = array<i32>} : memref<64x256xf32, #tpu.memory_space<vmem>>, vector<1x16xf32>,
        %get3A_695 = arith.constant 1 : i32
        %get3A_696 = arith.index_cast %get3A_695 : i32 to index
        %get3A_697 = arith.index_cast %scan3A_342 : i32 to index
        %get3A_698 = arith.constant 176 : index
        %get3A_699 = tpu.vector_load %arg5[%get3A_696, %get3A_697, %get3A_698] {strides = array<i32>} : memref<2x32x256xf32, #tpu.memory_space<vmem>>, vector<1x1x16xf32>,
        %get3A_700 = vector.shape_cast %get3A_699 : vector<1x1x16xf32> to vector<16xf32>
        %add3A_701 = arith.addi %mul3A_316, %scan3A_342 : i32
        %get3A_702 = arith.index_cast %add3A_701 : i32 to index
        %get3A_703 = arith.constant 176 : index
        %get3A_704 = tpu.vector_load %arg6[%get3A_702, %get3A_703] {strides = array<i32>} : memref<64x256xf32, #tpu.memory_space<vmem>>, vector<1x16xf32>,
        %get3A_705 = vector.shape_cast %get3A_704 : vector<1x16xf32> to vector<16xf32>
        %mul3A_706 = arith.mulf %get3A_322, %get3A_700 : vector<16xf32>
        %add3A_707 = arith.addf %get3A_705, %mul3A_706 : vector<16xf32>
        %add3A_708 = arith.addi %mul3A_316, %scan3A_342 : i32
        %swap3A_709 = arith.index_cast %add3A_708 : i32 to index
        %swap3A_710 = arith.constant 176 : index
        %swap3A_711 = tpu.vector_load %arg6[%swap3A_709, %swap3A_710] {strides = array<i32>} : memref<64x256xf32, #tpu.memory_space<vmem>>, vector<1x16xf32>,
        %swap3A_712 = vector.shape_cast %swap3A_711 : vector<1x16xf32> to vector<16xf32>
        %swap3A_713 = vector.shape_cast %add3A_707 : vector<16xf32> to vector<1x16xf32>
        tpu.vector_store %arg6[%swap3A_709, %swap3A_710], %swap3A_713 {strides = array<i32>} : memref<64x256xf32, #tpu.memory_space<vmem>>, vector<1x16xf32>,
        %add3A_714 = arith.addi %mul3A_316, %scan3A_342 : i32
        %get3A_715 = arith.index_cast %add3A_714 : i32 to index
        %get3A_716 = arith.constant 176 : index
        %get3A_717 = tpu.vector_load %arg7[%get3A_715, %get3A_716] {strides = array<i32>} : memref<64x256xf32, #tpu.memory_space<vmem>>, vector<1x16xf32>,
        %get3A_718 = vector.shape_cast %get3A_717 : vector<1x16xf32> to vector<16xf32>
        %mul3A_719 = arith.mulf %get3A_328, %get3A_700 : vector<16xf32>
        %add3A_720 = arith.addf %get3A_718, %mul3A_719 : vector<16xf32>
        %add3A_721 = arith.addi %mul3A_316, %scan3A_342 : i32
        %swap3A_722 = arith.index_cast %add3A_721 : i32 to index
        %swap3A_723 = arith.constant 176 : index
        %swap3A_724 = tpu.vector_load %arg7[%swap3A_722, %swap3A_723] {strides = array<i32>} : memref<64x256xf32, #tpu.memory_space<vmem>>, vector<1x16xf32>,
        %swap3A_725 = vector.shape_cast %swap3A_724 : vector<1x16xf32> to vector<16xf32>
        %swap3A_726 = vector.shape_cast %add3A_720 : vector<16xf32> to vector<1x16xf32>
        tpu.vector_store %arg7[%swap3A_722, %swap3A_723], %swap3A_726 {strides = array<i32>} : memref<64x256xf32, #tpu.memory_space<vmem>>, vector<1x16xf32>,
        %get3A_727 = arith.constant 1 : i32
        %get3A_728 = arith.index_cast %get3A_727 : i32 to index
        %get3A_729 = arith.index_cast %scan3A_342 : i32 to index
        %get3A_730 = arith.constant 192 : index
        %get3A_731 = tpu.vector_load %arg5[%get3A_728, %get3A_729, %get3A_730] {strides = array<i32>} : memref<2x32x256xf32, #tpu.memory_space<vmem>>, vector<1x1x16xf32>,
        %get3A_732 = vector.shape_cast %get3A_731 : vector<1x1x16xf32> to vector<16xf32>
        %add3A_733 = arith.addi %mul3A_316, %scan3A_342 : i32
        %get3A_734 = arith.index_cast %add3A_733 : i32 to index
        %get3A_735 = arith.constant 192 : index
        %get3A_736 = tpu.vector_load %arg6[%get3A_734, %get3A_735] {strides = array<i32>} : memref<64x256xf32, #tpu.memory_space<vmem>>, vector<1x16xf32>,
        %get3A_737 = vector.shape_cast %get3A_736 : vector<1x16xf32> to vector<16xf32>
        %mul3A_738 = arith.mulf %get3A_322, %get3A_732 : vector<16xf32>
        %add3A_739 = arith.addf %get3A_737, %mul3A_738 : vector<16xf32>
        %add3A_740 = arith.addi %mul3A_316, %scan3A_342 : i32
        %swap3A_741 = arith.index_cast %add3A_740 : i32 to index
        %swap3A_742 = arith.constant 192 : index
        %swap3A_743 = tpu.vector_load %arg6[%swap3A_741, %swap3A_742] {strides = array<i32>} : memref<64x256xf32, #tpu.memory_space<vmem>>, vector<1x16xf32>,
        %swap3A_744 = vector.shape_cast %swap3A_743 : vector<1x16xf32> to vector<16xf32>
        %swap3A_745 = vector.shape_cast %add3A_739 : vector<16xf32> to vector<1x16xf32>
        tpu.vector_store %arg6[%swap3A_741, %swap3A_742], %swap3A_745 {strides = array<i32>} : memref<64x256xf32, #tpu.memory_space<vmem>>, vector<1x16xf32>,
        %add3A_746 = arith.addi %mul3A_316, %scan3A_342 : i32
        %get3A_747 = arith.index_cast %add3A_746 : i32 to index
        %get3A_748 = arith.constant 192 : index
        %get3A_749 = tpu.vector_load %arg7[%get3A_747, %get3A_748] {strides = array<i32>} : memref<64x256xf32, #tpu.memory_space<vmem>>, vector<1x16xf32>,
        %get3A_750 = vector.shape_cast %get3A_749 : vector<1x16xf32> to vector<16xf32>
        %mul3A_751 = arith.mulf %get3A_328, %get3A_732 : vector<16xf32>
        %add3A_752 = arith.addf %get3A_750, %mul3A_751 : vector<16xf32>
        %add3A_753 = arith.addi %mul3A_316, %scan3A_342 : i32
        %swap3A_754 = arith.index_cast %add3A_753 : i32 to index
        %swap3A_755 = arith.constant 192 : index
        %swap3A_756 = tpu.vector_load %arg7[%swap3A_754, %swap3A_755] {strides = array<i32>} : memref<64x256xf32, #tpu.memory_space<vmem>>, vector<1x16xf32>,
        %swap3A_757 = vector.shape_cast %swap3A_756 : vector<1x16xf32> to vector<16xf32>
        %swap3A_758 = vector.shape_cast %add3A_752 : vector<16xf32> to vector<1x16xf32>
        tpu.vector_store %arg7[%swap3A_754, %swap3A_755], %swap3A_758 {strides = array<i32>} : memref<64x256xf32, #tpu.memory_space<vmem>>, vector<1x16xf32>,
        %get3A_759 = arith.constant 1 : i32
        %get3A_760 = arith.index_cast %get3A_759 : i32 to index
        %get3A_761 = arith.index_cast %scan3A_342 : i32 to index
        %get3A_762 = arith.constant 208 : index
        %get3A_763 = tpu.vector_load %arg5[%get3A_760, %get3A_761, %get3A_762] {strides = array<i32>} : memref<2x32x256xf32, #tpu.memory_space<vmem>>, vector<1x1x16xf32>,
        %get3A_764 = vector.shape_cast %get3A_763 : vector<1x1x16xf32> to vector<16xf32>
        %add3A_765 = arith.addi %mul3A_316, %scan3A_342 : i32
        %get3A_766 = arith.index_cast %add3A_765 : i32 to index
        %get3A_767 = arith.constant 208 : index
        %get3A_768 = tpu.vector_load %arg6[%get3A_766, %get3A_767] {strides = array<i32>} : memref<64x256xf32, #tpu.memory_space<vmem>>, vector<1x16xf32>,
        %get3A_769 = vector.shape_cast %get3A_768 : vector<1x16xf32> to vector<16xf32>
        %mul3A_770 = arith.mulf %get3A_322, %get3A_764 : vector<16xf32>
        %add3A_771 = arith.addf %get3A_769, %mul3A_770 : vector<16xf32>
        %add3A_772 = arith.addi %mul3A_316, %scan3A_342 : i32
        %swap3A_773 = arith.index_cast %add3A_772 : i32 to index
        %swap3A_774 = arith.constant 208 : index
        %swap3A_775 = tpu.vector_load %arg6[%swap3A_773, %swap3A_774] {strides = array<i32>} : memref<64x256xf32, #tpu.memory_space<vmem>>, vector<1x16xf32>,
        %swap3A_776 = vector.shape_cast %swap3A_775 : vector<1x16xf32> to vector<16xf32>
        %swap3A_777 = vector.shape_cast %add3A_771 : vector<16xf32> to vector<1x16xf32>
        tpu.vector_store %arg6[%swap3A_773, %swap3A_774], %swap3A_777 {strides = array<i32>} : memref<64x256xf32, #tpu.memory_space<vmem>>, vector<1x16xf32>,
        %add3A_778 = arith.addi %mul3A_316, %scan3A_342 : i32
        %get3A_779 = arith.index_cast %add3A_778 : i32 to index
        %get3A_780 = arith.constant 208 : index
        %get3A_781 = tpu.vector_load %arg7[%get3A_779, %get3A_780] {strides = array<i32>} : memref<64x256xf32, #tpu.memory_space<vmem>>, vector<1x16xf32>,
        %get3A_782 = vector.shape_cast %get3A_781 : vector<1x16xf32> to vector<16xf32>
        %mul3A_783 = arith.mulf %get3A_328, %get3A_764 : vector<16xf32>
        %add3A_784 = arith.addf %get3A_782, %mul3A_783 : vector<16xf32>
        %add3A_785 = arith.addi %mul3A_316, %scan3A_342 : i32
        %swap3A_786 = arith.index_cast %add3A_785 : i32 to index
        %swap3A_787 = arith.constant 208 : index
        %swap3A_788 = tpu.vector_load %arg7[%swap3A_786, %swap3A_787] {strides = array<i32>} : memref<64x256xf32, #tpu.memory_space<vmem>>, vector<1x16xf32>,
        %swap3A_789 = vector.shape_cast %swap3A_788 : vector<1x16xf32> to vector<16xf32>
        %swap3A_790 = vector.shape_cast %add3A_784 : vector<16xf32> to vector<1x16xf32>
        tpu.vector_store %arg7[%swap3A_786, %swap3A_787], %swap3A_790 {strides = array<i32>} : memref<64x256xf32, #tpu.memory_space<vmem>>, vector<1x16xf32>,
        %get3A_791 = arith.constant 1 : i32
        %get3A_792 = arith.index_cast %get3A_791 : i32 to index
        %get3A_793 = arith.index_cast %scan3A_342 : i32 to index
        %get3A_794 = arith.constant 224 : index
        %get3A_795 = tpu.vector_load %arg5[%get3A_792, %get3A_793, %get3A_794] {strides = array<i32>} : memref<2x32x256xf32, #tpu.memory_space<vmem>>, vector<1x1x16xf32>,
        %get3A_796 = vector.shape_cast %get3A_795 : vector<1x1x16xf32> to vector<16xf32>
        %add3A_797 = arith.addi %mul3A_316, %scan3A_342 : i32
        %get3A_798 = arith.index_cast %add3A_797 : i32 to index
        %get3A_799 = arith.constant 224 : index
        %get3A_800 = tpu.vector_load %arg6[%get3A_798, %get3A_799] {strides = array<i32>} : memref<64x256xf32, #tpu.memory_space<vmem>>, vector<1x16xf32>,
        %get3A_801 = vector.shape_cast %get3A_800 : vector<1x16xf32> to vector<16xf32>
        %mul3A_802 = arith.mulf %get3A_322, %get3A_796 : vector<16xf32>
        %add3A_803 = arith.addf %get3A_801, %mul3A_802 : vector<16xf32>
        %add3A_804 = arith.addi %mul3A_316, %scan3A_342 : i32
        %swap3A_805 = arith.index_cast %add3A_804 : i32 to index
        %swap3A_806 = arith.constant 224 : index
        %swap3A_807 = tpu.vector_load %arg6[%swap3A_805, %swap3A_806] {strides = array<i32>} : memref<64x256xf32, #tpu.memory_space<vmem>>, vector<1x16xf32>,
        %swap3A_808 = vector.shape_cast %swap3A_807 : vector<1x16xf32> to vector<16xf32>
        %swap3A_809 = vector.shape_cast %add3A_803 : vector<16xf32> to vector<1x16xf32>
        tpu.vector_store %arg6[%swap3A_805, %swap3A_806], %swap3A_809 {strides = array<i32>} : memref<64x256xf32, #tpu.memory_space<vmem>>, vector<1x16xf32>,
        %add3A_810 = arith.addi %mul3A_316, %scan3A_342 : i32
        %get3A_811 = arith.index_cast %add3A_810 : i32 to index
        %get3A_812 = arith.constant 224 : index
        %get3A_813 = tpu.vector_load %arg7[%get3A_811, %get3A_812] {strides = array<i32>} : memref<64x256xf32, #tpu.memory_space<vmem>>, vector<1x16xf32>,
        %get3A_814 = vector.shape_cast %get3A_813 : vector<1x16xf32> to vector<16xf32>
        %mul3A_815 = arith.mulf %get3A_328, %get3A_796 : vector<16xf32>
        %add3A_816 = arith.addf %get3A_814, %mul3A_815 : vector<16xf32>
        %add3A_817 = arith.addi %mul3A_316, %scan3A_342 : i32
        %swap3A_818 = arith.index_cast %add3A_817 : i32 to index
        %swap3A_819 = arith.constant 224 : index
        %swap3A_820 = tpu.vector_load %arg7[%swap3A_818, %swap3A_819] {strides = array<i32>} : memref<64x256xf32, #tpu.memory_space<vmem>>, vector<1x16xf32>,
        %swap3A_821 = vector.shape_cast %swap3A_820 : vector<1x16xf32> to vector<16xf32>
        %swap3A_822 = vector.shape_cast %add3A_816 : vector<16xf32> to vector<1x16xf32>
        tpu.vector_store %arg7[%swap3A_818, %swap3A_819], %swap3A_822 {strides = array<i32>} : memref<64x256xf32, #tpu.memory_space<vmem>>, vector<1x16xf32>,
        %get3A_823 = arith.constant 1 : i32
        %get3A_824 = arith.index_cast %get3A_823 : i32 to index
        %get3A_825 = arith.index_cast %scan3A_342 : i32 to index
        %get3A_826 = arith.constant 240 : index
        %get3A_827 = tpu.vector_load %arg5[%get3A_824, %get3A_825, %get3A_826] {strides = array<i32>} : memref<2x32x256xf32, #tpu.memory_space<vmem>>, vector<1x1x16xf32>,
        %get3A_828 = vector.shape_cast %get3A_827 : vector<1x1x16xf32> to vector<16xf32>
        %add3A_829 = arith.addi %mul3A_316, %scan3A_342 : i32
        %get3A_830 = arith.index_cast %add3A_829 : i32 to index
        %get3A_831 = arith.constant 240 : index
        %get3A_832 = tpu.vector_load %arg6[%get3A_830, %get3A_831] {strides = array<i32>} : memref<64x256xf32, #tpu.memory_space<vmem>>, vector<1x16xf32>,
        %get3A_833 = vector.shape_cast %get3A_832 : vector<1x16xf32> to vector<16xf32>
        %mul3A_834 = arith.mulf %get3A_322, %get3A_828 : vector<16xf32>
        %add3A_835 = arith.addf %get3A_833, %mul3A_834 : vector<16xf32>
        %add3A_836 = arith.addi %mul3A_316, %scan3A_342 : i32
        %swap3A_837 = arith.index_cast %add3A_836 : i32 to index
        %swap3A_838 = arith.constant 240 : index
        %swap3A_839 = tpu.vector_load %arg6[%swap3A_837, %swap3A_838] {strides = array<i32>} : memref<64x256xf32, #tpu.memory_space<vmem>>, vector<1x16xf32>,
        %swap3A_840 = vector.shape_cast %swap3A_839 : vector<1x16xf32> to vector<16xf32>
        %swap3A_841 = vector.shape_cast %add3A_835 : vector<16xf32> to vector<1x16xf32>
        tpu.vector_store %arg6[%swap3A_837, %swap3A_838], %swap3A_841 {strides = array<i32>} : memref<64x256xf32, #tpu.memory_space<vmem>>, vector<1x16xf32>,
        %add3A_842 = arith.addi %mul3A_316, %scan3A_342 : i32
        %get3A_843 = arith.index_cast %add3A_842 : i32 to index
        %get3A_844 = arith.constant 240 : index
        %get3A_845 = tpu.vector_load %arg7[%get3A_843, %get3A_844] {strides = array<i32>} : memref<64x256xf32, #tpu.memory_space<vmem>>, vector<1x16xf32>,
        %get3A_846 = vector.shape_cast %get3A_845 : vector<1x16xf32> to vector<16xf32>
        %mul3A_847 = arith.mulf %get3A_328, %get3A_828 : vector<16xf32>
        %add3A_848 = arith.addf %get3A_846, %mul3A_847 : vector<16xf32>
        %add3A_849 = arith.addi %mul3A_316, %scan3A_342 : i32
        %swap3A_850 = arith.index_cast %add3A_849 : i32 to index
        %swap3A_851 = arith.constant 240 : index
        %swap3A_852 = tpu.vector_load %arg7[%swap3A_850, %swap3A_851] {strides = array<i32>} : memref<64x256xf32, #tpu.memory_space<vmem>>, vector<1x16xf32>,
        %swap3A_853 = vector.shape_cast %swap3A_852 : vector<1x16xf32> to vector<16xf32>
        %swap3A_854 = vector.shape_cast %add3A_848 : vector<16xf32> to vector<1x16xf32>
        tpu.vector_store %arg7[%swap3A_850, %swap3A_851], %swap3A_854 {strides = array<i32>} : memref<64x256xf32, #tpu.memory_space<vmem>>, vector<1x16xf32>,
        %scan3A_855 = arith.constant 0 : i32
        scf.yield %scan3A_855 : i32
      }
      %scan3A_335 = arith.constant 32 : i32
      %lt3A_336 = arith.constant 14 : i32
      %lt3A_337 = arith.cmpi slt, %add3A_215, %lt3A_336 : i32
      %convert_element_type3A_338 = arith.extui %lt3A_337 : i1 to i32
      %cond3A_339 = arith.constant 0 : i32
      %cond3A_340 = arith.cmpi ne, %convert_element_type3A_338, %cond3A_339 : i32
      scf.if %cond3A_340 {
        %add3A_342 = arith.constant 2 : i32
        %add3A_343 = arith.addi %add3A_215, %add3A_342 : i32
        %jit3A_344 = arith.constant 2 : i32
        %div3A_345 = arith.divsi %add3A_343, %jit3A_344 : i32
        %sign3A_346 = arith.constant 0 : i32
        %sign3A_347 = arith.cmpi sgt, %add3A_343, %sign3A_346 : i32
        %sign3A_348 = arith.extui %sign3A_347 : i1 to i32
        %sign3A_349 = arith.constant 0 : i32
        %sign3A_350 = arith.cmpi slt, %add3A_343, %sign3A_349 : i32
        %sign3A_351 = arith.extui %sign3A_350 : i1 to i32
        %sign3A_352 = arith.subi %sign3A_348, %sign3A_351 : i32
        %sign3A_353 = arith.constant 0 : i32
        %sign3A_354 = arith.cmpi sgt, %jit3A_344, %sign3A_353 : i32
        %sign3A_355 = arith.extui %sign3A_354 : i1 to i32
        %sign3A_356 = arith.constant 0 : i32
        %sign3A_357 = arith.cmpi slt, %jit3A_344, %sign3A_356 : i32
        %sign3A_358 = arith.extui %sign3A_357 : i1 to i32
        %sign3A_359 = arith.subi %sign3A_355, %sign3A_358 : i32
        %ne3A_360 = arith.cmpi ne, %sign3A_352, %sign3A_359 : i32
        %rem3A_361 = arith.remsi %add3A_343, %jit3A_344 : i32
        %ne3A_362 = arith.constant 0 : i32
        %ne3A_363 = arith.cmpi ne, %rem3A_361, %ne3A_362 : i32
        %and3A_364 = arith.andi %ne3A_360, %ne3A_363 : i1
        %sub3A_365 = arith.constant 1 : i32
        %sub3A_366 = arith.subi %div3A_345, %sub3A_365 : i32
        %select_n3A_367 = arith.select %and3A_364, %sub3A_366, %div3A_345 : i32
        %add3A_368 = arith.addi %mul3A_34, %select_n3A_367 : i32
        %jit3A_369 = arith.constant 2 : i32
        %eq3A_370 = arith.constant 0 : i32
        %eq3A_371 = arith.cmpi eq, %jit3A_369, %eq3A_370 : i32
        %jit3A_372 = arith.constant 1 : i32
        %select_n3A_373 = arith.select %eq3A_371, %jit3A_372, %jit3A_369 : i32
        %rem3A_374 = arith.remsi %add3A_343, %select_n3A_373 : i32
        %ne3A_375 = arith.constant 0 : i32
        %ne3A_376 = arith.cmpi ne, %rem3A_374, %ne3A_375 : i32
        %lt3A_377 = arith.constant 0 : i32
        %lt3A_378 = arith.cmpi slt, %rem3A_374, %lt3A_377 : i32
        %lt3A_379 = arith.constant 0 : i32
        %lt3A_380 = arith.cmpi slt, %select_n3A_373, %lt3A_379 : i32
        %ne3A_381 = arith.xori %lt3A_378, %lt3A_380 : i1
        %and3A_382 = arith.andi %ne3A_381, %ne3A_376 : i1
        %add3A_383 = arith.addi %rem3A_374, %select_n3A_373 : i32
        %select_n3A_384 = arith.select %and3A_382, %add3A_383, %rem3A_374 : i32
        %mul3A_385 = arith.constant 32 : i32
        %mul3A_386 = arith.muli %select_n3A_384, %mul3A_385 : i32
        %dma_start3A_387 = arith.constant 1 : i32
        %dma_start3A_388 = arith.constant 0 : i32
        %dma_start3A_389 = arith.constant 0 : i32
        %dma_start3A_390 = tpu.memref_slice %arg5[%dma_start3A_387, %dma_start3A_388, %dma_start3A_389] : memref<2x32x256xf32, #tpu.memory_space<vmem>> -> memref<1x32x256xf32, #tpu.memory_space<vmem>>
        %dma_start3A_391 = tpu.memref_squeeze %dma_start3A_390 : memref<1x32x256xf32, #tpu.memory_space<vmem>> -> memref<32x256xf32, #tpu.memory_space<vmem>>
        %dma_start3A_392 = arith.constant 0 : i32
        %dma_start3A_393 = tpu.memref_slice %arg2[%add3A_18, %add3A_368, %mul3A_386, %dma_start3A_392] : memref<32x64x64x256xf32, #tpu.memory_space<hbm>> -> memref<1x1x32x256xf32, #tpu.memory_space<hbm>>
        %dma_start3A_394 = tpu.memref_squeeze %dma_start3A_393 : memref<1x1x32x256xf32, #tpu.memory_space<hbm>> -> memref<32x256xf32, #tpu.memory_space<hbm>>
        %dma_start3A_395 = arith.constant 0 : i32
        %dma_start3A_396 = arith.constant 0 : i32
        %dma_start3A_397 = tpu.memref_slice %arg5[%dma_start3A_387, %dma_start3A_395, %dma_start3A_396] : memref<2x32x256xf32, #tpu.memory_space<vmem>> -> memref<1x32x256xf32, #tpu.memory_space<vmem>>
        %dma_start3A_398 = tpu.memref_squeeze %dma_start3A_397 : memref<1x32x256xf32, #tpu.memory_space<vmem>> -> memref<32x256xf32, #tpu.memory_space<vmem>>
        %dma_start3A_399 = arith.constant 0 : i32
        %dma_start3A_400 = tpu.memref_slice %arg2[%add3A_18, %add3A_368, %mul3A_386, %dma_start3A_399] : memref<32x64x64x256xf32, #tpu.memory_space<hbm>> -> memref<1x1x32x256xf32, #tpu.memory_space<hbm>>
        %dma_start3A_401 = tpu.memref_squeeze %dma_start3A_400 : memref<1x1x32x256xf32, #tpu.memory_space<hbm>> -> memref<32x256xf32, #tpu.memory_space<hbm>>
        tpu.enqueue_dma source(%dma_start3A_401 : memref<32x256xf32, #tpu.memory_space<hbm>>) target(%dma_start3A_398 : memref<32x256xf32, #tpu.memory_space<vmem>>) target_semaphore(%arg10 : memref<!tpu.dma_semaphore, #tpu.memory_space<semaphore_mem>>)
      } else {
      }
      %scan3A_341 = arith.constant 0 : i32
      scf.yield %scan3A_341 : i32
    }
    %scan3A_85 = arith.constant 8 : i32
    %run_scoped3A = arith.constant 0 : i32
    "tpu.region"() ({
      %run_scoped3A_87 = tpu.sem_alloc : memref<!tpu.dma_semaphore, #tpu.memory_space<semaphore_mem>>
      %dma_start3A_88 = arith.constant 0 : i32
      %dma_start3A_89 = arith.constant 0 : i32
      %dma_start3A_90 = tpu.memref_slice %arg4[%select_n3A, %select_n3A_32, %run_scoped3A, %dma_start3A_88, %dma_start3A_89] : memref<4x8x2x64x256xf32, #tpu.memory_space<hbm>> -> memref<1x1x1x64x256xf32, #tpu.memory_space<hbm>>
      %dma_start3A_91 = tpu.memref_squeeze %dma_start3A_90 : memref<1x1x1x64x256xf32, #tpu.memory_space<hbm>> -> memref<64x256xf32, #tpu.memory_space<hbm>>
      %dma_start3A_92 = arith.constant 0 : i32
      %dma_start3A_93 = arith.constant 0 : i32
      %dma_start3A_94 = tpu.memref_slice %arg4[%select_n3A, %select_n3A_32, %run_scoped3A, %dma_start3A_92, %dma_start3A_93] : memref<4x8x2x64x256xf32, #tpu.memory_space<hbm>> -> memref<1x1x1x64x256xf32, #tpu.memory_space<hbm>>
      %dma_start3A_95 = tpu.memref_squeeze %dma_start3A_94 : memref<1x1x1x64x256xf32, #tpu.memory_space<hbm>> -> memref<64x256xf32, #tpu.memory_space<hbm>>
      tpu.enqueue_dma source(%arg6 : memref<64x256xf32, #tpu.memory_space<vmem>>) target(%dma_start3A_95 : memref<64x256xf32, #tpu.memory_space<hbm>>) target_semaphore(%run_scoped3A_87 : memref<!tpu.dma_semaphore, #tpu.memory_space<semaphore_mem>>)
      %dma_wait3A = arith.constant 0 : i32
      %dma_wait3A_96 = arith.constant 0 : i32
      %dma_wait3A_97 = tpu.memref_slice %arg4[%select_n3A, %select_n3A_32, %run_scoped3A, %dma_wait3A, %dma_wait3A_96] : memref<4x8x2x64x256xf32, #tpu.memory_space<hbm>> -> memref<1x1x1x64x256xf32, #tpu.memory_space<hbm>>
      %dma_wait3A_98 = tpu.memref_squeeze %dma_wait3A_97 : memref<1x1x1x64x256xf32, #tpu.memory_space<hbm>> -> memref<64x256xf32, #tpu.memory_space<hbm>>
      %dma_wait3A_99 = arith.constant 0 : i32
      %dma_wait3A_100 = arith.constant 0 : i32
      %dma_wait3A_101 = tpu.memref_slice %arg4[%select_n3A, %select_n3A_32, %run_scoped3A, %dma_wait3A_99, %dma_wait3A_100] : memref<4x8x2x64x256xf32, #tpu.memory_space<hbm>> -> memref<1x1x1x64x256xf32, #tpu.memory_space<hbm>>
      %dma_wait3A_102 = tpu.memref_squeeze %dma_wait3A_101 : memref<1x1x1x64x256xf32, #tpu.memory_space<hbm>> -> memref<64x256xf32, #tpu.memory_space<hbm>>
      tpu.wait_dma2 semaphore(%run_scoped3A_87 : memref<!tpu.dma_semaphore, #tpu.memory_space<semaphore_mem>>) src(%arg6 : memref<64x256xf32, #tpu.memory_space<vmem>>) dst(%dma_wait3A_102 : memref<64x256xf32, #tpu.memory_space<hbm>>)
      tpu.yield
    }) : () -> ()
    %run_scoped3A_86 = arith.constant 1 : i32
    "tpu.region"() ({
      %run_scoped3A_87 = tpu.sem_alloc : memref<!tpu.dma_semaphore, #tpu.memory_space<semaphore_mem>>
      %dma_start3A_88 = arith.constant 0 : i32
      %dma_start3A_89 = arith.constant 0 : i32
      %dma_start3A_90 = tpu.memref_slice %arg4[%select_n3A, %select_n3A_32, %run_scoped3A_86, %dma_start3A_88, %dma_start3A_89] : memref<4x8x2x64x256xf32, #tpu.memory_space<hbm>> -> memref<1x1x1x64x256xf32, #tpu.memory_space<hbm>>
      %dma_start3A_91 = tpu.memref_squeeze %dma_start3A_90 : memref<1x1x1x64x256xf32, #tpu.memory_space<hbm>> -> memref<64x256xf32, #tpu.memory_space<hbm>>
      %dma_start3A_92 = arith.constant 0 : i32
      %dma_start3A_93 = arith.constant 0 : i32
      %dma_start3A_94 = tpu.memref_slice %arg4[%select_n3A, %select_n3A_32, %run_scoped3A_86, %dma_start3A_92, %dma_start3A_93] : memref<4x8x2x64x256xf32, #tpu.memory_space<hbm>> -> memref<1x1x1x64x256xf32, #tpu.memory_space<hbm>>
      %dma_start3A_95 = tpu.memref_squeeze %dma_start3A_94 : memref<1x1x1x64x256xf32, #tpu.memory_space<hbm>> -> memref<64x256xf32, #tpu.memory_space<hbm>>
      tpu.enqueue_dma source(%arg7 : memref<64x256xf32, #tpu.memory_space<vmem>>) target(%dma_start3A_95 : memref<64x256xf32, #tpu.memory_space<hbm>>) target_semaphore(%run_scoped3A_87 : memref<!tpu.dma_semaphore, #tpu.memory_space<semaphore_mem>>)
      %dma_wait3A = arith.constant 0 : i32
      %dma_wait3A_96 = arith.constant 0 : i32
      %dma_wait3A_97 = tpu.memref_slice %arg4[%select_n3A, %select_n3A_32, %run_scoped3A_86, %dma_wait3A, %dma_wait3A_96] : memref<4x8x2x64x256xf32, #tpu.memory_space<hbm>> -> memref<1x1x1x64x256xf32, #tpu.memory_space<hbm>>
      %dma_wait3A_98 = tpu.memref_squeeze %dma_wait3A_97 : memref<1x1x1x64x256xf32, #tpu.memory_space<hbm>> -> memref<64x256xf32, #tpu.memory_space<hbm>>
      %dma_wait3A_99 = arith.constant 0 : i32
      %dma_wait3A_100 = arith.constant 0 : i32
      %dma_wait3A_101 = tpu.memref_slice %arg4[%select_n3A, %select_n3A_32, %run_scoped3A_86, %dma_wait3A_99, %dma_wait3A_100] : memref<4x8x2x64x256xf32, #tpu.memory_space<hbm>> -> memref<1x1x1x64x256xf32, #tpu.memory_space<hbm>>
      %dma_wait3A_102 = tpu.memref_squeeze %dma_wait3A_101 : memref<1x1x1x64x256xf32, #tpu.memory_space<hbm>> -> memref<64x256xf32, #tpu.memory_space<hbm>>
      tpu.wait_dma2 semaphore(%run_scoped3A_87 : memref<!tpu.dma_semaphore, #tpu.memory_space<semaphore_mem>>) src(%arg7 : memref<64x256xf32, #tpu.memory_space<vmem>>) dst(%dma_wait3A_102 : memref<64x256xf32, #tpu.memory_space<hbm>>)
      tpu.yield
    }) : () -> ()
    return
  }
}

module attributes {stable_mosaic.version = 14 : i64} {
  func.func @_tc_tail(%arg0: i32, %arg1: memref<1x8x2x64x256xf32, #tpu.memory_space<vmem>>, %arg2: memref<4x256x256xf32, #tpu.memory_space<vmem>>, %arg3: memref<1x64x1xf32, #tpu.memory_space<vmem>>, %arg4: memref<1x256xf32, #tpu.memory_space<vmem>>, %arg5: memref<1x64x256xf32, #tpu.memory_space<vmem>>, %arg6: memref<1x64x256xf32, #tpu.memory_space<vmem>>, %arg7: memref<1x64x256xf32, #tpu.memory_space<vmem>>) attributes {dimension_semantics = [#tpu.dimension_semantics<arbitrary>], iteration_bounds = array<i64: 4>, scalar_prefetch = 0 : i64, scratch_operands = 0 : i64, tpu.core_type = #tpu.core_type<tc>, window_params = [{transform_indices = @transform_0, window_bounds = array<i64: 1, 8, 2, 64, 256>}, {pipeline_mode = #tpu.pipeline_mode<synchronous>, transform_indices = @transform_1, window_bounds = array<i64: 4, 256, 256>}, {transform_indices = @transform_2, window_bounds = array<i64: 1, 64, 1>}, {pipeline_mode = #tpu.pipeline_mode<synchronous>, transform_indices = @transform_3, window_bounds = array<i64: 1, 256>}, {transform_indices = @transform_4, window_bounds = array<i64: 1, 64, 256>}, {transform_indices = @transform_5, window_bounds = array<i64: 1, 64, 256>}, {transform_indices = @transform_6, window_bounds = array<i64: 1, 64, 256>}]} {
    %get3A = arith.constant 0 : index
    %get3A_0 = arith.constant 0 : index
    %get3A_1 = arith.constant 0 : index
    %get3A_2 = arith.constant 0 : index
    %get3A_3 = arith.constant 0 : index
    %get3A_4 = vector.load %arg1[%get3A, %get3A_0, %get3A_1, %get3A_2, %get3A_3] : memref<1x8x2x64x256xf32, #tpu.memory_space<vmem>>, vector<1x1x1x64x256xf32>
    %get3A_5 = vector.shape_cast %get3A_4 : vector<1x1x1x64x256xf32> to vector<64x256xf32>
    %get3A_6 = arith.constant 0 : index
    %get3A_7 = arith.constant 0 : index
    %get3A_8 = arith.constant 1 : index
    %get3A_9 = arith.constant 0 : index
    %get3A_10 = arith.constant 0 : index
    %get3A_11 = vector.load %arg1[%get3A_6, %get3A_7, %get3A_8, %get3A_9, %get3A_10] : memref<1x8x2x64x256xf32, #tpu.memory_space<vmem>>, vector<1x1x1x64x256xf32>
    %get3A_12 = vector.shape_cast %get3A_11 : vector<1x1x1x64x256xf32> to vector<64x256xf32>
    %get3A_13 = arith.constant 0 : index
    %get3A_14 = arith.constant 1 : index
    %get3A_15 = arith.constant 0 : index
    %get3A_16 = arith.constant 0 : index
    %get3A_17 = arith.constant 0 : index
    %get3A_18 = vector.load %arg1[%get3A_13, %get3A_14, %get3A_15, %get3A_16, %get3A_17] : memref<1x8x2x64x256xf32, #tpu.memory_space<vmem>>, vector<1x1x1x64x256xf32>
    %get3A_19 = vector.shape_cast %get3A_18 : vector<1x1x1x64x256xf32> to vector<64x256xf32>
    %add3A = arith.addf %get3A_5, %get3A_19 : vector<64x256xf32>
    %get3A_20 = arith.constant 0 : index
    %get3A_21 = arith.constant 1 : index
    %get3A_22 = arith.constant 1 : index
    %get3A_23 = arith.constant 0 : index
    %get3A_24 = arith.constant 0 : index
    %get3A_25 = vector.load %arg1[%get3A_20, %get3A_21, %get3A_22, %get3A_23, %get3A_24] : memref<1x8x2x64x256xf32, #tpu.memory_space<vmem>>, vector<1x1x1x64x256xf32>
    %get3A_26 = vector.shape_cast %get3A_25 : vector<1x1x1x64x256xf32> to vector<64x256xf32>
    %add3A_27 = arith.addf %get3A_12, %get3A_26 : vector<64x256xf32>
    %get3A_28 = arith.constant 0 : index
    %get3A_29 = arith.constant 2 : index
    %get3A_30 = arith.constant 0 : index
    %get3A_31 = arith.constant 0 : index
    %get3A_32 = arith.constant 0 : index
    %get3A_33 = vector.load %arg1[%get3A_28, %get3A_29, %get3A_30, %get3A_31, %get3A_32] : memref<1x8x2x64x256xf32, #tpu.memory_space<vmem>>, vector<1x1x1x64x256xf32>
    %get3A_34 = vector.shape_cast %get3A_33 : vector<1x1x1x64x256xf32> to vector<64x256xf32>
    %add3A_35 = arith.addf %add3A, %get3A_34 : vector<64x256xf32>
    %get3A_36 = arith.constant 0 : index
    %get3A_37 = arith.constant 2 : index
    %get3A_38 = arith.constant 1 : index
    %get3A_39 = arith.constant 0 : index
    %get3A_40 = arith.constant 0 : index
    %get3A_41 = vector.load %arg1[%get3A_36, %get3A_37, %get3A_38, %get3A_39, %get3A_40] : memref<1x8x2x64x256xf32, #tpu.memory_space<vmem>>, vector<1x1x1x64x256xf32>
    %get3A_42 = vector.shape_cast %get3A_41 : vector<1x1x1x64x256xf32> to vector<64x256xf32>
    %add3A_43 = arith.addf %add3A_27, %get3A_42 : vector<64x256xf32>
    %get3A_44 = arith.constant 0 : index
    %get3A_45 = arith.constant 3 : index
    %get3A_46 = arith.constant 0 : index
    %get3A_47 = arith.constant 0 : index
    %get3A_48 = arith.constant 0 : index
    %get3A_49 = vector.load %arg1[%get3A_44, %get3A_45, %get3A_46, %get3A_47, %get3A_48] : memref<1x8x2x64x256xf32, #tpu.memory_space<vmem>>, vector<1x1x1x64x256xf32>
    %get3A_50 = vector.shape_cast %get3A_49 : vector<1x1x1x64x256xf32> to vector<64x256xf32>
    %add3A_51 = arith.addf %add3A_35, %get3A_50 : vector<64x256xf32>
    %get3A_52 = arith.constant 0 : index
    %get3A_53 = arith.constant 3 : index
    %get3A_54 = arith.constant 1 : index
    %get3A_55 = arith.constant 0 : index
    %get3A_56 = arith.constant 0 : index
    %get3A_57 = vector.load %arg1[%get3A_52, %get3A_53, %get3A_54, %get3A_55, %get3A_56] : memref<1x8x2x64x256xf32, #tpu.memory_space<vmem>>, vector<1x1x1x64x256xf32>
    %get3A_58 = vector.shape_cast %get3A_57 : vector<1x1x1x64x256xf32> to vector<64x256xf32>
    %add3A_59 = arith.addf %add3A_43, %get3A_58 : vector<64x256xf32>
    %get3A_60 = arith.constant 0 : index
    %get3A_61 = arith.constant 4 : index
    %get3A_62 = arith.constant 0 : index
    %get3A_63 = arith.constant 0 : index
    %get3A_64 = arith.constant 0 : index
    %get3A_65 = vector.load %arg1[%get3A_60, %get3A_61, %get3A_62, %get3A_63, %get3A_64] : memref<1x8x2x64x256xf32, #tpu.memory_space<vmem>>, vector<1x1x1x64x256xf32>
    %get3A_66 = vector.shape_cast %get3A_65 : vector<1x1x1x64x256xf32> to vector<64x256xf32>
    %add3A_67 = arith.addf %add3A_51, %get3A_66 : vector<64x256xf32>
    %get3A_68 = arith.constant 0 : index
    %get3A_69 = arith.constant 4 : index
    %get3A_70 = arith.constant 1 : index
    %get3A_71 = arith.constant 0 : index
    %get3A_72 = arith.constant 0 : index
    %get3A_73 = vector.load %arg1[%get3A_68, %get3A_69, %get3A_70, %get3A_71, %get3A_72] : memref<1x8x2x64x256xf32, #tpu.memory_space<vmem>>, vector<1x1x1x64x256xf32>
    %get3A_74 = vector.shape_cast %get3A_73 : vector<1x1x1x64x256xf32> to vector<64x256xf32>
    %add3A_75 = arith.addf %add3A_59, %get3A_74 : vector<64x256xf32>
    %get3A_76 = arith.constant 0 : index
    %get3A_77 = arith.constant 5 : index
    %get3A_78 = arith.constant 0 : index
    %get3A_79 = arith.constant 0 : index
    %get3A_80 = arith.constant 0 : index
    %get3A_81 = vector.load %arg1[%get3A_76, %get3A_77, %get3A_78, %get3A_79, %get3A_80] : memref<1x8x2x64x256xf32, #tpu.memory_space<vmem>>, vector<1x1x1x64x256xf32>
    %get3A_82 = vector.shape_cast %get3A_81 : vector<1x1x1x64x256xf32> to vector<64x256xf32>
    %add3A_83 = arith.addf %add3A_67, %get3A_82 : vector<64x256xf32>
    %get3A_84 = arith.constant 0 : index
    %get3A_85 = arith.constant 5 : index
    %get3A_86 = arith.constant 1 : index
    %get3A_87 = arith.constant 0 : index
    %get3A_88 = arith.constant 0 : index
    %get3A_89 = vector.load %arg1[%get3A_84, %get3A_85, %get3A_86, %get3A_87, %get3A_88] : memref<1x8x2x64x256xf32, #tpu.memory_space<vmem>>, vector<1x1x1x64x256xf32>
    %get3A_90 = vector.shape_cast %get3A_89 : vector<1x1x1x64x256xf32> to vector<64x256xf32>
    %add3A_91 = arith.addf %add3A_75, %get3A_90 : vector<64x256xf32>
    %get3A_92 = arith.constant 0 : index
    %get3A_93 = arith.constant 6 : index
    %get3A_94 = arith.constant 0 : index
    %get3A_95 = arith.constant 0 : index
    %get3A_96 = arith.constant 0 : index
    %get3A_97 = vector.load %arg1[%get3A_92, %get3A_93, %get3A_94, %get3A_95, %get3A_96] : memref<1x8x2x64x256xf32, #tpu.memory_space<vmem>>, vector<1x1x1x64x256xf32>
    %get3A_98 = vector.shape_cast %get3A_97 : vector<1x1x1x64x256xf32> to vector<64x256xf32>
    %add3A_99 = arith.addf %add3A_83, %get3A_98 : vector<64x256xf32>
    %get3A_100 = arith.constant 0 : index
    %get3A_101 = arith.constant 6 : index
    %get3A_102 = arith.constant 1 : index
    %get3A_103 = arith.constant 0 : index
    %get3A_104 = arith.constant 0 : index
    %get3A_105 = vector.load %arg1[%get3A_100, %get3A_101, %get3A_102, %get3A_103, %get3A_104] : memref<1x8x2x64x256xf32, #tpu.memory_space<vmem>>, vector<1x1x1x64x256xf32>
    %get3A_106 = vector.shape_cast %get3A_105 : vector<1x1x1x64x256xf32> to vector<64x256xf32>
    %add3A_107 = arith.addf %add3A_91, %get3A_106 : vector<64x256xf32>
    %get3A_108 = arith.constant 0 : index
    %get3A_109 = arith.constant 7 : index
    %get3A_110 = arith.constant 0 : index
    %get3A_111 = arith.constant 0 : index
    %get3A_112 = arith.constant 0 : index
    %get3A_113 = vector.load %arg1[%get3A_108, %get3A_109, %get3A_110, %get3A_111, %get3A_112] : memref<1x8x2x64x256xf32, #tpu.memory_space<vmem>>, vector<1x1x1x64x256xf32>
    %get3A_114 = vector.shape_cast %get3A_113 : vector<1x1x1x64x256xf32> to vector<64x256xf32>
    %add3A_115 = arith.addf %add3A_99, %get3A_114 : vector<64x256xf32>
    %get3A_116 = arith.constant 0 : index
    %get3A_117 = arith.constant 7 : index
    %get3A_118 = arith.constant 1 : index
    %get3A_119 = arith.constant 0 : index
    %get3A_120 = arith.constant 0 : index
    %get3A_121 = vector.load %arg1[%get3A_116, %get3A_117, %get3A_118, %get3A_119, %get3A_120] : memref<1x8x2x64x256xf32, #tpu.memory_space<vmem>>, vector<1x1x1x64x256xf32>
    %get3A_122 = vector.shape_cast %get3A_121 : vector<1x1x1x64x256xf32> to vector<64x256xf32>
    %add3A_123 = arith.addf %add3A_107, %get3A_122 : vector<64x256xf32>
    %get3A_124 = arith.constant 0 : index
    %get3A_125 = arith.constant 0 : index
    %get3A_126 = arith.constant 0 : index
    %get3A_127 = vector.load %arg2[%get3A_124, %get3A_125, %get3A_126] : memref<4x256x256xf32, #tpu.memory_space<vmem>>, vector<1x256x256xf32>
    %get3A_128 = vector.shape_cast %get3A_127 : vector<1x256x256xf32> to vector<256x256xf32>
    %dot_general3A = arith.constant dense<0.000000e+00> : vector<64x256xf32>
    %dot_general3A_129 = tpu.matmul %add3A_115, %get3A_128, %dot_general3A {dimension_numbers = #tpu.dot_dimension_numbers<[1], [0], [0], [1], [0, 0, 1, 1], [], []>, transpose_lhs_hint = false} : vector<64x256xf32>, vector<256x256xf32>, vector<64x256xf32> -> vector<64x256xf32>
    %swap3A = arith.constant 0 : index
    %swap3A_130 = arith.constant 0 : index
    %swap3A_131 = arith.constant 0 : index
    %swap3A_132 = vector.load %arg5[%swap3A, %swap3A_130, %swap3A_131] : memref<1x64x256xf32, #tpu.memory_space<vmem>>, vector<1x64x256xf32>
    %swap3A_133 = vector.shape_cast %swap3A_132 : vector<1x64x256xf32> to vector<64x256xf32>
    %swap3A_134 = vector.shape_cast %dot_general3A_129 : vector<64x256xf32> to vector<1x64x256xf32>
    tpu.vector_store %arg5[%swap3A, %swap3A_130, %swap3A_131], %swap3A_134 {strides = array<i32>} : memref<1x64x256xf32, #tpu.memory_space<vmem>>, vector<1x64x256xf32>,
    %get3A_135 = arith.constant 1 : index
    %get3A_136 = arith.constant 0 : index
    %get3A_137 = arith.constant 0 : index
    %get3A_138 = vector.load %arg2[%get3A_135, %get3A_136, %get3A_137] : memref<4x256x256xf32, #tpu.memory_space<vmem>>, vector<1x256x256xf32>
    %get3A_139 = vector.shape_cast %get3A_138 : vector<1x256x256xf32> to vector<256x256xf32>
    %dot_general3A_140 = arith.constant dense<0.000000e+00> : vector<64x256xf32>
    %dot_general3A_141 = tpu.matmul %add3A_123, %get3A_139, %dot_general3A_140 {dimension_numbers = #tpu.dot_dimension_numbers<[1], [0], [0], [1], [0, 0, 1, 1], [], []>, transpose_lhs_hint = false} : vector<64x256xf32>, vector<256x256xf32>, vector<64x256xf32> -> vector<64x256xf32>
    %swap3A_142 = arith.constant 0 : index
    %swap3A_143 = arith.constant 0 : index
    %swap3A_144 = arith.constant 0 : index
    %swap3A_145 = vector.load %arg6[%swap3A_142, %swap3A_143, %swap3A_144] : memref<1x64x256xf32, #tpu.memory_space<vmem>>, vector<1x64x256xf32>
    %swap3A_146 = vector.shape_cast %swap3A_145 : vector<1x64x256xf32> to vector<64x256xf32>
    %swap3A_147 = vector.shape_cast %dot_general3A_141 : vector<64x256xf32> to vector<1x64x256xf32>
    tpu.vector_store %arg6[%swap3A_142, %swap3A_143, %swap3A_144], %swap3A_147 {strides = array<i32>} : memref<1x64x256xf32, #tpu.memory_space<vmem>>, vector<1x64x256xf32>,
    %get3A_148 = arith.constant 2 : index
    %get3A_149 = arith.constant 0 : index
    %get3A_150 = arith.constant 0 : index
    %get3A_151 = vector.load %arg2[%get3A_148, %get3A_149, %get3A_150] : memref<4x256x256xf32, #tpu.memory_space<vmem>>, vector<1x256x256xf32>
    %get3A_152 = vector.shape_cast %get3A_151 : vector<1x256x256xf32> to vector<256x256xf32>
    %dot_general3A_153 = arith.constant dense<0.000000e+00> : vector<64x256xf32>
    %dot_general3A_154 = tpu.matmul %add3A_115, %get3A_152, %dot_general3A_153 {dimension_numbers = #tpu.dot_dimension_numbers<[1], [0], [0], [1], [0, 0, 1, 1], [], []>, transpose_lhs_hint = false} : vector<64x256xf32>, vector<256x256xf32>, vector<64x256xf32> -> vector<64x256xf32>
    %get3A_155 = arith.constant 3 : index
    %get3A_156 = arith.constant 0 : index
    %get3A_157 = arith.constant 0 : index
    %get3A_158 = vector.load %arg2[%get3A_155, %get3A_156, %get3A_157] : memref<4x256x256xf32, #tpu.memory_space<vmem>>, vector<1x256x256xf32>
    %get3A_159 = vector.shape_cast %get3A_158 : vector<1x256x256xf32> to vector<256x256xf32>
    %dot_general3A_160 = arith.constant dense<0.000000e+00> : vector<64x256xf32>
    %dot_general3A_161 = tpu.matmul %add3A_123, %get3A_159, %dot_general3A_160 {dimension_numbers = #tpu.dot_dimension_numbers<[1], [0], [0], [1], [0, 0, 1, 1], [], []>, transpose_lhs_hint = false} : vector<64x256xf32>, vector<256x256xf32>, vector<64x256xf32> -> vector<64x256xf32>
    %add3A_162 = arith.addf %dot_general3A_154, %dot_general3A_161 : vector<64x256xf32>
    %get3A_163 = arith.constant 0 : index
    %get3A_164 = arith.constant 0 : index
    %get3A_165 = arith.constant 0 : index
    %get3A_166 = vector.load %arg3[%get3A_163, %get3A_164, %get3A_165] : memref<1x64x1xf32, #tpu.memory_space<vmem>>, vector<1x64x1xf32>
    %get3A_167 = vector.shape_cast %get3A_166 : vector<1x64x1xf32> to vector<64x1xf32>
    %get3A_168 = arith.constant 0 : index
    %get3A_169 = arith.constant 0 : index
    %get3A_170 = vector.load %arg4[%get3A_168, %get3A_169] : memref<1x256xf32, #tpu.memory_space<vmem>>, vector<1x256xf32>
    %mul3A = vector.broadcast %get3A_167 : vector<64x1xf32> to vector<64x256xf32>
    %mul3A_171 = vector.broadcast %get3A_170 : vector<1x256xf32> to vector<64x256xf32>
    %mul3A_172 = arith.mulf %mul3A, %mul3A_171 : vector<64x256xf32>
    %add3A_173 = arith.addf %add3A_162, %mul3A_172 : vector<64x256xf32>
    %swap3A_174 = arith.constant 0 : index
    %swap3A_175 = arith.constant 0 : index
    %swap3A_176 = arith.constant 0 : index
    %swap3A_177 = vector.load %arg7[%swap3A_174, %swap3A_175, %swap3A_176] : memref<1x64x256xf32, #tpu.memory_space<vmem>>, vector<1x64x256xf32>
    %swap3A_178 = vector.shape_cast %swap3A_177 : vector<1x64x256xf32> to vector<64x256xf32>
    %swap3A_179 = vector.shape_cast %add3A_173 : vector<64x256xf32> to vector<1x64x256xf32>
    tpu.vector_store %arg7[%swap3A_174, %swap3A_175, %swap3A_176], %swap3A_179 {strides = array<i32>} : memref<1x64x256xf32, #tpu.memory_space<vmem>>, vector<1x64x256xf32>,
    return
  }
  func.func @transform_0(%arg0: i32) -> (i32, i32, i32, i32, i32) {
    %c0_i32 = arith.constant 0 : i32
    %c0_i32_0 = arith.constant 0 : i32
    %c0_i32_1 = arith.constant 0 : i32
    %c0_i32_2 = arith.constant 0 : i32
    %c0_i32_3 = arith.constant 0 : i32
    return %arg0, %c0_i32, %c0_i32_0, %c0_i32_1, %c0_i32_2 : i32, i32, i32, i32, i32
  }
  func.func @transform_1(%arg0: i32) -> (i32, i32, i32) {
    %c0_i32 = arith.constant 0 : i32
    %c0_i32_0 = arith.constant 0 : i32
    %c0_i32_1 = arith.constant 0 : i32
    %c0_i32_2 = arith.constant 0 : i32
    return %c0_i32, %c0_i32_0, %c0_i32_1 : i32, i32, i32
  }
  func.func @transform_2(%arg0: i32) -> (i32, i32, i32) {
    %add3A = arith.constant 28 : i32
    %add3A_0 = arith.addi %add3A, %arg0 : i32
    %c0_i32 = arith.constant 0 : i32
    %c0_i32_1 = arith.constant 0 : i32
    %c0_i32_2 = arith.constant 0 : i32
    return %add3A_0, %c0_i32, %c0_i32_1 : i32, i32, i32
  }
  func.func @transform_3(%arg0: i32) -> (i32, i32) {
    %c0_i32 = arith.constant 0 : i32
    %c0_i32_0 = arith.constant 0 : i32
    %c0_i32_1 = arith.constant 0 : i32
    return %c0_i32, %c0_i32_0 : i32, i32
  }
  func.func @transform_4(%arg0: i32) -> (i32, i32, i32) {
    %c0_i32 = arith.constant 0 : i32
    %c0_i32_0 = arith.constant 0 : i32
    %c0_i32_1 = arith.constant 0 : i32
    return %arg0, %c0_i32, %c0_i32_0 : i32, i32, i32
  }
  func.func @transform_5(%arg0: i32) -> (i32, i32, i32) {
    %c0_i32 = arith.constant 0 : i32
    %c0_i32_0 = arith.constant 0 : i32
    %c0_i32_1 = arith.constant 0 : i32
    return %arg0, %c0_i32, %c0_i32_0 : i32, i32, i32
  }
  func.func @transform_6(%arg0: i32) -> (i32, i32, i32) {
    %c0_i32 = arith.constant 0 : i32
    %c0_i32_0 = arith.constant 0 : i32
    %c0_i32_1 = arith.constant 0 : i32
    return %arg0, %c0_i32, %c0_i32_0 : i32, i32, i32
  }
}

module attributes {stable_mosaic.version = 14 : i64} {
  func.func @_tc_body(%arg0: i32, %arg1: memref<32x2x64xf32, #tpu.memory_space<smem>>, %arg2: memref<32x2x64xf32, #tpu.memory_space<vmem>>, %arg3: memref<2x64x64x256xf32, #tpu.memory_space<vmem>>, %arg4: memref<4x256x256xf32, #tpu.memory_space<vmem>>, %arg5: memref<2x64x1xf32, #tpu.memory_space<vmem>>, %arg6: memref<1x256xf32, #tpu.memory_space<vmem>>, %arg7: memref<2x64x256xf32, #tpu.memory_space<vmem>>, %arg8: memref<2x64x256xf32, #tpu.memory_space<vmem>>, %arg9: memref<2x64x256xf32, #tpu.memory_space<vmem>>, %arg10: memref<32x2xf32, #tpu.memory_space<vmem>>) attributes {dimension_semantics = [#tpu.dimension_semantics<arbitrary>], iteration_bounds = array<i64: 14>, scalar_prefetch = 0 : i64, scratch_operands = 0 : i64, tpu.core_type = #tpu.core_type<tc>, window_params = [{transform_indices = @transform_0, window_bounds = array<i64: 32, 2, 64>}, {pipeline_mode = #tpu.pipeline_mode<synchronous>, transform_indices = @transform_1, window_bounds = array<i64: 32, 2, 64>}, {transform_indices = @transform_2, window_bounds = array<i64: 2, 64, 64, 256>}, {pipeline_mode = #tpu.pipeline_mode<synchronous>, transform_indices = @transform_3, window_bounds = array<i64: 4, 256, 256>}, {transform_indices = @transform_4, window_bounds = array<i64: 2, 64, 1>}, {pipeline_mode = #tpu.pipeline_mode<synchronous>, transform_indices = @transform_5, window_bounds = array<i64: 1, 256>}, {transform_indices = @transform_6, window_bounds = array<i64: 2, 64, 256>}, {transform_indices = @transform_7, window_bounds = array<i64: 2, 64, 256>}, {transform_indices = @transform_8, window_bounds = array<i64: 2, 64, 256>}, {pipeline_mode = #tpu.pipeline_mode<synchronous>, transform_indices = @transform_9, window_bounds = array<i64: 32, 2>}]} {
    %mul3A = arith.constant 2 : i32
    %mul3A_0 = arith.muli %arg0, %mul3A : i32
    %add3A = arith.constant 0 : i32
    %add3A_1 = arith.addi %mul3A_0, %add3A : i32
    %broadcast_in_dim3A = arith.constant 0.000000e+00 : f32
    %broadcast_in_dim3A_2 = vector.broadcast %broadcast_in_dim3A : f32 to vector<64x256xf32>
    %scan3A = arith.constant 0 : i32
    %scan3A_3 = arith.constant 64 : i32
    %scan3A_4 = arith.addi %scan3A, %scan3A_3 : i32
    %scan3A_5 = arith.constant 1 : i32
    %scan3A_6:2 = scf.for %scan3A_137 = %scan3A to %scan3A_4 step %scan3A_5 iter_args(%scan3A_138 = %broadcast_in_dim3A_2, %scan3A_139 = %broadcast_in_dim3A_2) -> (vector<64x256xf32>, vector<64x256xf32>)  : i32 {
      %get3A_140 = arith.constant 0 : index
      %get3A_141 = arith.index_cast %scan3A_137 : i32 to index
      %get3A_142 = arith.constant 0 : index
      %get3A_143 = arith.constant 0 : index
      %get3A_144 = vector.load %arg3[%get3A_140, %get3A_141, %get3A_142, %get3A_143] : memref<2x64x64x256xf32, #tpu.memory_space<vmem>>, vector<1x1x64x256xf32>
      %get3A_145 = vector.shape_cast %get3A_144 : vector<1x1x64x256xf32> to vector<64x256xf32>
      %get3A_146 = arith.index_cast %add3A_1 : i32 to index
      %get3A_147 = arith.constant 0 : index
      %get3A_148 = arith.index_cast %scan3A_137 : i32 to index
      %get3A_149 = memref.load %arg1[%get3A_146, %get3A_147, %get3A_148] : memref<32x2x64xf32, #tpu.memory_space<smem>>
      %mul3A_150 = vector.broadcast %get3A_149 : f32 to vector<64x256xf32>
      %mul3A_151 = arith.mulf %mul3A_150, %get3A_145 : vector<64x256xf32>
      %add3A_152 = arith.addf %scan3A_138, %mul3A_151 : vector<64x256xf32>
      %get3A_153 = arith.index_cast %add3A_1 : i32 to index
      %get3A_154 = arith.constant 1 : index
      %get3A_155 = arith.index_cast %scan3A_137 : i32 to index
      %get3A_156 = memref.load %arg1[%get3A_153, %get3A_154, %get3A_155] : memref<32x2x64xf32, #tpu.memory_space<smem>>
      %mul3A_157 = vector.broadcast %get3A_156 : f32 to vector<64x256xf32>
      %mul3A_158 = arith.mulf %mul3A_157, %get3A_145 : vector<64x256xf32>
      %add3A_159 = arith.addf %scan3A_139, %mul3A_158 : vector<64x256xf32>
      scf.yield %add3A_152, %add3A_159 : vector<64x256xf32>, vector<64x256xf32>
    }
    %scan3A_7 = arith.constant 64 : i32
    %get3A = arith.constant 0 : index
    %get3A_8 = arith.constant 0 : index
    %get3A_9 = arith.constant 0 : index
    %get3A_10 = vector.load %arg4[%get3A, %get3A_8, %get3A_9] : memref<4x256x256xf32, #tpu.memory_space<vmem>>, vector<1x256x256xf32>
    %get3A_11 = vector.shape_cast %get3A_10 : vector<1x256x256xf32> to vector<256x256xf32>
    %dot_general3A = arith.constant dense<0.000000e+00> : vector<64x256xf32>
    %dot_general3A_12 = tpu.matmul %scan3A_6#0, %get3A_11, %dot_general3A {dimension_numbers = #tpu.dot_dimension_numbers<[1], [0], [0], [1], [0, 0, 1, 1], [], []>, transpose_lhs_hint = false} : vector<64x256xf32>, vector<256x256xf32>, vector<64x256xf32> -> vector<64x256xf32>
    %swap3A = arith.constant 0 : index
    %swap3A_13 = arith.constant 0 : index
    %swap3A_14 = arith.constant 0 : index
    %swap3A_15 = vector.load %arg7[%swap3A, %swap3A_13, %swap3A_14] : memref<2x64x256xf32, #tpu.memory_space<vmem>>, vector<1x64x256xf32>
    %swap3A_16 = vector.shape_cast %swap3A_15 : vector<1x64x256xf32> to vector<64x256xf32>
    %swap3A_17 = vector.shape_cast %dot_general3A_12 : vector<64x256xf32> to vector<1x64x256xf32>
    tpu.vector_store %arg7[%swap3A, %swap3A_13, %swap3A_14], %swap3A_17 {strides = array<i32>} : memref<2x64x256xf32, #tpu.memory_space<vmem>>, vector<1x64x256xf32>,
    %get3A_18 = arith.constant 1 : index
    %get3A_19 = arith.constant 0 : index
    %get3A_20 = arith.constant 0 : index
    %get3A_21 = vector.load %arg4[%get3A_18, %get3A_19, %get3A_20] : memref<4x256x256xf32, #tpu.memory_space<vmem>>, vector<1x256x256xf32>
    %get3A_22 = vector.shape_cast %get3A_21 : vector<1x256x256xf32> to vector<256x256xf32>
    %dot_general3A_23 = arith.constant dense<0.000000e+00> : vector<64x256xf32>
    %dot_general3A_24 = tpu.matmul %scan3A_6#1, %get3A_22, %dot_general3A_23 {dimension_numbers = #tpu.dot_dimension_numbers<[1], [0], [0], [1], [0, 0, 1, 1], [], []>, transpose_lhs_hint = false} : vector<64x256xf32>, vector<256x256xf32>, vector<64x256xf32> -> vector<64x256xf32>
    %swap3A_25 = arith.constant 0 : index
    %swap3A_26 = arith.constant 0 : index
    %swap3A_27 = arith.constant 0 : index
    %swap3A_28 = vector.load %arg8[%swap3A_25, %swap3A_26, %swap3A_27] : memref<2x64x256xf32, #tpu.memory_space<vmem>>, vector<1x64x256xf32>
    %swap3A_29 = vector.shape_cast %swap3A_28 : vector<1x64x256xf32> to vector<64x256xf32>
    %swap3A_30 = vector.shape_cast %dot_general3A_24 : vector<64x256xf32> to vector<1x64x256xf32>
    tpu.vector_store %arg8[%swap3A_25, %swap3A_26, %swap3A_27], %swap3A_30 {strides = array<i32>} : memref<2x64x256xf32, #tpu.memory_space<vmem>>, vector<1x64x256xf32>,
    %get3A_31 = arith.constant 2 : index
    %get3A_32 = arith.constant 0 : index
    %get3A_33 = arith.constant 0 : index
    %get3A_34 = vector.load %arg4[%get3A_31, %get3A_32, %get3A_33] : memref<4x256x256xf32, #tpu.memory_space<vmem>>, vector<1x256x256xf32>
    %get3A_35 = vector.shape_cast %get3A_34 : vector<1x256x256xf32> to vector<256x256xf32>
    %dot_general3A_36 = arith.constant dense<0.000000e+00> : vector<64x256xf32>
    %dot_general3A_37 = tpu.matmul %scan3A_6#0, %get3A_35, %dot_general3A_36 {dimension_numbers = #tpu.dot_dimension_numbers<[1], [0], [0], [1], [0, 0, 1, 1], [], []>, transpose_lhs_hint = false} : vector<64x256xf32>, vector<256x256xf32>, vector<64x256xf32> -> vector<64x256xf32>
    %get3A_38 = arith.constant 3 : index
    %get3A_39 = arith.constant 0 : index
    %get3A_40 = arith.constant 0 : index
    %get3A_41 = vector.load %arg4[%get3A_38, %get3A_39, %get3A_40] : memref<4x256x256xf32, #tpu.memory_space<vmem>>, vector<1x256x256xf32>
    %get3A_42 = vector.shape_cast %get3A_41 : vector<1x256x256xf32> to vector<256x256xf32>
    %dot_general3A_43 = arith.constant dense<0.000000e+00> : vector<64x256xf32>
    %dot_general3A_44 = tpu.matmul %scan3A_6#1, %get3A_42, %dot_general3A_43 {dimension_numbers = #tpu.dot_dimension_numbers<[1], [0], [0], [1], [0, 0, 1, 1], [], []>, transpose_lhs_hint = false} : vector<64x256xf32>, vector<256x256xf32>, vector<64x256xf32> -> vector<64x256xf32>
    %add3A_45 = arith.addf %dot_general3A_37, %dot_general3A_44 : vector<64x256xf32>
    %get3A_46 = arith.constant 0 : index
    %get3A_47 = arith.constant 0 : index
    %get3A_48 = arith.constant 0 : index
    %get3A_49 = vector.load %arg5[%get3A_46, %get3A_47, %get3A_48] : memref<2x64x1xf32, #tpu.memory_space<vmem>>, vector<1x64x1xf32>
    %get3A_50 = vector.shape_cast %get3A_49 : vector<1x64x1xf32> to vector<64x1xf32>
    %get3A_51 = arith.constant 0 : index
    %get3A_52 = arith.constant 0 : index
    %get3A_53 = vector.load %arg6[%get3A_51, %get3A_52] : memref<1x256xf32, #tpu.memory_space<vmem>>, vector<1x256xf32>
    %mul3A_54 = vector.broadcast %get3A_50 : vector<64x1xf32> to vector<64x256xf32>
    %mul3A_55 = vector.broadcast %get3A_53 : vector<1x256xf32> to vector<64x256xf32>
    %mul3A_56 = arith.mulf %mul3A_54, %mul3A_55 : vector<64x256xf32>
    %add3A_57 = arith.addf %add3A_45, %mul3A_56 : vector<64x256xf32>
    %swap3A_58 = arith.constant 0 : index
    %swap3A_59 = arith.constant 0 : index
    %swap3A_60 = arith.constant 0 : index
    %swap3A_61 = vector.load %arg9[%swap3A_58, %swap3A_59, %swap3A_60] : memref<2x64x256xf32, #tpu.memory_space<vmem>>, vector<1x64x256xf32>
    %swap3A_62 = vector.shape_cast %swap3A_61 : vector<1x64x256xf32> to vector<64x256xf32>
    %swap3A_63 = vector.shape_cast %add3A_57 : vector<64x256xf32> to vector<1x64x256xf32>
    tpu.vector_store %arg9[%swap3A_58, %swap3A_59, %swap3A_60], %swap3A_63 {strides = array<i32>} : memref<2x64x256xf32, #tpu.memory_space<vmem>>, vector<1x64x256xf32>,
    %mul3A_64 = arith.constant 2 : i32
    %mul3A_65 = arith.muli %arg0, %mul3A_64 : i32
    %add3A_66 = arith.constant 1 : i32
    %add3A_67 = arith.addi %mul3A_65, %add3A_66 : i32
    %broadcast_in_dim3A_68 = arith.constant 0.000000e+00 : f32
    %broadcast_in_dim3A_69 = vector.broadcast %broadcast_in_dim3A_68 : f32 to vector<64x256xf32>
    %scan3A_70 = arith.constant 0 : i32
    %scan3A_71 = arith.constant 64 : i32
    %scan3A_72 = arith.addi %scan3A_70, %scan3A_71 : i32
    %scan3A_73 = arith.constant 1 : i32
    %scan3A_74:2 = scf.for %scan3A_137 = %scan3A_70 to %scan3A_72 step %scan3A_73 iter_args(%scan3A_138 = %broadcast_in_dim3A_69, %scan3A_139 = %broadcast_in_dim3A_69) -> (vector<64x256xf32>, vector<64x256xf32>)  : i32 {
      %get3A_140 = arith.constant 1 : index
      %get3A_141 = arith.index_cast %scan3A_137 : i32 to index
      %get3A_142 = arith.constant 0 : index
      %get3A_143 = arith.constant 0 : index
      %get3A_144 = vector.load %arg3[%get3A_140, %get3A_141, %get3A_142, %get3A_143] : memref<2x64x64x256xf32, #tpu.memory_space<vmem>>, vector<1x1x64x256xf32>
      %get3A_145 = vector.shape_cast %get3A_144 : vector<1x1x64x256xf32> to vector<64x256xf32>
      %get3A_146 = arith.index_cast %add3A_67 : i32 to index
      %get3A_147 = arith.constant 0 : index
      %get3A_148 = arith.index_cast %scan3A_137 : i32 to index
      %get3A_149 = memref.load %arg1[%get3A_146, %get3A_147, %get3A_148] : memref<32x2x64xf32, #tpu.memory_space<smem>>
      %mul3A_150 = vector.broadcast %get3A_149 : f32 to vector<64x256xf32>
      %mul3A_151 = arith.mulf %mul3A_150, %get3A_145 : vector<64x256xf32>
      %add3A_152 = arith.addf %scan3A_138, %mul3A_151 : vector<64x256xf32>
      %get3A_153 = arith.index_cast %add3A_67 : i32 to index
      %get3A_154 = arith.constant 1 : index
      %get3A_155 = arith.index_cast %scan3A_137 : i32 to index
      %get3A_156 = memref.load %arg1[%get3A_153, %get3A_154, %get3A_155] : memref<32x2x64xf32, #tpu.memory_space<smem>>
      %mul3A_157 = vector.broadcast %get3A_156 : f32 to vector<64x256xf32>
      %mul3A_158 = arith.mulf %mul3A_157, %get3A_145 : vector<64x256xf32>
      %add3A_159 = arith.addf %scan3A_139, %mul3A_158 : vector<64x256xf32>
      scf.yield %add3A_152, %add3A_159 : vector<64x256xf32>, vector<64x256xf32>
    }
    %scan3A_75 = arith.constant 64 : i32
    %get3A_76 = arith.constant 0 : index
    %get3A_77 = arith.constant 0 : index
    %get3A_78 = arith.constant 0 : index
    %get3A_79 = vector.load %arg4[%get3A_76, %get3A_77, %get3A_78] : memref<4x256x256xf32, #tpu.memory_space<vmem>>, vector<1x256x256xf32>
    %get3A_80 = vector.shape_cast %get3A_79 : vector<1x256x256xf32> to vector<256x256xf32>
    %dot_general3A_81 = arith.constant dense<0.000000e+00> : vector<64x256xf32>
    %dot_general3A_82 = tpu.matmul %scan3A_74#0, %get3A_80, %dot_general3A_81 {dimension_numbers = #tpu.dot_dimension_numbers<[1], [0], [0], [1], [0, 0, 1, 1], [], []>, transpose_lhs_hint = false} : vector<64x256xf32>, vector<256x256xf32>, vector<64x256xf32> -> vector<64x256xf32>
    %swap3A_83 = arith.constant 1 : index
    %swap3A_84 = arith.constant 0 : index
    %swap3A_85 = arith.constant 0 : index
    %swap3A_86 = vector.load %arg7[%swap3A_83, %swap3A_84, %swap3A_85] : memref<2x64x256xf32, #tpu.memory_space<vmem>>, vector<1x64x256xf32>
    %swap3A_87 = vector.shape_cast %swap3A_86 : vector<1x64x256xf32> to vector<64x256xf32>
    %swap3A_88 = vector.shape_cast %dot_general3A_82 : vector<64x256xf32> to vector<1x64x256xf32>
    tpu.vector_store %arg7[%swap3A_83, %swap3A_84, %swap3A_85], %swap3A_88 {strides = array<i32>} : memref<2x64x256xf32, #tpu.memory_space<vmem>>, vector<1x64x256xf32>,
    %get3A_89 = arith.constant 1 : index
    %get3A_90 = arith.constant 0 : index
    %get3A_91 = arith.constant 0 : index
    %get3A_92 = vector.load %arg4[%get3A_89, %get3A_90, %get3A_91] : memref<4x256x256xf32, #tpu.memory_space<vmem>>, vector<1x256x256xf32>
    %get3A_93 = vector.shape_cast %get3A_92 : vector<1x256x256xf32> to vector<256x256xf32>
    %dot_general3A_94 = arith.constant dense<0.000000e+00> : vector<64x256xf32>
    %dot_general3A_95 = tpu.matmul %scan3A_74#1, %get3A_93, %dot_general3A_94 {dimension_numbers = #tpu.dot_dimension_numbers<[1], [0], [0], [1], [0, 0, 1, 1], [], []>, transpose_lhs_hint = false} : vector<64x256xf32>, vector<256x256xf32>, vector<64x256xf32> -> vector<64x256xf32>
    %swap3A_96 = arith.constant 1 : index
    %swap3A_97 = arith.constant 0 : index
    %swap3A_98 = arith.constant 0 : index
    %swap3A_99 = vector.load %arg8[%swap3A_96, %swap3A_97, %swap3A_98] : memref<2x64x256xf32, #tpu.memory_space<vmem>>, vector<1x64x256xf32>
    %swap3A_100 = vector.shape_cast %swap3A_99 : vector<1x64x256xf32> to vector<64x256xf32>
    %swap3A_101 = vector.shape_cast %dot_general3A_95 : vector<64x256xf32> to vector<1x64x256xf32>
    tpu.vector_store %arg8[%swap3A_96, %swap3A_97, %swap3A_98], %swap3A_101 {strides = array<i32>} : memref<2x64x256xf32, #tpu.memory_space<vmem>>, vector<1x64x256xf32>,
    %get3A_102 = arith.constant 2 : index
    %get3A_103 = arith.constant 0 : index
    %get3A_104 = arith.constant 0 : index
    %get3A_105 = vector.load %arg4[%get3A_102, %get3A_103, %get3A_104] : memref<4x256x256xf32, #tpu.memory_space<vmem>>, vector<1x256x256xf32>
    %get3A_106 = vector.shape_cast %get3A_105 : vector<1x256x256xf32> to vector<256x256xf32>
    %dot_general3A_107 = arith.constant dense<0.000000e+00> : vector<64x256xf32>
    %dot_general3A_108 = tpu.matmul %scan3A_74#0, %get3A_106, %dot_general3A_107 {dimension_numbers = #tpu.dot_dimension_numbers<[1], [0], [0], [1], [0, 0, 1, 1], [], []>, transpose_lhs_hint = false} : vector<64x256xf32>, vector<256x256xf32>, vector<64x256xf32> -> vector<64x256xf32>
    %get3A_109 = arith.constant 3 : index
    %get3A_110 = arith.constant 0 : index
    %get3A_111 = arith.constant 0 : index
    %get3A_112 = vector.load %arg4[%get3A_109, %get3A_110, %get3A_111] : memref<4x256x256xf32, #tpu.memory_space<vmem>>, vector<1x256x256xf32>
    %get3A_113 = vector.shape_cast %get3A_112 : vector<1x256x256xf32> to vector<256x256xf32>
    %dot_general3A_114 = arith.constant dense<0.000000e+00> : vector<64x256xf32>
    %dot_general3A_115 = tpu.matmul %scan3A_74#1, %get3A_113, %dot_general3A_114 {dimension_numbers = #tpu.dot_dimension_numbers<[1], [0], [0], [1], [0, 0, 1, 1], [], []>, transpose_lhs_hint = false} : vector<64x256xf32>, vector<256x256xf32>, vector<64x256xf32> -> vector<64x256xf32>
    %add3A_116 = arith.addf %dot_general3A_108, %dot_general3A_115 : vector<64x256xf32>
    %get3A_117 = arith.constant 1 : index
    %get3A_118 = arith.constant 0 : index
    %get3A_119 = arith.constant 0 : index
    %get3A_120 = vector.load %arg5[%get3A_117, %get3A_118, %get3A_119] : memref<2x64x1xf32, #tpu.memory_space<vmem>>, vector<1x64x1xf32>
    %get3A_121 = vector.shape_cast %get3A_120 : vector<1x64x1xf32> to vector<64x1xf32>
    %get3A_122 = arith.constant 0 : index
    %get3A_123 = arith.constant 0 : index
    %get3A_124 = vector.load %arg6[%get3A_122, %get3A_123] : memref<1x256xf32, #tpu.memory_space<vmem>>, vector<1x256xf32>
    %mul3A_125 = vector.broadcast %get3A_121 : vector<64x1xf32> to vector<64x256xf32>
    %mul3A_126 = vector.broadcast %get3A_124 : vector<1x256xf32> to vector<64x256xf32>
    %mul3A_127 = arith.mulf %mul3A_125, %mul3A_126 : vector<64x256xf32>
    %add3A_128 = arith.addf %add3A_116, %mul3A_127 : vector<64x256xf32>
    %swap3A_129 = arith.constant 1 : index
    %swap3A_130 = arith.constant 0 : index
    %swap3A_131 = arith.constant 0 : index
    %swap3A_132 = vector.load %arg9[%swap3A_129, %swap3A_130, %swap3A_131] : memref<2x64x256xf32, #tpu.memory_space<vmem>>, vector<1x64x256xf32>
    %swap3A_133 = vector.shape_cast %swap3A_132 : vector<1x64x256xf32> to vector<64x256xf32>
    %swap3A_134 = vector.shape_cast %add3A_128 : vector<64x256xf32> to vector<1x64x256xf32>
    tpu.vector_store %arg9[%swap3A_129, %swap3A_130, %swap3A_131], %swap3A_134 {strides = array<i32>} : memref<2x64x256xf32, #tpu.memory_space<vmem>>, vector<1x64x256xf32>,
    %eq3A = arith.constant 0 : i32
    %eq3A_135 = arith.cmpi eq, %arg0, %eq3A : i32
    %convert_element_type3A = arith.extui %eq3A_135 : i1 to i32
    %cond3A = arith.constant 0 : i32
    %cond3A_136 = arith.cmpi ne, %convert_element_type3A, %cond3A : i32
    scf.if %cond3A_136 {
      %get3A_137 = arith.constant 0 : index
      %get3A_138 = arith.constant 0 : index
      %get3A_139 = arith.constant 0 : index
      %get3A_140 = vector.load %arg2[%get3A_137, %get3A_138, %get3A_139] : memref<32x2x64xf32, #tpu.memory_space<vmem>>, vector<32x2x64xf32>
      %reduce_max3A = arith.constant dense<0xFF800000> : vector<32x2xf32>
      %reduce_max3A_141 = vector.multi_reduction <maximumf>, %get3A_140, %reduce_max3A [2] : vector<32x2x64xf32> to vector<32x2xf32>
      %swap3A_142 = arith.constant 0 : index
      %swap3A_143 = arith.constant 0 : index
      %swap3A_144 = vector.load %arg10[%swap3A_142, %swap3A_143] : memref<32x2xf32, #tpu.memory_space<vmem>>, vector<32x2xf32>
      tpu.vector_store %arg10[%swap3A_142, %swap3A_143], %reduce_max3A_141 {strides = array<i32>} : memref<32x2xf32, #tpu.memory_space<vmem>>, vector<32x2xf32>,
    } else {
    }
    return
  }
  func.func @transform_0(%arg0: i32) -> (i32, i32, i32) {
    %c0_i32 = arith.constant 0 : i32
    %c0_i32_0 = arith.constant 0 : i32
    %c0_i32_1 = arith.constant 0 : i32
    %c0_i32_2 = arith.constant 0 : i32
    return %c0_i32, %c0_i32_0, %c0_i32_1 : i32, i32, i32
  }
  func.func @transform_1(%arg0: i32) -> (i32, i32, i32) {
    %c0_i32 = arith.constant 0 : i32
    %c0_i32_0 = arith.constant 0 : i32
    %c0_i32_1 = arith.constant 0 : i32
    %c0_i32_2 = arith.constant 0 : i32
    return %c0_i32, %c0_i32_0, %c0_i32_1 : i32, i32, i32
  }
  func.func @transform_2(%arg0: i32) -> (i32, i32, i32, i32) {
    %c0_i32 = arith.constant 0 : i32
    %c0_i32_0 = arith.constant 0 : i32
    %c0_i32_1 = arith.constant 0 : i32
    %c0_i32_2 = arith.constant 0 : i32
    return %arg0, %c0_i32, %c0_i32_0, %c0_i32_1 : i32, i32, i32, i32
  }
  func.func @transform_3(%arg0: i32) -> (i32, i32, i32) {
    %c0_i32 = arith.constant 0 : i32
    %c0_i32_0 = arith.constant 0 : i32
    %c0_i32_1 = arith.constant 0 : i32
    %c0_i32_2 = arith.constant 0 : i32
    return %c0_i32, %c0_i32_0, %c0_i32_1 : i32, i32, i32
  }
  func.func @transform_4(%arg0: i32) -> (i32, i32, i32) {
    %c0_i32 = arith.constant 0 : i32
    %c0_i32_0 = arith.constant 0 : i32
    %c0_i32_1 = arith.constant 0 : i32
    return %arg0, %c0_i32, %c0_i32_0 : i32, i32, i32
  }
  func.func @transform_5(%arg0: i32) -> (i32, i32) {
    %c0_i32 = arith.constant 0 : i32
    %c0_i32_0 = arith.constant 0 : i32
    %c0_i32_1 = arith.constant 0 : i32
    return %c0_i32, %c0_i32_0 : i32, i32
  }
  func.func @transform_6(%arg0: i32) -> (i32, i32, i32) {
    %c0_i32 = arith.constant 0 : i32
    %c0_i32_0 = arith.constant 0 : i32
    %c0_i32_1 = arith.constant 0 : i32
    return %arg0, %c0_i32, %c0_i32_0 : i32, i32, i32
  }
  func.func @transform_7(%arg0: i32) -> (i32, i32, i32) {
    %c0_i32 = arith.constant 0 : i32
    %c0_i32_0 = arith.constant 0 : i32
    %c0_i32_1 = arith.constant 0 : i32
    return %arg0, %c0_i32, %c0_i32_0 : i32, i32, i32
  }
  func.func @transform_8(%arg0: i32) -> (i32, i32, i32) {
    %c0_i32 = arith.constant 0 : i32
    %c0_i32_0 = arith.constant 0 : i32
    %c0_i32_1 = arith.constant 0 : i32
    return %arg0, %c0_i32, %c0_i32_0 : i32, i32, i32
  }
  func.func @transform_9(%arg0: i32) -> (i32, i32) {
    %c0_i32 = arith.constant 0 : i32
    %c0_i32_0 = arith.constant 0 : i32
    %c0_i32_1 = arith.constant 0 : i32
    return %c0_i32, %c0_i32_0 : i32, i32
  }
}

</mosaic_0001>

<sc_bundles>
// kernel: kernel.5.cloned.1.call-start
scs
__scs_entry_jumppad:
0x0: {  	(pc) =	sbr.rel $0x88, $3  }
0x1: {  	(tag) =	ssettag $0x0;
	lr =	simm.s32 $0x1  }
0x2: {  	[smem:$0x3F98] =	sst lr;
	_ =	strace $0xD0000000  }
0x3: {  	_ = 	snop  }
0x4: {  	_ = 	snop  }
0x5: {  	_ = 	snop  }
0x6: {  	_ = 	snop  }
0x7: {  	_ = 	snop  }
__scs_overlays_trampoline_lowered:
0x8: {  	[smem:$0x3FA7] =	sst s0  }
0x9: {  	[smem:$0x3FA8] =	sst s1  }
0xa: {  	[smem:$0x3FA9] =	sst s2  }
0xb: {  	[smem:$0x3FAA] =	sst s3  }
0xc: {  	[smem:$0x3FAB] =	sst s4  }
0xd: {  	[smem:$0x3FAC] =	sst s5  }
0xe: {  	[smem:$0x3FAD] =	sst s6  }
0xf: {  	[smem:$0x3FAE] =	sst s7  }
0x10: {  	[smem:$0x3FAF] =	sst s8  }
0x11: {  	[smem:$0x3FB0] =	sst s9;
	s0 =	simm.s32 @!p0 $0x0  }
0x12: {  	s1 =	sld [smem:$0x3F96];
	s0 =	simm.s32 @p0 $0x1  }
0x13: {  	[smem:$0x3FB1] =	sst s0;
	s0 =	simm.s32 @!p1 $0x0  }
0x14: {  	s2 =	sld [smem:$0x3F95];
	s0 =	simm.s32 @p1 $0x1  }
0x15: {  	[smem:$0x3FB2] =	sst s0;
	s0 =	simm.s32 @!p2 $0x0  }
0x16: {  	s3 =	sld [smem:$0x3FDB];
	s0 =	simm.s32 @p2 $0x1  }
0x17: {  	s4 =	simm.s32 $0x1BF5;
	[smem:$0x3FB4] =	sst s0  }
0x18: {  	s0 =	sld [smem:$0x3F97];
	_ =	swait.ge [sflag:s4], $0x0  }
0x19: {  	s7 =	sld [smem:$0x3F98]  }
0x1a: {  	s8 =	sadd.s32 $0xFFFFE003, lr  }
0x1b: {  	s9 =	sadd.s32 $0xFFFFFEF7, lr;
	s5 =	simm.s32 $0xFFFFFFFF;
	p2 =	slt.u32 s8, $0xFFFFF086  }
0x1c: {  	p1 =	slt.u32 s9, $0xF7A;
	s5 =	simm.s32 @!p2 $0x0  }
0x1d: {  	s5 =	simm.s32 @p1 $0x1;
	p0 =	seq.s32 s7, s2  }
0x1e: {  	s7 =	smul.u32 @!p0 $0xF7A, s2;
	p2 =	seq.s32 @!p0 s5, $0x0  }
0x1f: {  	s9 =	smul.u32 $0xF7A, s1;
	s8 =	simm.s32 @!p0 $0x1BF5;
	p2 =	por !p2, p0  }
0x20: {  	[sflag:s8] =	ssyncset.s32 @!p0 $0xFFFFF086;
	s6 =	sadd.s32 @!p0 s3, s7;
	s7 =	simm.s32 @!p0 $0x108  }
0x21: {  	s3 =	sadd.s32 s3, s9;
	s6 =	sadd.s32 @!p0 $0x88, s6;
	s7 =	simm.s32 @p2 $0x1082  }
0x22: {  	[simem:s7], [sflag:s8] =	dma.local @!p0 [hbm:s6], $0xF7A  }
0x23: {  	s9 =	sor.u32 $0xD0000000, s2;
	s6 =	simm.s32 $0x108;
	_ =	swait.ge @!p0 [sflag:s8], $0x0  }
0x24: {  	s3 =	sadd.s32 $0x88, s3;
	s6 =	simm.s32 @!p1 $0x1082;
	[sflag:s4] =	ssyncset.s32 $0xFFFFF086  }
0x25: {  	[simem:s6], [sflag:s4] =	dma.local [hbm:s3], $0xF7A  }
0x26: {  	[smem:$0x3F98] =	sst s1;
	(tag) =	ssettag s2;
	_ =	strace s9  }
0x27: {  	s1 =	sld [smem:$0x3FA8]  }
0x28: {  	s2 =	sld [smem:$0x3FA9]  }
0x29: {  	s4 =	sld [smem:$0x3FAB]  }
0x2a: {  	p0 =	seq.s32 s5, $0x0;
	s5 =	sld [smem:$0x3FAC]  }
0x2b: {  	s6 =	sld [smem:$0x3FAD]  }
0x2c: {  	s7 =	sld [smem:$0x3FAE]  }
0x2d: {  	s3 =	simm.s32 $0x108;
	s8 =	sld [smem:$0x3FAF]  }
0x2e: {  	s3 =	simm.s32 @!p0 $0x1082;
	s9 =	sld [smem:$0x3FB0]  }
0x2f: {  	lr =	sadd.s32 s0, s3;
	s0 =	sld [smem:$0x3FA7]  }
0x30: {  	s3 =	sld [smem:$0x3FAA]  }
0x31: {  	[smem:$0x3FB3] =	sst s10  }
0x32: {  	s10 =	sld [smem:$0x3FB1];
	_ =	sdelay $0x3  }
0x33: {  	p0 =	seq.s32 s10, $0x1;
	s10 =	sld [smem:$0x3FB3];
	_ =	sdelay $0x3  }
0x34: {  	[smem:$0x3FB3] =	sst s10  }
0x35: {  	s10 =	sld [smem:$0x3FB2];
	_ =	sdelay $0x3  }
0x36: {  	p1 =	seq.s32 s10, $0x1;
	s10 =	sld [smem:$0x3FB3];
	_ =	sdelay $0x3  }
0x37: {  	[smem:$0x3FB3] =	sst s10  }
0x38: {  	s10 =	sld [smem:$0x3FB4]  }
0x39: {  	_ = 	snop;
	(pc) =	sbr.ind lr, $3  }
0x3a: {  	_ = 	snop  }
0x3b: {  	_ = 	snop  }
0x3c: {  	p2 =	seq.s32 s10, $0x1;
	s10 =	sld [smem:$0x3FB3]  }
0x3d: {  	_ =	shalt  }
0x3e: {  	_ =	shalt  }
0x3f: {  	_ =	shalt  }
0x40: {  	_ =	shalt  }
0x41: {  	_ =	shalt  }
0x42: {  	_ =	shalt  }
0x43: {  	_ =	shalt  }
0x44: {  	_ =	shalt  }
0x45: {  	_ =	shalt  }
0x46: {  	_ =	shalt  }
0x47: {  	_ =	shalt  }
0x48: {  	_ =	shalt  }
0x49: {  	_ =	shalt  }
0x4a: {  	_ =	shalt  }
0x4b: {  	_ =	shalt  }
0x4c: {  	_ =	shalt  }
0x4d: {  	_ =	shalt  }
0x4e: {  	_ =	shalt  }
0x4f: {  	_ =	shalt  }
0x50: {  	_ =	shalt  }
0x51: {  	_ =	shalt  }
0x52: {  	_ =	shalt  }
0x53: {  	_ =	shalt  }
0x54: {  	_ =	shalt  }
0x55: {  	_ =	shalt  }
0x56: {  	_ =	shalt  }
0x57: {  	_ =	shalt  }
0x58: {  	_ =	shalt  }
0x59: {  	_ =	shalt  }
0x5a: {  	_ =	shalt  }
0x5b: {  	_ =	shalt  }
0x5c: {  	_ =	shalt  }
0x5d: {  	_ =	shalt  }
0x5e: {  	_ =	shalt  }
0x5f: {  	_ =	shalt  }
0x60: {  	_ =	shalt  }
0x61: {  	_ =	shalt  }
0x62: {  	_ =	shalt  }
0x63: {  	_ =	shalt  }
0x64: {  	_ =	shalt  }
0x65: {  	_ =	shalt  }
0x66: {  	_ =	shalt  }
0x67: {  	_ =	shalt  }
0x68: {  	_ =	shalt  }
0x69: {  	_ =	shalt  }
0x6a: {  	_ =	shalt  }
0x6b: {  	_ =	shalt  }
0x6c: {  	_ =	shalt  }
0x6d: {  	_ =	shalt  }
0x6e: {  	_ =	shalt  }
0x6f: {  	_ =	shalt  }
0x70: {  	_ =	shalt  }
0x71: {  	_ =	shalt  }
0x72: {  	_ =	shalt  }
0x73: {  	_ =	shalt  }
0x74: {  	_ =	shalt  }
0x75: {  	_ =	shalt  }
0x76: {  	_ =	shalt  }
0x77: {  	_ =	shalt  }
0x78: {  	_ =	shalt  }
0x79: {  	_ =	shalt  }
0x7a: {  	_ =	shalt  }
0x7b: {  	_ =	shalt  }
0x7c: {  	_ =	shalt  }
0x7d: {  	_ =	shalt  }
0x7e: {  	_ =	shalt  }
0x7f: {  	_ =	shalt  }
0x80: {  	_ =	shalt  }
0x81: {  	_ =	shalt  }
0x82: {  	_ =	shalt  }
0x83: {  	_ =	shalt  }
0x84: {  	_ =	shalt  }
0x85: {  	_ =	shalt  }
0x86: {  	_ =	shalt  }
0x87: {  	_ =	shalt  }
.Lfunc_end0:
.L_simem_size_0:
called_computation_lowered:
.L_overlay_start_0:
0x88: {  	s2 =	sld [smem:$0x3FD9]  }
0x89: {  	s3 =	sld [smem:$0x3FFE];
	_ =	sdelay $0x1  }
0x8a: {  	s1 =	srdreg.scid  }
0x8b: {  	s0 =	sand.u32 $0x1, s1  }
0x8c: {  	s14 =	sshll.u32 s0, $0xA;
	s2 =	sadd.s32 s3, s2  }
0x8d: {  	s2 =	sadd.s32 s2, s14  }
0x8e: {  	[smem:$0x3FBF] =	sst s2  }
0x8f: {  	_ = 	snop  }
0x90: {  	s2 =	sld [smem:$0x3FD0];
	_ =	sdelay $0x2  }
0x91: {  	s4 =	simm.s32 $0xA;
	s5 =	simm.s32 $0x10;
	s15 =	sld [smem:$0x3FC9]  }
0x92: {  	[smem:s5], [sflag:s4] =	dma.local [hbm:s2], $0x1  }
0x93: {  	_ =	swait.eq [sflag:s4], $0x1  }
0x94: {  	[sflag:s4] =	ssyncset.done $0x0  }
0x95: {  	[sflag:s4] =	ssyncadd.s32 $0xFFFFFFFF  }
0x96: {  	s16 =	sld [smem:$0x12];
	(tm) =	ssettm $0x1  }
0x97: {  	s17 =	sld [smem:$0x3FFB];
	_ =	sdelay $0x3  }
0x98: {  	_ =	strace s17  }
0x99: {  	s4 =	sld [smem:$0x3FFC];
	_ =	sdelay $0x3  }
0x9a: {  	_ =	strace s4  }
0x9b: {  	s4 =	sld [smem:$0x3FFD];
	_ =	sdelay $0x3  }
0x9c: {  	_ =	strace s4  }
0x9d: {  	_ =	strace $0x8FFFFFFF  }
0x9e: {  	s18 =	sld [smem:$0x3FDB];
	_ =	sdelay $0x1  }
0x9f: {  	s19 =	simm.s32 $_scs_section_size  }
0xa0: {  	s6 =	simm.s32 $_size__tile_overlayer_lowered;
	s7 =	simm.s32 $_tile_overlayer_lowered  }
0xa1: {  	s22 =	simm.s32 $0x1BFF;
	s21 =	sshll.u32 s7, $0x1;
	s4 =	sadd.s32 s19, s18  }
0xa2: {  	s8 =	simm.s32 $0x0;
	s20 =	sshll.u32 s6, $0x1;
	s6 =	sadd.s32 s21, s4  }
0xa3: {  	[timem:s8], [sflag:s22] =	dma.local [hbm:s6], s20  }
0xa4: {  	_ =	swait.ge [sflag:s22], s20  }
0xa5: {  	s5 =	ssub.s32 $0x0, s20;
	[sflag:s22] =	ssyncset.done $0x0  }
0xa6: {  	[sflag:s22] =	ssyncadd.s32 s5;
	_ =	sdelay $0x1  }
0xa7: {  	s23 =	simm.s32 $0x1B8B  }
0xa8: {  	_ =	swait.ge [sflag:s23], $0x1  }
0xa9: {  	[sflag:s23] =	ssyncset.done $0x0  }
0xaa: {  	s25 =	simm.s32 $0x1B8E;
	s24 =	sld [smem:$0x3FFE];
	[sflag:s23] =	ssyncadd.s32 $0xFFFFFFFF  }
0xab: {  	s26 =	simm.s32 $execute0_lowered;
	[smem:$0x3FD2] =	sst s25  }
0xac: {  	s6 =	sshll.u32 s26, $0x1;
	_ =	strace $0x80000046;
	[dreg:$0x1] =	wrdreg $0xFFFFFFFF  }
0xad: {  	s28 =	simm.s32 $_size_execute0_lowered;
	s4 =	sadd.s32 s4, s6;
	[dreg:$0x0] =	wrdreg $0x0  }
0xae: {  	s6 =	sshll.u32 s28, $0x1;
	[dreg:$0x2] =	wrdreg s4  }
0xaf: {  	[dreg:$0x3] =	wrdreg s6  }
0xb0: {  	[dreg:$0x4] =	wrdreg $0xC0  }
0xb1: {  	_ =	task [dreg:s8], $0x5FFFF  }
0xb2: {  	[dreg:$0x1] =	wrdreg $0xFFFFFFFF  }
0xb3: {  	[dreg:$0x0] =	wrdreg $0x60  }
0xb4: {  	[dreg:$0x2] =	wrdreg s15  }
0xb5: {  	[dreg:$0x3] =	wrdreg s16  }
0xb6: {  	[dreg:$0x4] =	wrdreg s24  }
0xb7: {  	[dreg:$0x5] =	wrdreg $0x9  }
0xb8: {  	_ =	task.clear_ibuf [dreg:s8], $0x6FFFF;
	_ =	strace $0x90000046  }
0xb9: {  	s29 =	simm.s32 $0x9;
	_ =	strace $0x80000048  }
0xba: {  	_ =	swait.ge [sflag:s29], $0x1  }
0xbb: {  	[sflag:s29] =	ssyncadd.s32 $0xFFFFFFFF  }
0xbc: {  	_ =	strace $0x90000048  }
0xbd: {  	_ =	sfence  }
0xbe: {  	s30 =	sld [smem:$0x0];
	_ =	sdelay $0x2  }
0xbf: {  	s31 =	sshll.u32 s1, $0xD;
	s1 =	sshrl.u32 s1, $0x2  }
0xc0: {  	s3 =	sand.u32 $0x4000, s31;
	s1 =	sadd.s32 s1, s30  }
0xc1: {  	s0 =	sor.u32 s3, s0;
	s1 =	sshll.u32 s1, $0x11  }
0xc2: {  	s0 =	sor.u32 s1, s0  }
0xc3: {  	s0 =	sadd.s32 $0x8F2B, s0  }
0xc4: {  	[sflag:s0] =	ssyncadd.remote.s32 $0x1  }
0xc5: {  	_ =	sfence.sel $0xFFFF  }
0xc6: {  	[dreg:$0x0] =	wrdreg $0xFFFFFFFF;
	(pc) =	sbr.abs _section_cstart, $3  }
0xc7: {  	[dreg:$0x1] =	wrdreg $0xFFFFFFFF  }
0xc8: {  	_ =	task.clear_ibuf [dreg:s8], $0x2FFFF;
	_ =	strace $0x9FFFFFFF  }
0xc9: {  	(tm) =	ssettm $0x7FFFFFFF  }
tec
execute0_lowered:
.L_overlay_start_1:
0x0: {  	(tag) =	ssettag $0x1  }
0x1: {  	s2 =	rddreg [dreg:$0x0]  }
0x2: {  	s7 =	rddreg [dreg:$0x1]  }
0x3: {  	s0 =	stileid.u32;
	s4 =	rddreg [dreg:$0x2]  }
0x4: {  	s3 =	srdreg.scid;
	s1 =	rddreg [dreg:$0x3]  }
0x5: {  	s14 =	simm.s32 $0xC000;
	s15 =	simm.s32 $0x3;
	s16 =	simm.s32 $0x2000  }
0x6: {  	s17 =	simm.s32 $0x1;
	s18 =	simm.s32 $0x2;
	s19 =	simm.s32 $0x4000  }
0x7: {  	s20 =	simm.s32 $0x8000;
	s21 =	simm.s32 $0x0;
	s5 =	sshll.u32 s0, $0x1  }
0x8: {  	s6 =	sand.u32 $0x1, s3;
	s3 =	simm.s32 $0x0;
	s8 =	sshrl.u32 s0, $0x2  }
0x9: {  	s5 =	sand.u32 $0x6, s5;
	[smem:$0x7FF] =	sst s3;
	s9 =	sshll.u32 s8, $0xF  }
0xa: {  	s8 =	sor.u32 $0x1C, s8;
	s5 =	sor.u32 s6, s5;
	s6 =	ssub.s32 $0x2, s6  }
0xb: {  	_ =	strace $0x80000047;
	s10 =	sshll.u32 s5, $0xC;
	s28 =	sshrl.u32 s6, $0x1  }
0xc: {  	s29 =	sshll.u32 s5, $0x11;
	s5 =	sshll.u32 s5, $0x3;
	s9 =	sor.u32 s9, s10  }
.Ltmp0:
0xd: {  	s13 =	ssub.s32 s6, s28;
	s6 =	sadd.s32 $0x400, s2;
	(pc) =	sbr.rel .LBB2_1-.Ltmp0, $4  }
0xe: {  	s10 =	sor.u32 $0x1, s5;
	s12 =	sadd.s32 s9, s4;
	s4 =	sshll.u32 s8, $0x14  }
0xf: {  	s8 =	sshll.u32 s8, $0xB;
	s13 =	smax.u32 s13, $0x1;
	s30 =	sor.u32 s4, s29  }
0x10: {  	s7 =	sadd.s32 s7, s8;
	s11 =	sadd.s32 $0x1000, s12;
	s31 =	sshrl.u32 s30, $0x3  }
0x11: {  	v0 =	vimm.f32 $0.0e+00;
	s12 =	sadd.s32 $0x1800, s12;
	s8 =	sadd.s32 s2, s31;
	s9 =	sadd.s32 s31, s6  }
.LBB2_10:
0x12: {  	[hbm4b:s11+s3] =	stream.linear.scatter [tilespmem:s19], [sflag:$0x3], $0x4000, $0x38;
	[tilespmem:$0x10000] =	vst v63  }
0x13: {  	s21 =	sadd.s32 $0x1, s21;
	_ =	swait.ge [sflag:s15], $0x4000  }
0x14: {  	p0 =	sne.s32 s21, s13;
	[sflag:s15] =	ssyncset.done $0x0  }
.Ltmp1:
0x15: {  	[sflag:s15] =	ssyncadd.s32 $0xFFFFC000;
	(pc) =	sbr.rel @!p0 .LBB2_11-.Ltmp1, $4  }
0x16: {  	[hbm4b:s12+s3] =	stream.linear.scatter [tilespmem:s20], [sflag:$0x3], $0x4000, $0x38;
	[tilespmem:$0x10000] =	vst v63  }
0x17: {  	_ =	swait.ge [sflag:s15], $0x4000  }
0x18: {  	[sflag:s15] =	ssyncset.done $0x0  }
0x19: {  	[sflag:s15] =	ssyncadd.s32 $0xFFFFC000  }
.LBB2_1:
0x1a: {  	[tilespmem:s14], [sflag:$0x3] =	stream.linear.gather [hbm4b:s7+s3], $0x4000, $0x38;
	[tilespmem:$0x10000] =	vst v63  }
0x1b: {  	_ =	swait.ge [sflag:s15], $0x4000  }
0x1c: {  	s22 =	sand.u32 $0x3800, s3;
	s23 =	sand.u32 $0x380, s3;
	[sflag:s15] =	ssyncset.done $0x0  }
0x1d: {  	s22 =	sor.u32 s23, s22;
	[sflag:s15] =	ssyncadd.s32 $0xFFFFC000  }
0x1e: {  	[tilespmem:s22+$0x8470] =	vst v0  }
0x1f: {  	[tilespmem:s22+$0x4000] =	vst v0  }
0x20: {  	[tilespmem:s22+$0x8000] =	vst v0  }
0x21: {  	[tilespmem:s22+$0x4010] =	vst v0  }
0x22: {  	[tilespmem:s22+$0x8010] =	vst v0  }
0x23: {  	[tilespmem:s22+$0x4020] =	vst v0  }
0x24: {  	[tilespmem:s22+$0x8020] =	vst v0  }
0x25: {  	[tilespmem:s22+$0x4030] =	vst v0  }
0x26: {  	[tilespmem:s22+$0x8030] =	vst v0  }
0x27: {  	[tilespmem:s22+$0x4040] =	vst v0  }
0x28: {  	[tilespmem:s22+$0x8040] =	vst v0  }
0x29: {  	[tilespmem:s22+$0x4050] =	vst v0  }
0x2a: {  	[tilespmem:s22+$0x8050] =	vst v0  }
0x2b: {  	[tilespmem:s22+$0x4060] =	vst v0  }
0x2c: {  	[tilespmem:s22+$0x8060] =	vst v0  }
0x2d: {  	[tilespmem:s22+$0x4070] =	vst v0  }
0x2e: {  	[tilespmem:s22+$0x8070] =	vst v0  }
0x2f: {  	[tilespmem:s22+$0x4400] =	vst v0  }
0x30: {  	[tilespmem:s22+$0x8400] =	vst v0  }
0x31: {  	[tilespmem:s22+$0x4410] =	vst v0  }
0x32: {  	[tilespmem:s22+$0x8410] =	vst v0  }
0x33: {  	[tilespmem:s22+$0x4420] =	vst v0  }
0x34: {  	[tilespmem:s22+$0x8420] =	vst v0  }
0x35: {  	[tilespmem:s22+$0x4430] =	vst v0  }
0x36: {  	[tilespmem:s22+$0x8430] =	vst v0  }
0x37: {  	[tilespmem:s22+$0x4440] =	vst v0  }
0x38: {  	[tilespmem:s22+$0x8440] =	vst v0  }
0x39: {  	[tilespmem:s22+$0x4450] =	vst v0  }
0x3a: {  	[tilespmem:s22+$0x8450] =	vst v0  }
0x3b: {  	s24 =	simm.s32 $0x100;
	s23 =	simm.s32 $0x80;
	[tilespmem:s22+$0x4460] =	vst v0  }
0x3c: {  	s25 =	sand.u32 $0x3800, s24;
	s24 =	simm.s32 $0x200;
	s26 =	sand.u32 $0x380, s23;
	[tilespmem:s22+$0x8460] =	vst v0  }
.LBB2_2:
0x3d: {  	p0 =	sne.s32 s24, $0x3F00;
	[tilespmem:s22+$0x4470] =	vst v0;
	s22 =	sor.u32 s26, s25  }
0x3e: {  	[tilespmem:s22+$0x8470] =	vst v0  }
0x3f: {  	[tilespmem:s22+$0x4000] =	vst v0  }
0x40: {  	[tilespmem:s22+$0x8000] =	vst v0  }
0x41: {  	[tilespmem:s22+$0x4010] =	vst v0  }
0x42: {  	[tilespmem:s22+$0x8010] =	vst v0  }
0x43: {  	[tilespmem:s22+$0x4020] =	vst v0  }
0x44: {  	[tilespmem:s22+$0x8020] =	vst v0  }
0x45: {  	[tilespmem:s22+$0x4030] =	vst v0  }
0x46: {  	[tilespmem:s22+$0x8030] =	vst v0  }
0x47: {  	[tilespmem:s22+$0x4040] =	vst v0  }
0x48: {  	[tilespmem:s22+$0x8040] =	vst v0  }
0x49: {  	[tilespmem:s22+$0x4050] =	vst v0  }
0x4a: {  	[tilespmem:s22+$0x8050] =	vst v0  }
0x4b: {  	[tilespmem:s22+$0x4060] =	vst v0  }
0x4c: {  	[tilespmem:s22+$0x8060] =	vst v0  }
0x4d: {  	[tilespmem:s22+$0x4070] =	vst v0  }
0x4e: {  	[tilespmem:s22+$0x8070] =	vst v0  }
0x4f: {  	[tilespmem:s22+$0x4400] =	vst v0  }
0x50: {  	[tilespmem:s22+$0x8400] =	vst v0  }
0x51: {  	[tilespmem:s22+$0x4410] =	vst v0  }
0x52: {  	[tilespmem:s22+$0x8410] =	vst v0  }
0x53: {  	[tilespmem:s22+$0x4420] =	vst v0  }
0x54: {  	[tilespmem:s22+$0x8420] =	vst v0  }
0x55: {  	[tilespmem:s22+$0x4430] =	vst v0  }
0x56: {  	[tilespmem:s22+$0x8430] =	vst v0  }
0x57: {  	[tilespmem:s22+$0x4440] =	vst v0  }
.Ltmp2:
0x58: {  	[tilespmem:s22+$0x8440] =	vst v0;
	(pc) =	sbr.rel @p0 .LBB2_2-.Ltmp2, $4  }
0x59: {  	[tilespmem:s22+$0x4450] =	vst v0  }
0x5a: {  	[tilespmem:s22+$0x8450] =	vst v0  }
0x5b: {  	s23 =	sadd.s32 $0x80, s23;
	[tilespmem:s22+$0x4460] =	vst v0  }
0x5c: {  	s25 =	sand.u32 $0x3800, s24;
	s24 =	sadd.s32 $0x100, s24;
	s26 =	sand.u32 $0x380, s23;
	[tilespmem:s22+$0x8460] =	vst v0  }
0x5d: {  	s23 =	sor.u32 s26, s25;
	[tilespmem:s22+$0x4470] =	vst v0  }
0x5e: {  	[tilespmem:s23+$0x8470] =	vst v0  }
0x5f: {  	[tilespmem:s23+$0x4000] =	vst v0  }
0x60: {  	[tilespmem:s23+$0x8000] =	vst v0  }
0x61: {  	[tilespmem:s23+$0x4010] =	vst v0  }
0x62: {  	[tilespmem:s23+$0x8010] =	vst v0  }
0x63: {  	[tilespmem:s23+$0x4020] =	vst v0  }
0x64: {  	[tilespmem:s23+$0x8020] =	vst v0  }
0x65: {  	[tilespmem:s23+$0x4030] =	vst v0  }
0x66: {  	[tilespmem:s23+$0x8030] =	vst v0  }
0x67: {  	[tilespmem:s23+$0x4040] =	vst v0  }
0x68: {  	[tilespmem:s23+$0x8040] =	vst v0  }
0x69: {  	[tilespmem:s23+$0x4050] =	vst v0  }
0x6a: {  	[tilespmem:s23+$0x8050] =	vst v0  }
0x6b: {  	[tilespmem:s23+$0x4060] =	vst v0  }
0x6c: {  	[tilespmem:s23+$0x8060] =	vst v0  }
0x6d: {  	[tilespmem:s23+$0x4070] =	vst v0  }
0x6e: {  	[tilespmem:s23+$0x8070] =	vst v0  }
0x6f: {  	[tilespmem:s23+$0x4400] =	vst v0  }
0x70: {  	[tilespmem:s23+$0x8400] =	vst v0  }
0x71: {  	[tilespmem:s23+$0x4410] =	vst v0  }
0x72: {  	[tilespmem:s23+$0x8410] =	vst v0  }
0x73: {  	[tilespmem:s23+$0x4420] =	vst v0  }
0x74: {  	[tilespmem:s23+$0x8420] =	vst v0  }
0x75: {  	[tilespmem:s23+$0x4430] =	vst v0  }
0x76: {  	[tilespmem:s23+$0x8430] =	vst v0  }
0x77: {  	[tilespmem:s23+$0x4440] =	vst v0  }
0x78: {  	[tilespmem:s23+$0x8440] =	vst v0  }
0x79: {  	[tilespmem:s23+$0x4450] =	vst v0  }
0x7a: {  	[tilespmem:s23+$0x8450] =	vst v0  }
0x7b: {  	[tilespmem:s23+$0x4460] =	vst v0  }
0x7c: {  	[tilespmem:s23+$0x8460] =	vst v0  }
0x7d: {  	s22 =	simm.s32 $0x0;
	[tilespmem:s23+$0x4470] =	vst v0  }
0x7e: {  	[tilespmem:s22], [sflag:$0x1] =	stream.linear.gather [hbm4b:s8+s22], $0x2000, $0x38;
	[tilespmem:$0x10000] =	vst v63  }
0x7f: {  	s23 =	simm.s32 $0x0  }
0x80: {  	[tilespmem:s16], [sflag:$0x2] =	stream.linear.gather [hbm4b:s9+s22], $0x2000, $0x38;
	[tilespmem:$0x10000] =	vst v63  }
.LBB2_4:
0x81: {  	s24 =	sadd.s32 s5, s23;
	_ =	swait.ge [sflag:s17], $0x2000  }
0x82: {  	[sflag:s17] =	ssyncset.done $0x0;
	s24 =	sshll.u32 s24, $0x7  }
0x83: {  	[sflag:s17] =	ssyncadd.s32 $0xFFFFE000;
	s24 =	sand.u32 $0x3FFFFF80, s24  }
0x84: {  	s25 =	sand.u32 $0x1800, s22;
	s26 =	sand.u32 $0x380, s22;
	v2 =	vld [tilespmem:s24+$0xC000]  }
0x85: {  	s25 =	sor.u32 s26, s25;
	v1 =	vld [tilespmem:s24+$0xE000]  }
0x86: {  	v7 =	vld [tilespmem:s25+$0x0]  }
0x87: {  	v8 =	vld [tilespmem:s25+$0x10]  }
0x88: {  	v9 =	vld [tilespmem:s25+$0x20]  }
0x89: {  	v10 =	vld [tilespmem:s25+$0x30]  }
0x8a: {  	v11 =	vld [tilespmem:s25+$0x40]  }
0x8b: {  	v12 =	vld [tilespmem:s25+$0x50]  }
0x8c: {  	v13 =	vld [tilespmem:s25+$0x60]  }
0x8d: {  	v14 =	vld [tilespmem:s25+$0x70]  }
0x8e: {  	v15 =	vld [tilespmem:s25+$0x400]  }
0x8f: {  	v16 =	vld [tilespmem:s25+$0x410]  }
0x90: {  	v17 =	vld [tilespmem:s25+$0x420]  }
0x91: {  	v18 =	vld [tilespmem:s25+$0x430]  }
0x92: {  	v6 =	vld [tilespmem:s25+$0x440]  }
0x93: {  	v5 =	vld [tilespmem:s25+$0x450]  }
0x94: {  	v4 =	vld [tilespmem:s25+$0x460]  }
0x95: {  	v19 =	vld [tilespmem:s25+$0x4000]  }
0x96: {  	v20 =	vld [tilespmem:s25+$0x8000]  }
0x97: {  	v21 =	vld [tilespmem:s25+$0x4010]  }
0x98: {  	v23 =	vld [tilespmem:s25+$0x8010]  }
0x99: {  	v24 =	vld [tilespmem:s25+$0x4020];
	v22 =	vmul.f32 v7, v2;
	v7 =	vmul.f32 v7, v1  }
0x9a: {  	v52 =	vld [tilespmem:s25+$0x8020]  }
0x9b: {  	v54 =	vld [tilespmem:s25+$0x8030];
	v53 =	vmul.f32 v8, v2;
	v8 =	vmul.f32 v8, v1;
	v7 =	vadd.f32 v20, v7  }
0x9c: {  	v25 =	vld [tilespmem:s25+$0x4030];
	v19 =	vadd.f32 v22, v19  }
0x9d: {  	v55 =	vmul.f32 v9, v2;
	v9 =	vmul.f32 v9, v1;
	v8 =	vadd.f32 v23, v8;
	[tilespmem:s25+$0x8000] =	vst v7;
	v7 =	vld [tilespmem:s25+$0x4040]  }
0x9e: {  	v56 =	vld [tilespmem:s25+$0x8040];
	v57 =	vmul.f32 v10, v2;
	v10 =	vmul.f32 v10, v1;
	v20 =	vadd.f32 v53, v21;
	[tilespmem:s25+$0x4000] =	vst v19  }
0x9f: {  	v9 =	vadd.f32 v52, v9;
	[tilespmem:s25+$0x8010] =	vst v8;
	v8 =	vld [tilespmem:s25+$0x4050]  }
0xa0: {  	v58 =	vld [tilespmem:s25+$0x8050];
	v60 =	vmul.f32 v11, v2;
	v10 =	vadd.f32 v54, v10;
	[tilespmem:s25+$0x4010] =	vst v20  }
0xa1: {  	v11 =	vmul.f32 v11, v1;
	v21 =	vadd.f32 v55, v24;
	[tilespmem:s25+$0x8020] =	vst v9;
	v9 =	vld [tilespmem:s25+$0x4060]  }
0xa2: {  	v61 =	vld [tilespmem:s25+$0x8060];
	[tilespmem:s25+$0x8030] =	vst v10;
	v10 =	vmul.f32 v12, v2;
	v7 =	vadd.f32 v60, v7  }
0xa3: {  	v62 =	vld [tilespmem:s25+$0x4070];
	v11 =	vadd.f32 v56, v11;
	[tilespmem:s25+$0x4020] =	vst v21;
	v12 =	vmul.f32 v12, v1  }
0xa4: {  	[tilespmem:s25+$0x4040] =	vst v7;
	v7 =	vadd.f32 v10, v8;
	v8 =	vmul.f32 v13, v2;
	v10 =	vld [tilespmem:s25+$0x8070]  }
0xa5: {  	[tilespmem:s25+$0x8040] =	vst v11;
	v11 =	vadd.f32 v58, v12;
	v12 =	vmul.f32 v13, v1;
	v13 =	vld [tilespmem:s25+$0x4400]  }
0xa6: {  	[tilespmem:s25+$0x4050] =	vst v7;
	v7 =	vadd.f32 v8, v9;
	v8 =	vmul.f32 v14, v2;
	v9 =	vld [tilespmem:s25+$0x8400]  }
0xa7: {  	[tilespmem:s25+$0x8050] =	vst v11;
	v11 =	vadd.f32 v61, v12;
	v12 =	vmul.f32 v14, v1;
	v14 =	vld [tilespmem:s25+$0x4410]  }
0xa8: {  	v3 =	vld [tilespmem:s25+$0x470];
	[tilespmem:s25+$0x4060] =	vst v7;
	v7 =	vadd.f32 v8, v62;
	v8 =	vmul.f32 v15, v2  }
0xa9: {  	v63 =	vld [tilespmem:s25+$0x8410];
	v59 =	vadd.f32 v57, v25;
	[tilespmem:s25+$0x8060] =	vst v11;
	v11 =	vmul.f32 v16, v2  }
0xaa: {  	v10 =	vadd.f32 v10, v12;
	v12 =	vld [tilespmem:s25+$0x4420];
	[tilespmem:s25+$0x4070] =	vst v7;
	v7 =	vmul.f32 v15, v1;
	v8 =	vadd.f32 v8, v13  }
0xab: {  	[tilespmem:s25+$0x4030] =	vst v59;
	v13 =	vld [tilespmem:s25+$0x8420]  }
0xac: {  	v15 =	vld [tilespmem:s25+$0x4430];
	v7 =	vadd.f32 v9, v7;
	[tilespmem:s25+$0x4400] =	vst v8;
	v8 =	vmul.f32 v16, v1;
	v9 =	vadd.f32 v11, v14  }
0xad: {  	[tilespmem:s25+$0x8070] =	vst v10;
	v10 =	vld [tilespmem:s25+$0x8430];
	v14 =	vmul.f32 v17, v2  }
0xae: {  	v11 =	vld [tilespmem:s25+$0x4440];
	v8 =	vadd.f32 v63, v8;
	[tilespmem:s25+$0x4410] =	vst v9;
	v9 =	vmul.f32 v17, v1  }
0xaf: {  	v16 =	vmul.f32 v18, v2;
	[tilespmem:s25+$0x8400] =	vst v7;
	v7 =	vld [tilespmem:s25+$0x8440];
	v12 =	vadd.f32 v14, v12  }
0xb0: {  	v14 =	vmul.f32 v18, v1;
	[tilespmem:s25+$0x8410] =	vst v8;
	v8 =	vld [tilespmem:s25+$0x4450];
	v13 =	vadd.f32 v13, v9  }
0xb1: {  	s28 =	simm.s32 $0x0;
	s26 =	simm.s32 $0x100;
	v15 =	vadd.f32 v16, v15;
	[tilespmem:s25+$0x4420] =	vst v12;
	v12 =	vmul.f32 v6, v2;
	v9 =	vld [tilespmem:s25+$0x8450]  }
.LBB2_5:
0xb2: {  	p0 =	sne.s32 s26, $0x1F00;
	[tilespmem:s25+$0x8420] =	vst v13;
	v10 =	vadd.f32 v10, v14;
	v6 =	vmul.f32 v6, v1;
	v13 =	vld [tilespmem:s25+$0x4460]  }
0xb3: {  	s28 =	sadd.s32 $0x80, s28;
	[tilespmem:s25+$0x4430] =	vst v15;
	v11 =	vadd.f32 v12, v11;
	v12 =	vmul.f32 v5, v2;
	v14 =	vld [tilespmem:s25+$0x8460]  }
0xb4: {  	s29 =	sand.u32 $0x1800, s26;
	s30 =	sand.u32 $0x380, s28;
	v5 =	vmul.f32 v5, v1;
	[tilespmem:s25+$0x8430] =	vst v10;
	v6 =	vadd.f32 v7, v6;
	v7 =	vld [tilespmem:s25+$0x4470]  }
0xb5: {  	s29 =	sor.u32 s30, s29;
	v10 =	vmul.f32 v4, v2;
	[tilespmem:s25+$0x4440] =	vst v11;
	v8 =	vadd.f32 v12, v8;
	v11 =	vld [tilespmem:s25+$0x8470]  }
0xb6: {  	v4 =	vmul.f32 v4, v1;
	v12 =	vld [tilespmem:s29+$0x0];
	[tilespmem:s25+$0x8440] =	vst v6;
	v5 =	vadd.f32 v9, v5  }
0xb7: {  	v9 =	vld [tilespmem:s29+$0x10];
	[tilespmem:s25+$0x4450] =	vst v8;
	v6 =	vadd.f32 v10, v13;
	v8 =	vmul.f32 v3, v2  }
0xb8: {  	v3 =	vmul.f32 v3, v1;
	v10 =	vld [tilespmem:s29+$0x20];
	[tilespmem:s25+$0x8450] =	vst v5;
	v4 =	vadd.f32 v14, v4  }
0xb9: {  	v13 =	vld [tilespmem:s29+$0x30];
	[tilespmem:s25+$0x4460] =	vst v6;
	v5 =	vadd.f32 v8, v7  }
0xba: {  	v7 =	vld [tilespmem:s29+$0x40];
	[tilespmem:s25+$0x8460] =	vst v4;
	v3 =	vadd.f32 v11, v3  }
0xbb: {  	v8 =	vld [tilespmem:s29+$0x50];
	[tilespmem:s25+$0x4470] =	vst v5  }
0xbc: {  	v11 =	vld [tilespmem:s29+$0x60];
	[tilespmem:s25+$0x8470] =	vst v3;
	s25 =	smov.u32 s29  }
0xbd: {  	v14 =	vld [tilespmem:s25+$0x70]  }
0xbe: {  	v15 =	vld [tilespmem:s25+$0x400]  }
0xbf: {  	v16 =	vld [tilespmem:s25+$0x410]  }
0xc0: {  	v17 =	vld [tilespmem:s25+$0x420]  }
0xc1: {  	v18 =	vld [tilespmem:s25+$0x430]  }
0xc2: {  	v6 =	vld [tilespmem:s25+$0x440]  }
0xc3: {  	v5 =	vld [tilespmem:s25+$0x450]  }
0xc4: {  	v4 =	vld [tilespmem:s25+$0x460]  }
0xc5: {  	v3 =	vld [tilespmem:s25+$0x470]  }
0xc6: {  	v19 =	vld [tilespmem:s25+$0x4000]  }
0xc7: {  	v20 =	vld [tilespmem:s25+$0x8000]  }
0xc8: {  	v21 =	vld [tilespmem:s25+$0x4010]  }
0xc9: {  	v22 =	vmul.f32 v12, v2;
	v23 =	vld [tilespmem:s25+$0x8010]  }
0xca: {  	v12 =	vmul.f32 v12, v1;
	v24 =	vld [tilespmem:s25+$0x4020]  }
0xcb: {  	v19 =	vadd.f32 v22, v19;
	v22 =	vmul.f32 v9, v2;
	v25 =	vld [tilespmem:s25+$0x8020]  }
0xcc: {  	v9 =	vmul.f32 v9, v1;
	v12 =	vadd.f32 v20, v12;
	v20 =	vld [tilespmem:s25+$0x4030]  }
0xcd: {  	[tilespmem:s25+$0x4000] =	vst v19;
	v19 =	vadd.f32 v22, v21;
	v21 =	vmul.f32 v10, v2;
	v22 =	vld [tilespmem:s25+$0x8030]  }
0xce: {  	v10 =	vmul.f32 v10, v1;
	[tilespmem:s25+$0x8000] =	vst v12;
	v9 =	vadd.f32 v23, v9;
	v12 =	vld [tilespmem:s25+$0x4040]  }
0xcf: {  	[tilespmem:s25+$0x4010] =	vst v19;
	v19 =	vadd.f32 v21, v24;
	v21 =	vmul.f32 v13, v2;
	v23 =	vld [tilespmem:s25+$0x8040]  }
0xd0: {  	[tilespmem:s25+$0x8010] =	vst v9;
	v9 =	vadd.f32 v25, v10;
	v10 =	vmul.f32 v13, v1;
	v13 =	vld [tilespmem:s25+$0x4050]  }
0xd1: {  	[tilespmem:s25+$0x4020] =	vst v19;
	v19 =	vadd.f32 v21, v20;
	v20 =	vmul.f32 v7, v2;
	v21 =	vld [tilespmem:s25+$0x8050]  }
0xd2: {  	v7 =	vmul.f32 v7, v1;
	[tilespmem:s25+$0x8020] =	vst v9;
	v9 =	vadd.f32 v22, v10;
	v10 =	vld [tilespmem:s25+$0x4060]  }
0xd3: {  	[tilespmem:s25+$0x4030] =	vst v19;
	v12 =	vadd.f32 v20, v12;
	v19 =	vmul.f32 v8, v2;
	v20 =	vld [tilespmem:s25+$0x8060]  }
0xd4: {  	v8 =	vmul.f32 v8, v1;
	[tilespmem:s25+$0x8030] =	vst v9;
	v7 =	vadd.f32 v23, v7;
	v9 =	vld [tilespmem:s25+$0x4070]  }
0xd5: {  	[tilespmem:s25+$0x4040] =	vst v12;
	v12 =	vadd.f32 v19, v13;
	v13 =	vmul.f32 v11, v2;
	v19 =	vld [tilespmem:s25+$0x8070]  }
0xd6: {  	[tilespmem:s25+$0x8040] =	vst v7;
	v7 =	vadd.f32 v21, v8;
	v8 =	vmul.f32 v11, v1;
	v11 =	vld [tilespmem:s25+$0x4400]  }
0xd7: {  	[tilespmem:s25+$0x4050] =	vst v12;
	v10 =	vadd.f32 v13, v10;
	v12 =	vmul.f32 v14, v2;
	v13 =	vld [tilespmem:s25+$0x8400]  }
0xd8: {  	[tilespmem:s25+$0x8050] =	vst v7;
	v7 =	vadd.f32 v20, v8;
	v8 =	vmul.f32 v14, v1;
	v14 =	vld [tilespmem:s25+$0x4410]  }
0xd9: {  	[tilespmem:s25+$0x4060] =	vst v10;
	v9 =	vadd.f32 v12, v9;
	v10 =	vmul.f32 v15, v2;
	v12 =	vld [tilespmem:s25+$0x8410]  }
0xda: {  	[tilespmem:s25+$0x8060] =	vst v7;
	v7 =	vadd.f32 v19, v8;
	v8 =	vmul.f32 v15, v1;
	v15 =	vld [tilespmem:s25+$0x4420]  }
0xdb: {  	[tilespmem:s25+$0x4070] =	vst v9;
	v9 =	vadd.f32 v10, v11;
	v10 =	vmul.f32 v16, v2;
	v19 =	vld [tilespmem:s25+$0x8420]  }
0xdc: {  	[tilespmem:s25+$0x8070] =	vst v7;
	v7 =	vadd.f32 v13, v8;
	v8 =	vmul.f32 v16, v1;
	v16 =	vld [tilespmem:s25+$0x4430]  }
.Ltmp3:
0xdd: {  	v13 =	vmul.f32 v17, v2;
	[tilespmem:s25+$0x4400] =	vst v9;
	v9 =	vadd.f32 v10, v14;
	v10 =	vld [tilespmem:s25+$0x8430];
	(pc) =	sbr.rel @p0 .LBB2_5-.Ltmp3, $4  }
0xde: {  	[tilespmem:s25+$0x8400] =	vst v7;
	v8 =	vadd.f32 v12, v8;
	v12 =	vmul.f32 v17, v1;
	v11 =	vld [tilespmem:s25+$0x4440]  }
0xdf: {  	[tilespmem:s25+$0x4410] =	vst v9;
	v9 =	vadd.f32 v13, v15;
	v15 =	vmul.f32 v18, v2;
	v7 =	vld [tilespmem:s25+$0x8440]  }
0xe0: {  	v14 =	vmul.f32 v18, v1;
	[tilespmem:s25+$0x8410] =	vst v8;
	v13 =	vadd.f32 v19, v12;
	v8 =	vld [tilespmem:s25+$0x4450]  }
0xe1: {  	s26 =	sadd.s32 $0x100, s26;
	v12 =	vmul.f32 v6, v2;
	[tilespmem:s25+$0x4420] =	vst v9;
	v15 =	vadd.f32 v15, v16;
	v9 =	vld [tilespmem:s25+$0x8450]  }
0xe2: {  	v10 =	vadd.f32 v10, v14  }
0xe3: {  	[tilespmem:s25+$0x8420] =	vst v13;
	v13 =	vld [tilespmem:s25+$0x4460];
	v6 =	vmul.f32 v6, v1  }
0xe4: {  	v14 =	vld [tilespmem:s25+$0x8460];
	v11 =	vadd.f32 v12, v11;
	[tilespmem:s25+$0x8430] =	vst v10;
	v10 =	vmul.f32 v5, v2  }
0xe5: {  	[tilespmem:s25+$0x4430] =	vst v15;
	v12 =	vld [tilespmem:s25+$0x4470];
	v6 =	vadd.f32 v7, v6;
	v5 =	vmul.f32 v5, v1  }
0xe6: {  	[tilespmem:s25+$0x4440] =	vst v11;
	v7 =	vadd.f32 v10, v8;
	v8 =	vmul.f32 v4, v2;
	v10 =	vld [tilespmem:s25+$0x8470]  }
0xe7: {  	[tilespmem:s25+$0x8440] =	vst v6;
	v5 =	vadd.f32 v9, v5;
	v4 =	vmul.f32 v4, v1  }
0xe8: {  	p0 =	seq.s32 s23, $0x7;
	v2 =	vmul.f32 v3, v2;
	[tilespmem:s25+$0x4450] =	vst v7;
	v6 =	vadd.f32 v8, v13  }
0xe9: {  	s26 =	sadd.s32 @!p0 s23, s10;
	v1 =	vmul.f32 v3, v1;
	[tilespmem:s25+$0x8450] =	vst v5;
	v4 =	vadd.f32 v14, v4  }
0xea: {  	s26 =	sshll.u32 @!p0 s26, $0xE;
	v2 =	vadd.f32 v2, v12;
	[tilespmem:s25+$0x4460] =	vst v6  }
0xeb: {  	s26 =	sadd.s32 @!p0 s4, s26;
	[tilespmem:s25+$0x8460] =	vst v4;
	v1 =	vadd.f32 v10, v1  }
0xec: {  	s26 =	sshrl.u32 @!p0 s26, $0x3;
	[tilespmem:s25+$0x4470] =	vst v2  }
0xed: {  	[tilespmem:s25+$0x8470] =	vst v1;
	s25 =	sadd.s32 @!p0 s2, s26;
	s26 =	simm.s32 @!p0 $0x0  }
0xee: {  	[tilespmem:s26], [sflag:$0x1] =	stream.linear.gather @!p0 [hbm4b:s25+s26], $0x2000, $0x38;
	[tilespmem:$0x10000] =	vst v63  }
0xef: {  	_ =	swait.ge [sflag:s18], $0x2000  }
0xf0: {  	[sflag:s18] =	ssyncset.done $0x0  }
0xf1: {  	s25 =	simm.s32 $0x0;
	[sflag:s18] =	ssyncadd.s32 $0xFFFFE000  }
0xf2: {  	s31 =	sand.u32 $0x1800, s25;
	s28 =	sand.u32 $0x380, s25;
	v1 =	vld [tilespmem:s24+$0xC000]  }
0xf3: {  	v2 =	vld [tilespmem:s24+$0xE000];
	s24 =	sor.u32 s28, s31  }
0xf4: {  	v7 =	vld [tilespmem:s24+$0x2000]  }
0xf5: {  	v8 =	vld [tilespmem:s24+$0x2010]  }
0xf6: {  	v9 =	vld [tilespmem:s24+$0x2020]  }
0xf7: {  	v10 =	vld [tilespmem:s24+$0x2030]  }
0xf8: {  	v11 =	vld [tilespmem:s24+$0x2040]  }
0xf9: {  	v12 =	vld [tilespmem:s24+$0x2050]  }
0xfa: {  	v13 =	vld [tilespmem:s24+$0x2060]  }
0xfb: {  	v14 =	vld [tilespmem:s24+$0x2070]  }
0xfc: {  	v15 =	vld [tilespmem:s24+$0x2400]  }
0xfd: {  	v16 =	vld [tilespmem:s24+$0x2410]  }
0xfe: {  	v17 =	vld [tilespmem:s24+$0x2420]  }
0xff: {  	v18 =	vld [tilespmem:s24+$0x2430]  }
0x100: {  	v6 =	vld [tilespmem:s24+$0x2440]  }
0x101: {  	v5 =	vld [tilespmem:s24+$0x2450]  }
0x102: {  	v4 =	vld [tilespmem:s24+$0x2460]  }
0x103: {  	v19 =	vld [tilespmem:s24+$0x6000]  }
0x104: {  	v20 =	vld [tilespmem:s24+$0xA000]  }
0x105: {  	v21 =	vld [tilespmem:s24+$0x6010]  }
0x106: {  	v23 =	vld [tilespmem:s24+$0xA010]  }
0x107: {  	v24 =	vld [tilespmem:s24+$0x6020];
	v22 =	vmul.f32 v7, v1;
	v7 =	vmul.f32 v7, v2  }
0x108: {  	v52 =	vld [tilespmem:s24+$0xA020]  }
0x109: {  	v54 =	vld [tilespmem:s24+$0xA030];
	v53 =	vmul.f32 v8, v1;
	v8 =	vmul.f32 v8, v2;
	v7 =	vadd.f32 v20, v7  }
0x10a: {  	v25 =	vld [tilespmem:s24+$0x6030];
	v19 =	vadd.f32 v22, v19  }
0x10b: {  	v55 =	vmul.f32 v9, v1;
	v9 =	vmul.f32 v9, v2;
	v8 =	vadd.f32 v23, v8;
	[tilespmem:s24+$0xA000] =	vst v7;
	v7 =	vld [tilespmem:s24+$0x6040]  }
0x10c: {  	v56 =	vld [tilespmem:s24+$0xA040];
	v57 =	vmul.f32 v10, v1;
	v10 =	vmul.f32 v10, v2;
	v20 =	vadd.f32 v53, v21;
	[tilespmem:s24+$0x6000] =	vst v19  }
0x10d: {  	v9 =	vadd.f32 v52, v9;
	[tilespmem:s24+$0xA010] =	vst v8;
	v8 =	vld [tilespmem:s24+$0x6050]  }
0x10e: {  	v58 =	vld [tilespmem:s24+$0xA050];
	v60 =	vmul.f32 v11, v1;
	v10 =	vadd.f32 v54, v10;
	[tilespmem:s24+$0x6010] =	vst v20  }
0x10f: {  	v11 =	vmul.f32 v11, v2;
	v21 =	vadd.f32 v55, v24;
	[tilespmem:s24+$0xA020] =	vst v9;
	v9 =	vld [tilespmem:s24+$0x6060]  }
0x110: {  	v61 =	vld [tilespmem:s24+$0xA060];
	[tilespmem:s24+$0xA030] =	vst v10;
	v10 =	vmul.f32 v12, v1;
	v7 =	vadd.f32 v60, v7  }
0x111: {  	v62 =	vld [tilespmem:s24+$0x6070];
	v11 =	vadd.f32 v56, v11;
	[tilespmem:s24+$0x6020] =	vst v21;
	v12 =	vmul.f32 v12, v2  }
0x112: {  	[tilespmem:s24+$0x6040] =	vst v7;
	v7 =	vadd.f32 v10, v8;
	v8 =	vmul.f32 v13, v1;
	v10 =	vld [tilespmem:s24+$0xA070]  }
0x113: {  	[tilespmem:s24+$0xA040] =	vst v11;
	v11 =	vadd.f32 v58, v12;
	v12 =	vmul.f32 v13, v2;
	v13 =	vld [tilespmem:s24+$0x6400]  }
0x114: {  	[tilespmem:s24+$0x6050] =	vst v7;
	v7 =	vadd.f32 v8, v9;
	v8 =	vmul.f32 v14, v1;
	v9 =	vld [tilespmem:s24+$0xA400]  }
0x115: {  	[tilespmem:s24+$0xA050] =	vst v11;
	v11 =	vadd.f32 v61, v12;
	v12 =	vmul.f32 v14, v2;
	v14 =	vld [tilespmem:s24+$0x6410]  }
0x116: {  	v3 =	vld [tilespmem:s24+$0x2470];
	[tilespmem:s24+$0x6060] =	vst v7;
	v7 =	vadd.f32 v8, v62;
	v8 =	vmul.f32 v15, v1  }
0x117: {  	v63 =	vld [tilespmem:s24+$0xA410];
	v59 =	vadd.f32 v57, v25;
	[tilespmem:s24+$0xA060] =	vst v11;
	v11 =	vmul.f32 v16, v1  }
0x118: {  	v10 =	vadd.f32 v10, v12;
	v12 =	vld [tilespmem:s24+$0x6420];
	[tilespmem:s24+$0x6070] =	vst v7;
	v7 =	vmul.f32 v15, v2;
	v8 =	vadd.f32 v8, v13  }
0x119: {  	[tilespmem:s24+$0x6030] =	vst v59;
	v13 =	vld [tilespmem:s24+$0xA420]  }
0x11a: {  	v15 =	vld [tilespmem:s24+$0x6430];
	v7 =	vadd.f32 v9, v7;
	[tilespmem:s24+$0x6400] =	vst v8;
	v8 =	vmul.f32 v16, v2;
	v9 =	vadd.f32 v11, v14  }
0x11b: {  	[tilespmem:s24+$0xA070] =	vst v10;
	v10 =	vld [tilespmem:s24+$0xA430];
	v14 =	vmul.f32 v17, v1  }
0x11c: {  	v11 =	vld [tilespmem:s24+$0x6440];
	v8 =	vadd.f32 v63, v8;
	[tilespmem:s24+$0x6410] =	vst v9;
	v9 =	vmul.f32 v17, v2  }
0x11d: {  	v16 =	vmul.f32 v18, v1;
	[tilespmem:s24+$0xA400] =	vst v7;
	v7 =	vld [tilespmem:s24+$0xA440];
	v12 =	vadd.f32 v14, v12  }
0x11e: {  	v14 =	vmul.f32 v18, v2;
	[tilespmem:s24+$0xA410] =	vst v8;
	v8 =	vld [tilespmem:s24+$0x6450];
	v13 =	vadd.f32 v13, v9  }
0x11f: {  	s26 =	simm.s32 $0x100;
	v15 =	vadd.f32 v16, v15;
	[tilespmem:s24+$0x6420] =	vst v12;
	v12 =	vmul.f32 v6, v1;
	v9 =	vld [tilespmem:s24+$0xA450]  }
.LBB2_7:
0x120: {  	p1 =	sne.s32 s26, $0x1F00;
	[tilespmem:s24+$0xA420] =	vst v13;
	v10 =	vadd.f32 v10, v14;
	v6 =	vmul.f32 v6, v2;
	v13 =	vld [tilespmem:s24+$0x6460]  }
0x121: {  	s25 =	sadd.s32 $0x80, s25;
	[tilespmem:s24+$0x6430] =	vst v15;
	v11 =	vadd.f32 v12, v11;
	v12 =	vmul.f32 v5, v1;
	v14 =	vld [tilespmem:s24+$0xA460]  }
0x122: {  	s28 =	sand.u32 $0x1800, s26;
	s29 =	sand.u32 $0x380, s25;
	v5 =	vmul.f32 v5, v2;
	[tilespmem:s24+$0xA430] =	vst v10;
	v6 =	vadd.f32 v7, v6;
	v7 =	vld [tilespmem:s24+$0x6470]  }
0x123: {  	s28 =	sor.u32 s29, s28;
	v10 =	vmul.f32 v4, v1;
	[tilespmem:s24+$0x6440] =	vst v11;
	v8 =	vadd.f32 v12, v8;
	v11 =	vld [tilespmem:s24+$0xA470]  }
0x124: {  	v4 =	vmul.f32 v4, v2;
	v12 =	vld [tilespmem:s28+$0x2000];
	[tilespmem:s24+$0xA440] =	vst v6;
	v5 =	vadd.f32 v9, v5  }
0x125: {  	v9 =	vld [tilespmem:s28+$0x2010];
	[tilespmem:s24+$0x6450] =	vst v8;
	v6 =	vadd.f32 v10, v13;
	v8 =	vmul.f32 v3, v1  }
0x126: {  	v3 =	vmul.f32 v3, v2;
	v10 =	vld [tilespmem:s28+$0x2020];
	[tilespmem:s24+$0xA450] =	vst v5;
	v4 =	vadd.f32 v14, v4  }
0x127: {  	v13 =	vld [tilespmem:s28+$0x2030];
	[tilespmem:s24+$0x6460] =	vst v6;
	v5 =	vadd.f32 v8, v7  }
0x128: {  	v7 =	vld [tilespmem:s28+$0x2040];
	[tilespmem:s24+$0xA460] =	vst v4;
	v3 =	vadd.f32 v11, v3  }
0x129: {  	v8 =	vld [tilespmem:s28+$0x2050];
	[tilespmem:s24+$0x6470] =	vst v5  }
0x12a: {  	v11 =	vld [tilespmem:s28+$0x2060];
	[tilespmem:s24+$0xA470] =	vst v3;
	s24 =	smov.u32 s28  }
0x12b: {  	v14 =	vld [tilespmem:s24+$0x2070]  }
0x12c: {  	v15 =	vld [tilespmem:s24+$0x2400]  }
0x12d: {  	v16 =	vld [tilespmem:s24+$0x2410]  }
0x12e: {  	v17 =	vld [tilespmem:s24+$0x2420]  }
0x12f: {  	v18 =	vld [tilespmem:s24+$0x2430]  }
0x130: {  	v6 =	vld [tilespmem:s24+$0x2440]  }
0x131: {  	v5 =	vld [tilespmem:s24+$0x2450]  }
0x132: {  	v4 =	vld [tilespmem:s24+$0x2460]  }
0x133: {  	v3 =	vld [tilespmem:s24+$0x2470]  }
0x134: {  	v19 =	vld [tilespmem:s24+$0x6000]  }
0x135: {  	v20 =	vld [tilespmem:s24+$0xA000]  }
0x136: {  	v21 =	vld [tilespmem:s24+$0x6010]  }
0x137: {  	v22 =	vmul.f32 v12, v1;
	v23 =	vld [tilespmem:s24+$0xA010]  }
0x138: {  	v12 =	vmul.f32 v12, v2;
	v24 =	vld [tilespmem:s24+$0x6020]  }
0x139: {  	v19 =	vadd.f32 v22, v19;
	v22 =	vmul.f32 v9, v1;
	v25 =	vld [tilespmem:s24+$0xA020]  }
0x13a: {  	v9 =	vmul.f32 v9, v2;
	v12 =	vadd.f32 v20, v12;
	v20 =	vld [tilespmem:s24+$0x6030]  }
0x13b: {  	[tilespmem:s24+$0x6000] =	vst v19;
	v19 =	vadd.f32 v22, v21;
	v21 =	vmul.f32 v10, v1;
	v22 =	vld [tilespmem:s24+$0xA030]  }
0x13c: {  	v10 =	vmul.f32 v10, v2;
	[tilespmem:s24+$0xA000] =	vst v12;
	v9 =	vadd.f32 v23, v9;
	v12 =	vld [tilespmem:s24+$0x6040]  }
0x13d: {  	[tilespmem:s24+$0x6010] =	vst v19;
	v19 =	vadd.f32 v21, v24;
	v21 =	vmul.f32 v13, v1;
	v23 =	vld [tilespmem:s24+$0xA040]  }
0x13e: {  	[tilespmem:s24+$0xA010] =	vst v9;
	v9 =	vadd.f32 v25, v10;
	v10 =	vmul.f32 v13, v2;
	v13 =	vld [tilespmem:s24+$0x6050]  }
0x13f: {  	[tilespmem:s24+$0x6020] =	vst v19;
	v19 =	vadd.f32 v21, v20;
	v20 =	vmul.f32 v7, v1;
	v21 =	vld [tilespmem:s24+$0xA050]  }
0x140: {  	v7 =	vmul.f32 v7, v2;
	[tilespmem:s24+$0xA020] =	vst v9;
	v9 =	vadd.f32 v22, v10;
	v10 =	vld [tilespmem:s24+$0x6060]  }
0x141: {  	[tilespmem:s24+$0x6030] =	vst v19;
	v12 =	vadd.f32 v20, v12;
	v19 =	vmul.f32 v8, v1;
	v20 =	vld [tilespmem:s24+$0xA060]  }
0x142: {  	v8 =	vmul.f32 v8, v2;
	[tilespmem:s24+$0xA030] =	vst v9;
	v7 =	vadd.f32 v23, v7;
	v9 =	vld [tilespmem:s24+$0x6070]  }
0x143: {  	[tilespmem:s24+$0x6040] =	vst v12;
	v12 =	vadd.f32 v19, v13;
	v13 =	vmul.f32 v11, v1;
	v19 =	vld [tilespmem:s24+$0xA070]  }
0x144: {  	[tilespmem:s24+$0xA040] =	vst v7;
	v7 =	vadd.f32 v21, v8;
	v8 =	vmul.f32 v11, v2;
	v11 =	vld [tilespmem:s24+$0x6400]  }
0x145: {  	[tilespmem:s24+$0x6050] =	vst v12;
	v10 =	vadd.f32 v13, v10;
	v12 =	vmul.f32 v14, v1;
	v13 =	vld [tilespmem:s24+$0xA400]  }
0x146: {  	[tilespmem:s24+$0xA050] =	vst v7;
	v7 =	vadd.f32 v20, v8;
	v8 =	vmul.f32 v14, v2;
	v14 =	vld [tilespmem:s24+$0x6410]  }
0x147: {  	[tilespmem:s24+$0x6060] =	vst v10;
	v9 =	vadd.f32 v12, v9;
	v10 =	vmul.f32 v15, v1;
	v12 =	vld [tilespmem:s24+$0xA410]  }
0x148: {  	[tilespmem:s24+$0xA060] =	vst v7;
	v7 =	vadd.f32 v19, v8;
	v8 =	vmul.f32 v15, v2;
	v15 =	vld [tilespmem:s24+$0x6420]  }
0x149: {  	[tilespmem:s24+$0x6070] =	vst v9;
	v9 =	vadd.f32 v10, v11;
	v10 =	vmul.f32 v16, v1;
	v19 =	vld [tilespmem:s24+$0xA420]  }
0x14a: {  	[tilespmem:s24+$0xA070] =	vst v7;
	v7 =	vadd.f32 v13, v8;
	v8 =	vmul.f32 v16, v2;
	v16 =	vld [tilespmem:s24+$0x6430]  }
.Ltmp4:
0x14b: {  	v13 =	vmul.f32 v17, v1;
	[tilespmem:s24+$0x6400] =	vst v9;
	v9 =	vadd.f32 v10, v14;
	v10 =	vld [tilespmem:s24+$0xA430];
	(pc) =	sbr.rel @p1 .LBB2_7-.Ltmp4, $4  }
0x14c: {  	[tilespmem:s24+$0xA400] =	vst v7;
	v8 =	vadd.f32 v12, v8;
	v12 =	vmul.f32 v17, v2;
	v11 =	vld [tilespmem:s24+$0x6440]  }
0x14d: {  	[tilespmem:s24+$0x6410] =	vst v9;
	v9 =	vadd.f32 v13, v15;
	v15 =	vmul.f32 v18, v1;
	v7 =	vld [tilespmem:s24+$0xA440]  }
0x14e: {  	v14 =	vmul.f32 v18, v2;
	[tilespmem:s24+$0xA410] =	vst v8;
	v13 =	vadd.f32 v19, v12;
	v8 =	vld [tilespmem:s24+$0x6450]  }
0x14f: {  	s26 =	sadd.s32 $0x100, s26;
	v12 =	vmul.f32 v6, v1;
	[tilespmem:s24+$0x6420] =	vst v9;
	v15 =	vadd.f32 v15, v16;
	v9 =	vld [tilespmem:s24+$0xA450]  }
0x150: {  	[tilespmem:s24+$0xA420] =	vst v13;
	v54 =	vld [tilespmem:s24+$0x6460];
	v10 =	vadd.f32 v10, v14;
	v6 =	vmul.f32 v6, v2  }
0x151: {  	v55 =	vld [tilespmem:s24+$0xA460];
	v56 =	vmul.f32 v5, v1;
	[tilespmem:s24+$0x6430] =	vst v15;
	v11 =	vadd.f32 v12, v11  }
0x152: {  	v57 =	vld [tilespmem:s24+$0x6470];
	v58 =	vmul.f32 v5, v2;
	[tilespmem:s24+$0xA430] =	vst v10;
	v6 =	vadd.f32 v7, v6  }
0x153: {  	v60 =	vmul.f32 v4, v1;
	v61 =	vld [tilespmem:s24+$0xA470];
	[tilespmem:s24+$0x6440] =	vst v11;
	v59 =	vadd.f32 v56, v8  }
0x154: {  	v62 =	vmul.f32 v4, v2;
	[tilespmem:s24+$0xA440] =	vst v6;
	v5 =	vadd.f32 v9, v58  }
0x155: {  	v1 =	vmul.f32 v3, v1;
	[tilespmem:s24+$0x6450] =	vst v59;
	v63 =	vadd.f32 v60, v54  }
.Ltmp5:
0x156: {  	v2 =	vmul.f32 v3, v2;
	v4 =	vadd.f32 v55, v62;
	[tilespmem:s24+$0xA450] =	vst v5;
	(pc) =	sbr.rel @p0 .LBB2_10-.Ltmp5, $4  }
0x157: {  	v1 =	vadd.f32 v1, v57;
	[tilespmem:s24+$0x6460] =	vst v63  }
0x158: {  	v2 =	vadd.f32 v61, v2;
	[tilespmem:s24+$0xA460] =	vst v4  }
0x159: {  	[tilespmem:s24+$0x6470] =	vst v1  }
0x15a: {  	[tilespmem:s24+$0xA470] =	vst v2  }
0x15b: {  	s24 =	sadd.s32 s23, s10  }
.Ltmp6:
0x15c: {  	s24 =	sshll.u32 s24, $0xE;
	(pc) =	sbr.rel .LBB2_4-.Ltmp6, $4  }
0x15d: {  	s24 =	sadd.s32 s4, s24  }
0x15e: {  	s24 =	sshrl.u32 s24, $0x3  }
0x15f: {  	s23 =	sadd.s32 $0x1, s23;
	s24 =	sadd.s32 s24, s6  }
0x160: {  	[tilespmem:s16], [sflag:$0x2] =	stream.linear.gather [hbm4b:s24+s3], $0x2000, $0x38;
	[tilespmem:$0x10000] =	vst v63  }
.LBB2_11:
0x161: {  	_ =	sfence.sel $0x180000  }
0x162: {  	[bflag:$0x0] =	sbarrier.arrive $0xFFFF  }
0x163: {  	p0 =	sne.s32 s0, $0x0;
	_ =	strace $0x90000047  }
0x164: {  	s0 =	sadd.s32 @!p0 $0x100000, s1;
	[bflag:$0x2] =	sbarrier.arrive $0xFFFF  }
0x165: {  	[sflag:s0] =	ssyncadd.tile.s32 @!p0 $0x1;
	_ =	shalt  }
.Lfunc_end2:
_tile_overlayer_lowered:
.L_overlay_start_2:
0x166: {  	(tag) =	ssettag $0x2  }
0x167: {  	s0 =	rddreg [dreg:$0x0];
	s2 =	stileid.u32  }
0x168: {  	s1 =	rddreg [dreg:$0x1];
	p0 =	sne.s32 s2, $0x0  }
0x169: {  	s3 =	rddreg [dreg:$0x2];
	[bflag:$0x3] =	sbarrier.arrive $0xFFFF;
	s2 =	simm.s32 @!p0 $0x1C03  }
0x16a: {  	[timem:s3], [sflag:s2] =	dma.local @!p0 [hbm:s0], s1  }
0x16b: {  	s0 =	simm.s32 @!p0 $0x3  }
0x16c: {  	_ =	swait.ge @!p0 [sflag:s0], s1  }
0x16d: {  	s1 =	ssub.s32 @!p0 $0x0, s1;
	[sflag:s0] =	ssyncset.done @!p0 $0x0  }
0x16e: {  	[sflag:s0] =	ssyncadd.s32 @!p0 s1  }
0x16f: {  	[bflag:$0x3] =	sbarrier.arrive $0xFFFF  }
0x170: {  	_ =	shalt  }

</sc_bundles>
